<compile_context>
chip_gen: v7x
topology: tpu7x:2x2x1
jax: 0.10.2.dev20260603
libtpu: 0.0.44.dev20260713+nightly
codegen_flags: <defaults>
</compile_context>

<pallas_src>
import functools

import jax
import jax.numpy as jnp
from jax import lax
from jax.experimental import pallas as pl
from jax.experimental.pallas import tpu as pltpu
from jax.experimental.pallas import tpu_sc as plsc

N = 10000
E = 160000
D = 256
HALF = 128
CP = 16
NC = 2
NS = 16
NT = NC * NS
LANES = 16

RPT = N // NS
CHUNK = 50
NPH = 4
CHUNK5 = 625
E_T1 = E // NT
C1 = E_T1 // CHUNK5
E_T3 = E // NS
C3 = E_T3 // CHUNK
PH = C3 // NPH
RB = 1000
NR = N // RB

_mesh = plsc.VectorSubcoreMesh(
    core_axis_name="c", subcore_axis_name="s", num_cores=NC, num_subcores=NS
)


def _deg_body(dst_hbm, out_hbm, dstv, degv, isem):
    c = lax.axis_index("c")
    s = lax.axis_index("s")
    wid = s * NC + c

    pltpu.async_copy(dst_hbm.at[pl.ds(wid * E_T1, E_T1)], dstv, isem)
    zer = jnp.zeros((LANES,), jnp.float32)

    def zero(i, carry):
        degv[pl.ds(i * LANES, LANES)] = zer
        return carry

    lax.fori_loop(0, N // LANES, zero, 0)

    pltpu.make_async_copy(
        dst_hbm.at[pl.ds(wid * E_T1, E_T1)], dstv, isem).wait()

    ones = jnp.ones((LANES,), jnp.float32)

    def acc(i, carry):
        idx = dstv[pl.ds(i * LANES, LANES)]
        plsc.addupdate_scatter(degv, [idx], ones)
        return carry

    lax.fori_loop(0, E_T1 // LANES, acc, 0)
    pltpu.sync_copy(degv, out_hbm.at[wid])


_deg_kernel = functools.partial(
    pl.kernel,
    out_type=jax.ShapeDtypeStruct((NT, N), jnp.float32),
    mesh=_mesh,
    scratch_types=[
        pltpu.VMEM((E_T1,), jnp.int32),
        pltpu.VMEM((N,), jnp.float32),
        pltpu.SemaphoreType.DMA,
    ],
    compiler_params=pltpu.CompilerParams(needs_layout_passes=False),
)(_deg_body)


def _mm1_body(x_ref, w1_ref, degt_ref, hs_ref):
    deg = jnp.sum(degt_ref[...], axis=1, keepdims=True) + 1.0
    dinv = lax.rsqrt(deg)
    x = x_ref[...]
    w1 = w1_ref[...]
    hs_ref[0] = jnp.dot(x, w1[:, :HALF],
                        preferred_element_type=jnp.float32) * dinv
    hs_ref[1] = jnp.dot(x, w1[:, HALF:],
                        preferred_element_type=jnp.float32) * dinv


def _mm1(x, w1, degt):
    return pl.pallas_call(
        _mm1_body,
        grid=(NR,),
        in_specs=[
            pl.BlockSpec((RB, D), lambda r: (r, 0)),
            pl.BlockSpec((D, D), lambda r: (0, 0)),
            pl.BlockSpec((RB, NT), lambda r: (r, 0)),
        ],
        out_specs=pl.BlockSpec((NC, RB, HALF), lambda r: (0, r, 0)),
        out_shape=jax.ShapeDtypeStruct((NC, N, HALF), jnp.float32),
    )(x, w1, degt)


def _gs_pipeline(rows_hbm, srcv, dstv, bufs, acc, gsems, ssems, nchunks):
    nb = len(bufs)
    for k in range(nb):
        pltpu.async_copy(rows_hbm.at[srcv.at[k]], bufs[k], gsems[k])

    def step(jj, carry):
        j = nb * jj
        for k in range(nb):
            pltpu.make_async_copy(
                rows_hbm.at[srcv.at[j + k]], bufs[k], gsems[k]).wait()
            pltpu.async_copy(bufs[k], acc.at[dstv.at[j + k]], ssems[k],
                             add=True)

        @pl.when(jj < nchunks // nb - 1)
        def _():
            for k in range(nb):
                pltpu.make_async_copy(
                    bufs[k], acc.at[dstv.at[j + k]], ssems[k]).wait()
                pltpu.async_copy(
                    rows_hbm.at[srcv.at[j + nb + k]], bufs[k], gsems[k])

        return carry

    lax.fori_loop(0, nchunks // nb, step, 0)
    for k in range(nb):
        pltpu.make_async_copy(
            bufs[k], acc.at[dstv.at[nchunks - nb + k]], ssems[k]).wait()


def _mp1_body(hs_hbm, src_hbm, dst_hbm, out_hbm, sv0, sv1, dv0, dv1, b0,
              b1, b2, b3, b4, acc, isem0, isem1, gsem0, gsem1, gsem2,
              gsem3, gsem4, ssem0, ssem1, ssem2, ssem3, ssem4):
    c = lax.axis_index("c")
    s = lax.axis_index("s")
    svs, dvs, isems = [sv0, sv1], [dv0, dv1], [isem0, isem1]
    bufs = [b0, b1, b2, b3, b4]
    gsems = [gsem0, gsem1, gsem2, gsem3, gsem4]
    ssems = [ssem0, ssem1, ssem2, ssem3, ssem4]

    pltpu.async_copy(src_hbm.at[c, s, 0], sv0, isem0)
    pltpu.async_copy(dst_hbm.at[s, 0], dv0, isem0)
    pltpu.sync_copy(
        hs_hbm.at[pl.ds(c * N + s * RPT, RPT)], acc.at[pl.ds(s * RPT, RPT)]
    )
    pltpu.make_async_copy(src_hbm.at[c, s, 0], sv0, isem0).wait()
    pltpu.make_async_copy(dst_hbm.at[s, 0], dv0, isem0).wait()
    plsc.subcore_barrier()

    for ph in range(NPH):
        if ph + 1 < NPH:
            nxt = (ph + 1) % 2
            pltpu.async_copy(src_hbm.at[c, s, ph + 1], svs[nxt], isems[nxt])
            pltpu.async_copy(dst_hbm.at[s, ph + 1], dvs[nxt], isems[nxt])
        _gs_pipeline(hs_hbm, svs[ph % 2], dvs[ph % 2], bufs, acc, gsems,
                     ssems, PH)
        if ph + 1 < NPH:
            nxt = (ph + 1) % 2
            pltpu.make_async_copy(
                src_hbm.at[c, s, ph + 1], svs[nxt], isems[nxt]).wait()
            pltpu.make_async_copy(
                dst_hbm.at[s, ph + 1], dvs[nxt], isems[nxt]).wait()

    plsc.subcore_barrier()
    pltpu.sync_copy(
        acc.at[pl.ds(s * RPT, RPT)], out_hbm.at[pl.ds(c * N + s * RPT, RPT)]
    )


_mp1_kernel = functools.partial(
    pl.kernel,
    out_type=jax.ShapeDtypeStruct((NC * N, HALF), jnp.float32),
    mesh=_mesh,
    scratch_types=(
        [pltpu.VMEM((PH, CHUNK), jnp.int32)] * 4
        + [pltpu.VMEM((CHUNK, HALF), jnp.float32)] * 5
        + [pltpu.VMEM_SHARED((N, HALF), jnp.float32)]
        + [pltpu.SemaphoreType.DMA] * 12
    ),
    compiler_params=pltpu.CompilerParams(use_tc_tiling_on_sc=False),
)(_mp1_body)


def _mm2_body(s1_ref, degt_ref, b1_ref, w2_ref, y_ref):
    deg = jnp.sum(degt_ref[...], axis=1, keepdims=True) + 1.0
    dinv = lax.rsqrt(deg)
    s1 = s1_ref[...]
    b1 = b1_ref[...]
    w2 = w2_ref[...]
    ha = jnp.maximum(s1[0] * dinv + b1[0], 0.0)
    hb = jnp.maximum(s1[1] * dinv + b1[1], 0.0)
    y = jnp.dot(ha, w2[0], preferred_element_type=jnp.float32)
    y = y + jnp.dot(hb, w2[1], preferred_element_type=jnp.float32)
    y_ref[...] = y * dinv


def _mm2(s1, degt, b1r, w2r):
    return pl.pallas_call(
        _mm2_body,
        grid=(NR,),
        in_specs=[
            pl.BlockSpec((NC, RB, HALF), lambda r: (0, r, 0)),
            pl.BlockSpec((RB, NT), lambda r: (r, 0)),
            pl.BlockSpec((NC, 1, HALF), lambda r: (0, 0, 0)),
            pl.BlockSpec((NC, HALF, CP), lambda r: (0, 0, 0)),
        ],
        out_specs=pl.BlockSpec((RB, CP), lambda r: (r, 0)),
        out_shape=jax.ShapeDtypeStruct((N, CP), jnp.float32),
    )(s1, degt, b1r, w2r)


def _mp2_body(y_hbm, src_hbm, dst_hbm, out_hbm, srcv, dstv, b0, b1, acc,
              gsem0, gsem1, ssem0, ssem1):
    c = lax.axis_index("c")
    s = lax.axis_index("s")
    wid = s * NC + c

    pltpu.async_copy(src_hbm.at[wid], srcv, gsem0)
    pltpu.async_copy(dst_hbm.at[wid], dstv, gsem1)

    zer = jnp.zeros((LANES,), jnp.float32)

    def zero(i, carry):
        b0[i] = zer
        return carry

    lax.fori_loop(0, CHUNK5, zero, 0)
    full, rem = divmod(RPT, CHUNK5)
    for k in range(full):
        pltpu.sync_copy(b0, acc.at[pl.ds(s * RPT + k * CHUNK5, CHUNK5)])
    if rem:
        pltpu.sync_copy(
            b0.at[pl.ds(0, rem)],
            acc.at[pl.ds(s * RPT + full * CHUNK5, rem)],
        )
    pltpu.make_async_copy(src_hbm.at[wid], srcv, gsem0).wait()
    pltpu.make_async_copy(dst_hbm.at[wid], dstv, gsem1).wait()
    plsc.subcore_barrier()
    _gs_pipeline(y_hbm, srcv, dstv, [b0, b1], acc, [gsem0, gsem1],
                 [ssem0, ssem1], C1)
    plsc.subcore_barrier()
    pltpu.sync_copy(
        acc.at[pl.ds(s * RPT, RPT)], out_hbm.at[c, pl.ds(s * RPT, RPT)]
    )


_mp2_kernel = functools.partial(
    pl.kernel,
    out_type=jax.ShapeDtypeStruct((NC, N, CP), jnp.float32),
    mesh=_mesh,
    scratch_types=[
        pltpu.VMEM((C1, CHUNK5), jnp.int32),
        pltpu.VMEM((C1, CHUNK5), jnp.int32),
        pltpu.VMEM((CHUNK5, CP), jnp.float32),
        pltpu.VMEM((CHUNK5, CP), jnp.float32),
        pltpu.VMEM_SHARED((N, CP), jnp.float32),
        pltpu.SemaphoreType.DMA,
        pltpu.SemaphoreType.DMA,
        pltpu.SemaphoreType.DMA,
        pltpu.SemaphoreType.DMA,
    ],
    compiler_params=pltpu.CompilerParams(use_tc_tiling_on_sc=False),
)(_mp2_body)


def _lsm_body(p_ref, y_ref, degt_ref, b2_ref, out_ref):
    deg = jnp.sum(degt_ref[...], axis=1, keepdims=True) + 1.0
    dinv = lax.rsqrt(deg)
    p = p_ref[...]
    tot = p[0] + p[1] + y_ref[...]
    logits = tot * dinv + b2_ref[...]
    col = lax.broadcasted_iota(jnp.int32, logits.shape, 1)
    valid = col < 7
    masked = jnp.where(valid, logits, -1e30)
    m = jnp.max(masked, axis=1, keepdims=True)
    z = logits - m
    e = jnp.where(valid, jnp.exp(z), 0.0)
    ssum = jnp.sum(e, axis=1, keepdims=True)
    out_ref[...] = (z - jnp.log(ssum))[:, :7]


def _lsm(p, y, degt, b2r):
    return pl.pallas_call(
        _lsm_body,
        grid=(NR,),
        in_specs=[
            pl.BlockSpec((NC, RB, CP), lambda r: (0, r, 0)),
            pl.BlockSpec((RB, CP), lambda r: (r, 0)),
            pl.BlockSpec((RB, NT), lambda r: (r, 0)),
            pl.BlockSpec((1, CP), lambda r: (0, 0)),
        ],
        out_specs=pl.BlockSpec((RB, 7), lambda r: (r, 0)),
        out_shape=jax.ShapeDtypeStruct((N, 7), jnp.float32),
    )(p, y, degt, b2r)


def kernel(x, edge_index, W1, b1, W2, b2):
    ei = edge_index.astype(jnp.int32)
    src = ei[0]
    dst = ei[1]

    src2 = jnp.stack([src, src + N]).reshape(NC, NS, NPH, PH, CHUNK)
    dst3 = dst.reshape(NS, NPH, PH, CHUNK)
    srcw = src.reshape(NT, C1, CHUNK5)
    dstw = dst.reshape(NT, C1, CHUNK5)

    w2p = jnp.pad(W2, ((0, 0), (0, CP - W2.shape[1]))).reshape(NC, HALF, CP)
    b1r = b1.reshape(NC, 1, HALF)
    b2r = jnp.pad(b2, (0, CP - b2.shape[0])).reshape(1, CP)

    degp = _deg_kernel(dst)
    degt = degp.T

    hs = _mm1(x, W1, degt)
    s1 = _mp1_kernel(hs.reshape(NC * N, HALF), src2, dst3)
    y2s = _mm2(s1.reshape(NC, N, HALF), degt, b1r, w2p)
    p = _mp2_kernel(y2s, srcw, dstw)
    return _lsm(p, y2s, degt, b2r)

# --- scband reference (transcript-rebuilt; emitter-appended) ---
"""Pipeline reference for scband-gcn-cora-14740327760224 (READ-ONLY COPY).

The authoritative reference and input builder live on the scoring server;
editing this copy changes nothing except your own understanding.
"""

import jax, jax.numpy as jnp
import numpy as np

N_NODES = 10000
N_EDGES = 160000
D_IN = 256
D_HID = 256
N_CLS = 7


def gcn_conv(x, edge_index, W, b):
    # Faithful PyG-style GCNConv: linear -> add self-loops -> sym-norm -> scatter-add -> bias
    N = x.shape[0]
    x = x @ W
    src = edge_index[0]
    dst = edge_index[1]
    loop = jnp.arange(N, dtype=edge_index.dtype)
    src = jnp.concatenate([src, loop])
    dst = jnp.concatenate([dst, loop])
    deg = jnp.zeros((N,), dtype=x.dtype).at[dst].add(1.0)
    dinv = jnp.where(deg > 0, deg ** -0.5, 0.0)
    norm = dinv[src] * dinv[dst]
    msg = x[src] * norm[:, None]
    out = jnp.zeros((N, x.shape[1]), dtype=x.dtype).at[dst].add(msg)
    return out + b


def setup_inputs(seed: int = 0) -> dict:
    key = jax.random.key(seed)
    k1, k2, k3 = jax.random.split(key, 3)
    x = jax.random.normal(k1, (N_NODES, D_IN), dtype=jnp.float32)
    edge_index = jax.random.randint(k2, (2, N_EDGES), 0, N_NODES, dtype=jnp.int64)
    kw1, kw2 = jax.random.split(k3)
    # Glorot-style init for GCN weights
    W1 = jax.random.normal(kw1, (D_IN, D_HID), dtype=jnp.float32) * (2.0 / (D_IN + D_HID)) ** 0.5
    b1 = jnp.zeros((D_HID,), dtype=jnp.float32)
    W2 = jax.random.normal(kw2, (D_HID, N_CLS), dtype=jnp.float32) * (2.0 / (D_HID + N_CLS)) ** 0.5
    b2 = jnp.zeros((N_CLS,), dtype=jnp.float32)
    return {"x": x, "edge_index": edge_index, "W1": W1, "b1": b1, "W2": W2, "b2": b2}


def reference(x, edge_index, W1, b1, W2, b2):
    h = gcn_conv(x, edge_index, W1, b1)
    h = jax.nn.relu(h)
    # dropout is identity in eval mode
    h = gcn_conv(h, edge_index, W2, b2)
    return jax.nn.log_softmax(h, axis=1)

if __name__ == "__main__":
    import jax
    _d = setup_inputs()
    print(jax.jit(kernel)(*tuple(_d.values())))

</pallas_src>

<mosaic_0001>
#map = affine_map<(d0, d1) -> (0)>
#map1 = affine_map<(d0, d1) -> (0, 0)>
module attributes {stable_mosaic.version = 14 : i64} {
  func.func @_deg_body(%arg0: i32, %arg1: i32, %arg2: memref<160000xi32, #tpu.memory_space<hbm>>, %arg3: memref<32x10000xf32, #tpu.memory_space<hbm>>, %arg4: memref<5000xi32, #tpu.memory_space<vmem>>, %arg5: memref<10000xf32, #tpu.memory_space<vmem>>, %arg6: memref<!tpu.dma_semaphore, #tpu.memory_space<semaphore_mem>>) attributes {dimension_semantics = [#tpu.dimension_semantics<core_parallel>, #tpu.dimension_semantics<subcore_parallel>], iteration_bounds = array<i64: 2, 16>, scalar_prefetch = 0 : i64, scratch_operands = 3 : i64, tpu.core_type = #tpu.core_type<sc_vector_subcore>, window_params = [{transform_indices = #map}, {transform_indices = #map1}]} {
    %mul3A = arith.constant 2 : i32
    %mul3A_0 = arith.muli %arg1, %mul3A : i32
    %add3A = arith.addi %mul3A_0, %arg0 : i32
    %mul3A_1 = arith.constant 5000 : i32
    %mul3A_2 = arith.muli %add3A, %mul3A_1 : i32
    %dma_start3A = tpu.memref_slice %arg2[%mul3A_2] : memref<160000xi32, #tpu.memory_space<hbm>> -> memref<5000xi32, #tpu.memory_space<hbm>>
    %dma_start3A_3 = tpu.memref_slice %arg2[%mul3A_2] : memref<160000xi32, #tpu.memory_space<hbm>> -> memref<5000xi32, #tpu.memory_space<hbm>>
    tpu.enqueue_dma source(%dma_start3A_3 : memref<5000xi32, #tpu.memory_space<hbm>>) target(%arg4 : memref<5000xi32, #tpu.memory_space<vmem>>) target_semaphore(%arg6 : memref<!tpu.dma_semaphore, #tpu.memory_space<semaphore_mem>>)
    %broadcast_in_dim3A = arith.constant 0.000000e+00 : f32
    %broadcast_in_dim3A_4 = vector.broadcast %broadcast_in_dim3A : f32 to vector<16xf32>
    %scan3A = arith.constant 0 : i32
    %scan3A_5 = arith.constant 0 : i32
    %scan3A_6 = arith.constant 625 : i32
    %scan3A_7 = arith.addi %scan3A_5, %scan3A_6 : i32
    %scan3A_8 = arith.constant 1 : i32
    scf.for %scan3A_21 = %scan3A_5 to %scan3A_7 step %scan3A_8  : i32 {
      %mul3A_22 = arith.constant 16 : i32
      %mul3A_23 = arith.muli %scan3A_21, %mul3A_22 : i32
      %swap3A = arith.index_cast %mul3A_23 : i32 to index
      %swap3A_24 = tpu.vector_load %arg5[%swap3A] {strides = array<i32>} : memref<10000xf32, #tpu.memory_space<vmem>>, vector<16xf32>,
      tpu.vector_store %arg5[%swap3A], %broadcast_in_dim3A_4 {strides = array<i32>} : memref<10000xf32, #tpu.memory_space<vmem>>, vector<16xf32>,
    }
    %scan3A_9 = arith.constant 625 : i32
    %mul3A_10 = arith.constant 5000 : i32
    %mul3A_11 = arith.muli %add3A, %mul3A_10 : i32
    %dma_wait3A = tpu.memref_slice %arg2[%mul3A_11] : memref<160000xi32, #tpu.memory_space<hbm>> -> memref<5000xi32, #tpu.memory_space<hbm>>
    %dma_wait3A_12 = tpu.memref_slice %arg2[%mul3A_11] : memref<160000xi32, #tpu.memory_space<hbm>> -> memref<5000xi32, #tpu.memory_space<hbm>>
    tpu.wait_dma2 semaphore(%arg6 : memref<!tpu.dma_semaphore, #tpu.memory_space<semaphore_mem>>) src(%dma_wait3A_12 : memref<5000xi32, #tpu.memory_space<hbm>>) dst(%arg4 : memref<5000xi32, #tpu.memory_space<vmem>>)
    %broadcast_in_dim3A_13 = arith.constant 1.000000e+00 : f32
    %broadcast_in_dim3A_14 = vector.broadcast %broadcast_in_dim3A_13 : f32 to vector<16xf32>
    %scan3A_15 = arith.constant 0 : i32
    %scan3A_16 = arith.constant 0 : i32
    %scan3A_17 = arith.constant 312 : i32
    %scan3A_18 = arith.addi %scan3A_16, %scan3A_17 : i32
    %scan3A_19 = arith.constant 1 : i32
    scf.for %scan3A_21 = %scan3A_16 to %scan3A_18 step %scan3A_19  : i32 {
      %mul3A_22 = arith.constant 16 : i32
      %mul3A_23 = arith.muli %scan3A_21, %mul3A_22 : i32
      %get3A = arith.index_cast %mul3A_23 : i32 to index
      %get3A_24 = tpu.vector_load %arg4[%get3A] {strides = array<i32>} : memref<5000xi32, #tpu.memory_space<vmem>>, vector<16xi32>,
      tpu.vector_store_idx %arg5[%get3A_24], %broadcast_in_dim3A_14 {add = true} : memref<10000xf32, #tpu.memory_space<vmem>>[vector<16xi32>], vector<16xf32>,
    }
    %scan3A_20 = arith.constant 312 : i32
    "tpu.region"() ({
      %run_scoped3A = tpu.sem_alloc : memref<!tpu.dma_semaphore, #tpu.memory_space<semaphore_mem>>
      %dma_start3A_21 = arith.constant 0 : i32
      %dma_start3A_22 = tpu.memref_slice %arg3[%add3A, %dma_start3A_21] : memref<32x10000xf32, #tpu.memory_space<hbm>> -> memref<1x10000xf32, #tpu.memory_space<hbm>>
      %dma_start3A_23 = tpu.memref_squeeze %dma_start3A_22 : memref<1x10000xf32, #tpu.memory_space<hbm>> -> memref<10000xf32, #tpu.memory_space<hbm>>
      %dma_start3A_24 = arith.constant 0 : i32
      %dma_start3A_25 = tpu.memref_slice %arg3[%add3A, %dma_start3A_24] : memref<32x10000xf32, #tpu.memory_space<hbm>> -> memref<1x10000xf32, #tpu.memory_space<hbm>>
      %dma_start3A_26 = tpu.memref_squeeze %dma_start3A_25 : memref<1x10000xf32, #tpu.memory_space<hbm>> -> memref<10000xf32, #tpu.memory_space<hbm>>
      tpu.enqueue_dma source(%arg5 : memref<10000xf32, #tpu.memory_space<vmem>>) target(%dma_start3A_26 : memref<10000xf32, #tpu.memory_space<hbm>>) target_semaphore(%run_scoped3A : memref<!tpu.dma_semaphore, #tpu.memory_space<semaphore_mem>>)
      %dma_wait3A_27 = arith.constant 0 : i32
      %dma_wait3A_28 = tpu.memref_slice %arg3[%add3A, %dma_wait3A_27] : memref<32x10000xf32, #tpu.memory_space<hbm>> -> memref<1x10000xf32, #tpu.memory_space<hbm>>
      %dma_wait3A_29 = tpu.memref_squeeze %dma_wait3A_28 : memref<1x10000xf32, #tpu.memory_space<hbm>> -> memref<10000xf32, #tpu.memory_space<hbm>>
      %dma_wait3A_30 = arith.constant 0 : i32
      %dma_wait3A_31 = tpu.memref_slice %arg3[%add3A, %dma_wait3A_30] : memref<32x10000xf32, #tpu.memory_space<hbm>> -> memref<1x10000xf32, #tpu.memory_space<hbm>>
      %dma_wait3A_32 = tpu.memref_squeeze %dma_wait3A_31 : memref<1x10000xf32, #tpu.memory_space<hbm>> -> memref<10000xf32, #tpu.memory_space<hbm>>
      tpu.wait_dma2 semaphore(%run_scoped3A : memref<!tpu.dma_semaphore, #tpu.memory_space<semaphore_mem>>) src(%arg5 : memref<10000xf32, #tpu.memory_space<vmem>>) dst(%dma_wait3A_32 : memref<10000xf32, #tpu.memory_space<hbm>>)
      tpu.yield
    }) : () -> ()
    return
  }
}

#map = affine_map<(d0, d1) -> (0, 0)>
#map1 = affine_map<(d0, d1) -> (0, 0, 0)>
module attributes {stable_mosaic.version = 14 : i64} {
  func.func @_mp2_body(%arg0: i32, %arg1: i32, %arg2: memref<10000x16xf32, #tpu.memory_space<hbm>>, %arg3: memref<32x8x625xi32, #tpu.memory_space<hbm>>, %arg4: memref<32x8x625xi32, #tpu.memory_space<hbm>>, %arg5: memref<2x10000x16xf32, #tpu.memory_space<hbm>>, %arg6: memref<8x625xi32, #tpu.memory_space<vmem>>, %arg7: memref<8x625xi32, #tpu.memory_space<vmem>>, %arg8: memref<625x16xf32, #tpu.memory_space<vmem>>, %arg9: memref<625x16xf32, #tpu.memory_space<vmem>>, %arg10: memref<10000x16xf32, #tpu.memory_space<vmem_shared>>, %arg11: memref<!tpu.dma_semaphore, #tpu.memory_space<semaphore_mem>>, %arg12: memref<!tpu.dma_semaphore, #tpu.memory_space<semaphore_mem>>, %arg13: memref<!tpu.dma_semaphore, #tpu.memory_space<semaphore_mem>>, %arg14: memref<!tpu.dma_semaphore, #tpu.memory_space<semaphore_mem>>) attributes {dimension_semantics = [#tpu.dimension_semantics<core_parallel>, #tpu.dimension_semantics<subcore_parallel>], iteration_bounds = array<i64: 2, 16>, scalar_prefetch = 0 : i64, scratch_operands = 9 : i64, tpu.core_type = #tpu.core_type<sc_vector_subcore>, window_params = [{transform_indices = #map}, {transform_indices = #map1}, {transform_indices = #map1}, {transform_indices = #map1}]} {
    %mul3A = arith.constant 2 : i32
    %mul3A_0 = arith.muli %arg1, %mul3A : i32
    %add3A = arith.addi %mul3A_0, %arg0 : i32
    %dma_start3A = arith.constant 0 : i32
    %dma_start3A_1 = arith.constant 0 : i32
    %dma_start3A_2 = tpu.memref_slice %arg3[%add3A, %dma_start3A, %dma_start3A_1] : memref<32x8x625xi32, #tpu.memory_space<hbm>> -> memref<1x8x625xi32, #tpu.memory_space<hbm>>
    %dma_start3A_3 = tpu.memref_squeeze %dma_start3A_2 : memref<1x8x625xi32, #tpu.memory_space<hbm>> -> memref<8x625xi32, #tpu.memory_space<hbm>>
    %dma_start3A_4 = arith.constant 0 : i32
    %dma_start3A_5 = arith.constant 0 : i32
    %dma_start3A_6 = tpu.memref_slice %arg3[%add3A, %dma_start3A_4, %dma_start3A_5] : memref<32x8x625xi32, #tpu.memory_space<hbm>> -> memref<1x8x625xi32, #tpu.memory_space<hbm>>
    %dma_start3A_7 = tpu.memref_squeeze %dma_start3A_6 : memref<1x8x625xi32, #tpu.memory_space<hbm>> -> memref<8x625xi32, #tpu.memory_space<hbm>>
    tpu.enqueue_dma source(%dma_start3A_7 : memref<8x625xi32, #tpu.memory_space<hbm>>) target(%arg6 : memref<8x625xi32, #tpu.memory_space<vmem>>) target_semaphore(%arg11 : memref<!tpu.dma_semaphore, #tpu.memory_space<semaphore_mem>>)
    %dma_start3A_8 = arith.constant 0 : i32
    %dma_start3A_9 = arith.constant 0 : i32
    %dma_start3A_10 = tpu.memref_slice %arg4[%add3A, %dma_start3A_8, %dma_start3A_9] : memref<32x8x625xi32, #tpu.memory_space<hbm>> -> memref<1x8x625xi32, #tpu.memory_space<hbm>>
    %dma_start3A_11 = tpu.memref_squeeze %dma_start3A_10 : memref<1x8x625xi32, #tpu.memory_space<hbm>> -> memref<8x625xi32, #tpu.memory_space<hbm>>
    %dma_start3A_12 = arith.constant 0 : i32
    %dma_start3A_13 = arith.constant 0 : i32
    %dma_start3A_14 = tpu.memref_slice %arg4[%add3A, %dma_start3A_12, %dma_start3A_13] : memref<32x8x625xi32, #tpu.memory_space<hbm>> -> memref<1x8x625xi32, #tpu.memory_space<hbm>>
    %dma_start3A_15 = tpu.memref_squeeze %dma_start3A_14 : memref<1x8x625xi32, #tpu.memory_space<hbm>> -> memref<8x625xi32, #tpu.memory_space<hbm>>
    tpu.enqueue_dma source(%dma_start3A_15 : memref<8x625xi32, #tpu.memory_space<hbm>>) target(%arg7 : memref<8x625xi32, #tpu.memory_space<vmem>>) target_semaphore(%arg12 : memref<!tpu.dma_semaphore, #tpu.memory_space<semaphore_mem>>)
    %broadcast_in_dim3A = arith.constant 0.000000e+00 : f32
    %broadcast_in_dim3A_16 = vector.broadcast %broadcast_in_dim3A : f32 to vector<16xf32>
    %scan3A = arith.constant 0 : i32
    %scan3A_17 = arith.constant 0 : i32
    %scan3A_18 = arith.constant 625 : i32
    %scan3A_19 = arith.addi %scan3A_17, %scan3A_18 : i32
    %scan3A_20 = arith.constant 1 : i32
    scf.for %scan3A_80 = %scan3A_17 to %scan3A_19 step %scan3A_20  : i32 {
      %swap3A = arith.index_cast %scan3A_80 : i32 to index
      %swap3A_81 = arith.constant 0 : index
      %swap3A_82 = tpu.vector_load %arg8[%swap3A, %swap3A_81] {strides = array<i32>} : memref<625x16xf32, #tpu.memory_space<vmem>>, vector<1x16xf32>,
      %swap3A_83 = vector.shape_cast %swap3A_82 : vector<1x16xf32> to vector<16xf32>
      %swap3A_84 = vector.shape_cast %broadcast_in_dim3A_16 : vector<16xf32> to vector<1x16xf32>
      tpu.vector_store %arg8[%swap3A, %swap3A_81], %swap3A_84 {strides = array<i32>} : memref<625x16xf32, #tpu.memory_space<vmem>>, vector<1x16xf32>,
    }
    %scan3A_21 = arith.constant 625 : i32
    %mul3A_22 = arith.constant 625 : i32
    %mul3A_23 = arith.muli %arg1, %mul3A_22 : i32
    %add3A_24 = arith.constant 0 : i32
    %add3A_25 = arith.addi %mul3A_23, %add3A_24 : i32
    "tpu.region"() ({
      %run_scoped3A = tpu.sem_alloc : memref<!tpu.dma_semaphore, #tpu.memory_space<semaphore_mem>>
      %dma_start3A_80 = arith.constant 0 : i32
      %dma_start3A_81 = tpu.memref_slice %arg10[%add3A_25, %dma_start3A_80] : memref<10000x16xf32, #tpu.memory_space<vmem_shared>> -> memref<625x16xf32, #tpu.memory_space<vmem_shared>>
      %dma_start3A_82 = arith.constant 0 : i32
      %dma_start3A_83 = tpu.memref_slice %arg10[%add3A_25, %dma_start3A_82] : memref<10000x16xf32, #tpu.memory_space<vmem_shared>> -> memref<625x16xf32, #tpu.memory_space<vmem_shared>>
      tpu.enqueue_dma source(%arg8 : memref<625x16xf32, #tpu.memory_space<vmem>>) target(%dma_start3A_83 : memref<625x16xf32, #tpu.memory_space<vmem_shared>>) target_semaphore(%run_scoped3A : memref<!tpu.dma_semaphore, #tpu.memory_space<semaphore_mem>>)
      %dma_wait3A_84 = arith.constant 0 : i32
      %dma_wait3A_85 = tpu.memref_slice %arg10[%add3A_25, %dma_wait3A_84] : memref<10000x16xf32, #tpu.memory_space<vmem_shared>> -> memref<625x16xf32, #tpu.memory_space<vmem_shared>>
      %dma_wait3A_86 = arith.constant 0 : i32
      %dma_wait3A_87 = tpu.memref_slice %arg10[%add3A_25, %dma_wait3A_86] : memref<10000x16xf32, #tpu.memory_space<vmem_shared>> -> memref<625x16xf32, #tpu.memory_space<vmem_shared>>
      tpu.wait_dma2 semaphore(%run_scoped3A : memref<!tpu.dma_semaphore, #tpu.memory_space<semaphore_mem>>) src(%arg8 : memref<625x16xf32, #tpu.memory_space<vmem>>) dst(%dma_wait3A_87 : memref<625x16xf32, #tpu.memory_space<vmem_shared>>)
      tpu.yield
    }) : () -> ()
    %dma_wait3A = arith.constant 0 : i32
    %dma_wait3A_26 = arith.constant 0 : i32
    %dma_wait3A_27 = tpu.memref_slice %arg3[%add3A, %dma_wait3A, %dma_wait3A_26] : memref<32x8x625xi32, #tpu.memory_space<hbm>> -> memref<1x8x625xi32, #tpu.memory_space<hbm>>
    %dma_wait3A_28 = tpu.memref_squeeze %dma_wait3A_27 : memref<1x8x625xi32, #tpu.memory_space<hbm>> -> memref<8x625xi32, #tpu.memory_space<hbm>>
    %dma_wait3A_29 = arith.constant 0 : i32
    %dma_wait3A_30 = arith.constant 0 : i32
    %dma_wait3A_31 = tpu.memref_slice %arg3[%add3A, %dma_wait3A_29, %dma_wait3A_30] : memref<32x8x625xi32, #tpu.memory_space<hbm>> -> memref<1x8x625xi32, #tpu.memory_space<hbm>>
    %dma_wait3A_32 = tpu.memref_squeeze %dma_wait3A_31 : memref<1x8x625xi32, #tpu.memory_space<hbm>> -> memref<8x625xi32, #tpu.memory_space<hbm>>
    tpu.wait_dma2 semaphore(%arg11 : memref<!tpu.dma_semaphore, #tpu.memory_space<semaphore_mem>>) src(%dma_wait3A_32 : memref<8x625xi32, #tpu.memory_space<hbm>>) dst(%arg6 : memref<8x625xi32, #tpu.memory_space<vmem>>)
    %dma_wait3A_33 = arith.constant 0 : i32
    %dma_wait3A_34 = arith.constant 0 : i32
    %dma_wait3A_35 = tpu.memref_slice %arg4[%add3A, %dma_wait3A_33, %dma_wait3A_34] : memref<32x8x625xi32, #tpu.memory_space<hbm>> -> memref<1x8x625xi32, #tpu.memory_space<hbm>>
    %dma_wait3A_36 = tpu.memref_squeeze %dma_wait3A_35 : memref<1x8x625xi32, #tpu.memory_space<hbm>> -> memref<8x625xi32, #tpu.memory_space<hbm>>
    %dma_wait3A_37 = arith.constant 0 : i32
    %dma_wait3A_38 = arith.constant 0 : i32
    %dma_wait3A_39 = tpu.memref_slice %arg4[%add3A, %dma_wait3A_37, %dma_wait3A_38] : memref<32x8x625xi32, #tpu.memory_space<hbm>> -> memref<1x8x625xi32, #tpu.memory_space<hbm>>
    %dma_wait3A_40 = tpu.memref_squeeze %dma_wait3A_39 : memref<1x8x625xi32, #tpu.memory_space<hbm>> -> memref<8x625xi32, #tpu.memory_space<hbm>>
    tpu.wait_dma2 semaphore(%arg12 : memref<!tpu.dma_semaphore, #tpu.memory_space<semaphore_mem>>) src(%dma_wait3A_40 : memref<8x625xi32, #tpu.memory_space<hbm>>) dst(%arg7 : memref<8x625xi32, #tpu.memory_space<vmem>>)
    %barrier3A = arith.constant 0 : index
    tpu.barrier barrier_id(%barrier3A)
    %dma_start3A_41 = arith.constant 0 : i32
    %dma_start3A_42 = arith.constant 0 : i32
    %dma_start3A_43 = tpu.memref_slice %arg6[%dma_start3A_41, %dma_start3A_42] : memref<8x625xi32, #tpu.memory_space<vmem>> -> memref<1x625xi32, #tpu.memory_space<vmem>>
    %dma_start3A_44 = tpu.memref_squeeze %dma_start3A_43 : memref<1x625xi32, #tpu.memory_space<vmem>> -> memref<625xi32, #tpu.memory_space<vmem>>
    %dma_start3A_45 = arith.constant 0 : i32
    %dma_start3A_46 = arith.constant 0 : i32
    %dma_start3A_47 = tpu.memref_slice %arg2[%dma_start3A_45, %dma_start3A_46] : memref<10000x16xf32, #tpu.memory_space<hbm>> -> memref<10000x16xf32, #tpu.memory_space<hbm>>
    tpu.enqueue_indirect_dma source(%dma_start3A_47 : memref<10000x16xf32, #tpu.memory_space<hbm>>) target(%arg8 : memref<625x16xf32, #tpu.memory_space<vmem>>) offsets(%dma_start3A_44 : memref<625xi32, #tpu.memory_space<vmem>>) semaphore(%arg11 : memref<!tpu.dma_semaphore, #tpu.memory_space<semaphore_mem>>)
    %dma_start3A_48 = arith.constant 1 : i32
    %dma_start3A_49 = arith.constant 0 : i32
    %dma_start3A_50 = tpu.memref_slice %arg6[%dma_start3A_48, %dma_start3A_49] : memref<8x625xi32, #tpu.memory_space<vmem>> -> memref<1x625xi32, #tpu.memory_space<vmem>>
    %dma_start3A_51 = tpu.memref_squeeze %dma_start3A_50 : memref<1x625xi32, #tpu.memory_space<vmem>> -> memref<625xi32, #tpu.memory_space<vmem>>
    %dma_start3A_52 = arith.constant 0 : i32
    %dma_start3A_53 = arith.constant 0 : i32
    %dma_start3A_54 = tpu.memref_slice %arg2[%dma_start3A_52, %dma_start3A_53] : memref<10000x16xf32, #tpu.memory_space<hbm>> -> memref<10000x16xf32, #tpu.memory_space<hbm>>
    tpu.enqueue_indirect_dma source(%dma_start3A_54 : memref<10000x16xf32, #tpu.memory_space<hbm>>) target(%arg9 : memref<625x16xf32, #tpu.memory_space<vmem>>) offsets(%dma_start3A_51 : memref<625xi32, #tpu.memory_space<vmem>>) semaphore(%arg12 : memref<!tpu.dma_semaphore, #tpu.memory_space<semaphore_mem>>)
    %scan3A_55 = arith.constant 0 : i32
    %scan3A_56 = arith.constant 0 : i32
    %scan3A_57 = arith.constant 4 : i32
    %scan3A_58 = arith.addi %scan3A_56, %scan3A_57 : i32
    %scan3A_59 = arith.constant 1 : i32
    scf.for %scan3A_80 = %scan3A_56 to %scan3A_58 step %scan3A_59  : i32 {
      %mul3A_81 = arith.constant 2 : i32
      %mul3A_82 = arith.muli %mul3A_81, %scan3A_80 : i32
      %add3A_83 = arith.constant 0 : i32
      %add3A_84 = arith.addi %mul3A_82, %add3A_83 : i32
      %dma_wait3A_85 = arith.constant 0 : i32
      %dma_wait3A_86 = tpu.memref_slice %arg6[%add3A_84, %dma_wait3A_85] : memref<8x625xi32, #tpu.memory_space<vmem>> -> memref<1x625xi32, #tpu.memory_space<vmem>>
      %dma_wait3A_87 = tpu.memref_squeeze %dma_wait3A_86 : memref<1x625xi32, #tpu.memory_space<vmem>> -> memref<625xi32, #tpu.memory_space<vmem>>
      %dma_wait3A_88 = arith.constant 0 : i32
      %dma_wait3A_89 = arith.constant 0 : i32
      %dma_wait3A_90 = tpu.memref_slice %arg2[%dma_wait3A_88, %dma_wait3A_89] : memref<10000x16xf32, #tpu.memory_space<hbm>> -> memref<10000x16xf32, #tpu.memory_space<hbm>>
      tpu.wait_indirect_dma semaphore(%arg11 : memref<!tpu.dma_semaphore, #tpu.memory_space<semaphore_mem>>) src(%dma_wait3A_90 : memref<10000x16xf32, #tpu.memory_space<hbm>>) dst(%arg8 : memref<625x16xf32, #tpu.memory_space<vmem>>)
      %add3A_91 = arith.constant 0 : i32
      %add3A_92 = arith.addi %mul3A_82, %add3A_91 : i32
      %dma_start3A_93 = arith.constant 0 : i32
      %dma_start3A_94 = tpu.memref_slice %arg7[%add3A_92, %dma_start3A_93] : memref<8x625xi32, #tpu.memory_space<vmem>> -> memref<1x625xi32, #tpu.memory_space<vmem>>
      %dma_start3A_95 = tpu.memref_squeeze %dma_start3A_94 : memref<1x625xi32, #tpu.memory_space<vmem>> -> memref<625xi32, #tpu.memory_space<vmem>>
      %dma_start3A_96 = arith.constant 0 : i32
      %dma_start3A_97 = arith.constant 0 : i32
      %dma_start3A_98 = tpu.memref_slice %arg10[%dma_start3A_96, %dma_start3A_97] : memref<10000x16xf32, #tpu.memory_space<vmem_shared>> -> memref<10000x16xf32, #tpu.memory_space<vmem_shared>>
      tpu.enqueue_indirect_dma source(%arg8 : memref<625x16xf32, #tpu.memory_space<vmem>>) target(%dma_start3A_98 : memref<10000x16xf32, #tpu.memory_space<vmem_shared>>) offsets(%dma_start3A_95 : memref<625xi32, #tpu.memory_space<vmem>>) semaphore(%arg13 : memref<!tpu.dma_semaphore, #tpu.memory_space<semaphore_mem>>) {add = true}
      %add3A_99 = arith.constant 1 : i32
      %add3A_100 = arith.addi %mul3A_82, %add3A_99 : i32
      %dma_wait3A_101 = arith.constant 0 : i32
      %dma_wait3A_102 = tpu.memref_slice %arg6[%add3A_100, %dma_wait3A_101] : memref<8x625xi32, #tpu.memory_space<vmem>> -> memref<1x625xi32, #tpu.memory_space<vmem>>
      %dma_wait3A_103 = tpu.memref_squeeze %dma_wait3A_102 : memref<1x625xi32, #tpu.memory_space<vmem>> -> memref<625xi32, #tpu.memory_space<vmem>>
      %dma_wait3A_104 = arith.constant 0 : i32
      %dma_wait3A_105 = arith.constant 0 : i32
      %dma_wait3A_106 = tpu.memref_slice %arg2[%dma_wait3A_104, %dma_wait3A_105] : memref<10000x16xf32, #tpu.memory_space<hbm>> -> memref<10000x16xf32, #tpu.memory_space<hbm>>
      tpu.wait_indirect_dma semaphore(%arg12 : memref<!tpu.dma_semaphore, #tpu.memory_space<semaphore_mem>>) src(%dma_wait3A_106 : memref<10000x16xf32, #tpu.memory_space<hbm>>) dst(%arg9 : memref<625x16xf32, #tpu.memory_space<vmem>>)
      %add3A_107 = arith.constant 1 : i32
      %add3A_108 = arith.addi %mul3A_82, %add3A_107 : i32
      %dma_start3A_109 = arith.constant 0 : i32
      %dma_start3A_110 = tpu.memref_slice %arg7[%add3A_108, %dma_start3A_109] : memref<8x625xi32, #tpu.memory_space<vmem>> -> memref<1x625xi32, #tpu.memory_space<vmem>>
      %dma_start3A_111 = tpu.memref_squeeze %dma_start3A_110 : memref<1x625xi32, #tpu.memory_space<vmem>> -> memref<625xi32, #tpu.memory_space<vmem>>
      %dma_start3A_112 = arith.constant 0 : i32
      %dma_start3A_113 = arith.constant 0 : i32
      %dma_start3A_114 = tpu.memref_slice %arg10[%dma_start3A_112, %dma_start3A_113] : memref<10000x16xf32, #tpu.memory_space<vmem_shared>> -> memref<10000x16xf32, #tpu.memory_space<vmem_shared>>
      tpu.enqueue_indirect_dma source(%arg9 : memref<625x16xf32, #tpu.memory_space<vmem>>) target(%dma_start3A_114 : memref<10000x16xf32, #tpu.memory_space<vmem_shared>>) offsets(%dma_start3A_111 : memref<625xi32, #tpu.memory_space<vmem>>) semaphore(%arg14 : memref<!tpu.dma_semaphore, #tpu.memory_space<semaphore_mem>>) {add = true}
      %lt3A = arith.constant 3 : i32
      %lt3A_115 = arith.cmpi slt, %scan3A_80, %lt3A : i32
      %convert_element_type3A = arith.extui %lt3A_115 : i1 to i32
      %cond3A = arith.constant 0 : i32
      %cond3A_116 = arith.cmpi ne, %convert_element_type3A, %cond3A : i32
      scf.if %cond3A_116 {
        %add3A_117 = arith.constant 0 : i32
        %add3A_118 = arith.addi %mul3A_82, %add3A_117 : i32
        %dma_wait3A_119 = arith.constant 0 : i32
        %dma_wait3A_120 = tpu.memref_slice %arg7[%add3A_118, %dma_wait3A_119] : memref<8x625xi32, #tpu.memory_space<vmem>> -> memref<1x625xi32, #tpu.memory_space<vmem>>
        %dma_wait3A_121 = tpu.memref_squeeze %dma_wait3A_120 : memref<1x625xi32, #tpu.memory_space<vmem>> -> memref<625xi32, #tpu.memory_space<vmem>>
        %dma_wait3A_122 = arith.constant 0 : i32
        %dma_wait3A_123 = arith.constant 0 : i32
        %dma_wait3A_124 = tpu.memref_slice %arg10[%dma_wait3A_122, %dma_wait3A_123] : memref<10000x16xf32, #tpu.memory_space<vmem_shared>> -> memref<10000x16xf32, #tpu.memory_space<vmem_shared>>
        tpu.wait_indirect_dma semaphore(%arg13 : memref<!tpu.dma_semaphore, #tpu.memory_space<semaphore_mem>>) src(%arg8 : memref<625x16xf32, #tpu.memory_space<vmem>>) dst(%dma_wait3A_124 : memref<10000x16xf32, #tpu.memory_space<vmem_shared>>)
        %add3A_125 = arith.constant 2 : i32
        %add3A_126 = arith.addi %mul3A_82, %add3A_125 : i32
        %add3A_127 = arith.constant 0 : i32
        %add3A_128 = arith.addi %add3A_126, %add3A_127 : i32
        %dma_start3A_129 = arith.constant 0 : i32
        %dma_start3A_130 = tpu.memref_slice %arg6[%add3A_128, %dma_start3A_129] : memref<8x625xi32, #tpu.memory_space<vmem>> -> memref<1x625xi32, #tpu.memory_space<vmem>>
        %dma_start3A_131 = tpu.memref_squeeze %dma_start3A_130 : memref<1x625xi32, #tpu.memory_space<vmem>> -> memref<625xi32, #tpu.memory_space<vmem>>
        %dma_start3A_132 = arith.constant 0 : i32
        %dma_start3A_133 = arith.constant 0 : i32
        %dma_start3A_134 = tpu.memref_slice %arg2[%dma_start3A_132, %dma_start3A_133] : memref<10000x16xf32, #tpu.memory_space<hbm>> -> memref<10000x16xf32, #tpu.memory_space<hbm>>
        tpu.enqueue_indirect_dma source(%dma_start3A_134 : memref<10000x16xf32, #tpu.memory_space<hbm>>) target(%arg8 : memref<625x16xf32, #tpu.memory_space<vmem>>) offsets(%dma_start3A_131 : memref<625xi32, #tpu.memory_space<vmem>>) semaphore(%arg11 : memref<!tpu.dma_semaphore, #tpu.memory_space<semaphore_mem>>)
        %add3A_135 = arith.constant 1 : i32
        %add3A_136 = arith.addi %mul3A_82, %add3A_135 : i32
        %dma_wait3A_137 = arith.constant 0 : i32
        %dma_wait3A_138 = tpu.memref_slice %arg7[%add3A_136, %dma_wait3A_137] : memref<8x625xi32, #tpu.memory_space<vmem>> -> memref<1x625xi32, #tpu.memory_space<vmem>>
        %dma_wait3A_139 = tpu.memref_squeeze %dma_wait3A_138 : memref<1x625xi32, #tpu.memory_space<vmem>> -> memref<625xi32, #tpu.memory_space<vmem>>
        %dma_wait3A_140 = arith.constant 0 : i32
        %dma_wait3A_141 = arith.constant 0 : i32
        %dma_wait3A_142 = tpu.memref_slice %arg10[%dma_wait3A_140, %dma_wait3A_141] : memref<10000x16xf32, #tpu.memory_space<vmem_shared>> -> memref<10000x16xf32, #tpu.memory_space<vmem_shared>>
        tpu.wait_indirect_dma semaphore(%arg14 : memref<!tpu.dma_semaphore, #tpu.memory_space<semaphore_mem>>) src(%arg9 : memref<625x16xf32, #tpu.memory_space<vmem>>) dst(%dma_wait3A_142 : memref<10000x16xf32, #tpu.memory_space<vmem_shared>>)
        %add3A_143 = arith.constant 2 : i32
        %add3A_144 = arith.addi %mul3A_82, %add3A_143 : i32
        %add3A_145 = arith.constant 1 : i32
        %add3A_146 = arith.addi %add3A_144, %add3A_145 : i32
        %dma_start3A_147 = arith.constant 0 : i32
        %dma_start3A_148 = tpu.memref_slice %arg6[%add3A_146, %dma_start3A_147] : memref<8x625xi32, #tpu.memory_space<vmem>> -> memref<1x625xi32, #tpu.memory_space<vmem>>
        %dma_start3A_149 = tpu.memref_squeeze %dma_start3A_148 : memref<1x625xi32, #tpu.memory_space<vmem>> -> memref<625xi32, #tpu.memory_space<vmem>>
        %dma_start3A_150 = arith.constant 0 : i32
        %dma_start3A_151 = arith.constant 0 : i32
        %dma_start3A_152 = tpu.memref_slice %arg2[%dma_start3A_150, %dma_start3A_151] : memref<10000x16xf32, #tpu.memory_space<hbm>> -> memref<10000x16xf32, #tpu.memory_space<hbm>>
        tpu.enqueue_indirect_dma source(%dma_start3A_152 : memref<10000x16xf32, #tpu.memory_space<hbm>>) target(%arg9 : memref<625x16xf32, #tpu.memory_space<vmem>>) offsets(%dma_start3A_149 : memref<625xi32, #tpu.memory_space<vmem>>) semaphore(%arg12 : memref<!tpu.dma_semaphore, #tpu.memory_space<semaphore_mem>>)
      } else {
      }
    }
    %scan3A_60 = arith.constant 4 : i32
    %dma_wait3A_61 = arith.constant 6 : i32
    %dma_wait3A_62 = arith.constant 0 : i32
    %dma_wait3A_63 = tpu.memref_slice %arg7[%dma_wait3A_61, %dma_wait3A_62] : memref<8x625xi32, #tpu.memory_space<vmem>> -> memref<1x625xi32, #tpu.memory_space<vmem>>
    %dma_wait3A_64 = tpu.memref_squeeze %dma_wait3A_63 : memref<1x625xi32, #tpu.memory_space<vmem>> -> memref<625xi32, #tpu.memory_space<vmem>>
    %dma_wait3A_65 = arith.constant 0 : i32
    %dma_wait3A_66 = arith.constant 0 : i32
    %dma_wait3A_67 = tpu.memref_slice %arg10[%dma_wait3A_65, %dma_wait3A_66] : memref<10000x16xf32, #tpu.memory_space<vmem_shared>> -> memref<10000x16xf32, #tpu.memory_space<vmem_shared>>
    tpu.wait_indirect_dma semaphore(%arg13 : memref<!tpu.dma_semaphore, #tpu.memory_space<semaphore_mem>>) src(%arg8 : memref<625x16xf32, #tpu.memory_space<vmem>>) dst(%dma_wait3A_67 : memref<10000x16xf32, #tpu.memory_space<vmem_shared>>)
    %dma_wait3A_68 = arith.constant 7 : i32
    %dma_wait3A_69 = arith.constant 0 : i32
    %dma_wait3A_70 = tpu.memref_slice %arg7[%dma_wait3A_68, %dma_wait3A_69] : memref<8x625xi32, #tpu.memory_space<vmem>> -> memref<1x625xi32, #tpu.memory_space<vmem>>
    %dma_wait3A_71 = tpu.memref_squeeze %dma_wait3A_70 : memref<1x625xi32, #tpu.memory_space<vmem>> -> memref<625xi32, #tpu.memory_space<vmem>>
    %dma_wait3A_72 = arith.constant 0 : i32
    %dma_wait3A_73 = arith.constant 0 : i32
    %dma_wait3A_74 = tpu.memref_slice %arg10[%dma_wait3A_72, %dma_wait3A_73] : memref<10000x16xf32, #tpu.memory_space<vmem_shared>> -> memref<10000x16xf32, #tpu.memory_space<vmem_shared>>
    tpu.wait_indirect_dma semaphore(%arg14 : memref<!tpu.dma_semaphore, #tpu.memory_space<semaphore_mem>>) src(%arg9 : memref<625x16xf32, #tpu.memory_space<vmem>>) dst(%dma_wait3A_74 : memref<10000x16xf32, #tpu.memory_space<vmem_shared>>)
    %barrier3A_75 = arith.constant 0 : index
    tpu.barrier barrier_id(%barrier3A_75)
    %mul3A_76 = arith.constant 625 : i32
    %mul3A_77 = arith.muli %arg1, %mul3A_76 : i32
    %mul3A_78 = arith.constant 625 : i32
    %mul3A_79 = arith.muli %arg1, %mul3A_78 : i32
    "tpu.region"() ({
      %run_scoped3A = tpu.sem_alloc : memref<!tpu.dma_semaphore, #tpu.memory_space<semaphore_mem>>
      %dma_start3A_80 = arith.constant 0 : i32
      %dma_start3A_81 = tpu.memref_slice %arg5[%arg0, %mul3A_79, %dma_start3A_80] : memref<2x10000x16xf32, #tpu.memory_space<hbm>> -> memref<1x625x16xf32, #tpu.memory_space<hbm>>
      %dma_start3A_82 = tpu.memref_squeeze %dma_start3A_81 : memref<1x625x16xf32, #tpu.memory_space<hbm>> -> memref<625x16xf32, #tpu.memory_space<hbm>>
      %dma_start3A_83 = arith.constant 0 : i32
      %dma_start3A_84 = tpu.memref_slice %arg10[%mul3A_77, %dma_start3A_83] : memref<10000x16xf32, #tpu.memory_space<vmem_shared>> -> memref<625x16xf32, #tpu.memory_space<vmem_shared>>
      tpu.enqueue_dma source(%dma_start3A_84 : memref<625x16xf32, #tpu.memory_space<vmem_shared>>) target(%dma_start3A_82 : memref<625x16xf32, #tpu.memory_space<hbm>>) target_semaphore(%run_scoped3A : memref<!tpu.dma_semaphore, #tpu.memory_space<semaphore_mem>>)
      %dma_wait3A_85 = arith.constant 0 : i32
      %dma_wait3A_86 = tpu.memref_slice %arg5[%arg0, %mul3A_79, %dma_wait3A_85] : memref<2x10000x16xf32, #tpu.memory_space<hbm>> -> memref<1x625x16xf32, #tpu.memory_space<hbm>>
      %dma_wait3A_87 = tpu.memref_squeeze %dma_wait3A_86 : memref<1x625x16xf32, #tpu.memory_space<hbm>> -> memref<625x16xf32, #tpu.memory_space<hbm>>
      %dma_wait3A_88 = arith.constant 0 : i32
      %dma_wait3A_89 = tpu.memref_slice %arg10[%mul3A_77, %dma_wait3A_88] : memref<10000x16xf32, #tpu.memory_space<vmem_shared>> -> memref<625x16xf32, #tpu.memory_space<vmem_shared>>
      tpu.wait_dma2 semaphore(%run_scoped3A : memref<!tpu.dma_semaphore, #tpu.memory_space<semaphore_mem>>) src(%dma_wait3A_89 : memref<625x16xf32, #tpu.memory_space<vmem_shared>>) dst(%dma_wait3A_87 : memref<625x16xf32, #tpu.memory_space<hbm>>)
      tpu.yield
    }) : () -> ()
    return
  }
}

#map = affine_map<(d0, d1) -> (0, 0)>
#map1 = affine_map<(d0, d1) -> (0, 0, 0, 0, 0)>
#map2 = affine_map<(d0, d1) -> (0, 0, 0, 0)>
module attributes {stable_mosaic.version = 14 : i64} {
  func.func @_mp1_body(%arg0: i32, %arg1: i32, %arg2: memref<20000x128xf32, #tpu.memory_space<hbm>>, %arg3: memref<2x16x4x50x50xi32, #tpu.memory_space<hbm>>, %arg4: memref<16x4x50x50xi32, #tpu.memory_space<hbm>>, %arg5: memref<20000x128xf32, #tpu.memory_space<hbm>>, %arg6: memref<50x50xi32, #tpu.memory_space<vmem>>, %arg7: memref<50x50xi32, #tpu.memory_space<vmem>>, %arg8: memref<50x50xi32, #tpu.memory_space<vmem>>, %arg9: memref<50x50xi32, #tpu.memory_space<vmem>>, %arg10: memref<50x128xf32, #tpu.memory_space<vmem>>, %arg11: memref<50x128xf32, #tpu.memory_space<vmem>>, %arg12: memref<50x128xf32, #tpu.memory_space<vmem>>, %arg13: memref<50x128xf32, #tpu.memory_space<vmem>>, %arg14: memref<50x128xf32, #tpu.memory_space<vmem>>, %arg15: memref<10000x128xf32, #tpu.memory_space<vmem_shared>>, %arg16: memref<!tpu.dma_semaphore, #tpu.memory_space<semaphore_mem>>, %arg17: memref<!tpu.dma_semaphore, #tpu.memory_space<semaphore_mem>>, %arg18: memref<!tpu.dma_semaphore, #tpu.memory_space<semaphore_mem>>, %arg19: memref<!tpu.dma_semaphore, #tpu.memory_space<semaphore_mem>>, %arg20: memref<!tpu.dma_semaphore, #tpu.memory_space<semaphore_mem>>, %arg21: memref<!tpu.dma_semaphore, #tpu.memory_space<semaphore_mem>>, %arg22: memref<!tpu.dma_semaphore, #tpu.memory_space<semaphore_mem>>, %arg23: memref<!tpu.dma_semaphore, #tpu.memory_space<semaphore_mem>>, %arg24: memref<!tpu.dma_semaphore, #tpu.memory_space<semaphore_mem>>, %arg25: memref<!tpu.dma_semaphore, #tpu.memory_space<semaphore_mem>>, %arg26: memref<!tpu.dma_semaphore, #tpu.memory_space<semaphore_mem>>, %arg27: memref<!tpu.dma_semaphore, #tpu.memory_space<semaphore_mem>>) attributes {dimension_semantics = [#tpu.dimension_semantics<core_parallel>, #tpu.dimension_semantics<subcore_parallel>], iteration_bounds = array<i64: 2, 16>, scalar_prefetch = 0 : i64, scratch_operands = 22 : i64, tpu.core_type = #tpu.core_type<sc_vector_subcore>, window_params = [{transform_indices = #map}, {transform_indices = #map1}, {transform_indices = #map2}, {transform_indices = #map}]} {
    %dma_start3A = arith.constant 0 : i32
    %dma_start3A_0 = arith.constant 0 : i32
    %dma_start3A_1 = arith.constant 0 : i32
    %dma_start3A_2 = tpu.memref_slice %arg3[%arg0, %arg1, %dma_start3A, %dma_start3A_0, %dma_start3A_1] : memref<2x16x4x50x50xi32, #tpu.memory_space<hbm>> -> memref<1x1x1x50x50xi32, #tpu.memory_space<hbm>>
    %dma_start3A_3 = tpu.memref_squeeze %dma_start3A_2 : memref<1x1x1x50x50xi32, #tpu.memory_space<hbm>> -> memref<50x50xi32, #tpu.memory_space<hbm>>
    %dma_start3A_4 = arith.constant 0 : i32
    %dma_start3A_5 = arith.constant 0 : i32
    %dma_start3A_6 = tpu.memref_slice %arg3[%arg0, %arg1, %dma_start3A, %dma_start3A_4, %dma_start3A_5] : memref<2x16x4x50x50xi32, #tpu.memory_space<hbm>> -> memref<1x1x1x50x50xi32, #tpu.memory_space<hbm>>
    %dma_start3A_7 = tpu.memref_squeeze %dma_start3A_6 : memref<1x1x1x50x50xi32, #tpu.memory_space<hbm>> -> memref<50x50xi32, #tpu.memory_space<hbm>>
    tpu.enqueue_dma source(%dma_start3A_7 : memref<50x50xi32, #tpu.memory_space<hbm>>) target(%arg6 : memref<50x50xi32, #tpu.memory_space<vmem>>) target_semaphore(%arg16 : memref<!tpu.dma_semaphore, #tpu.memory_space<semaphore_mem>>)
    %dma_start3A_8 = arith.constant 0 : i32
    %dma_start3A_9 = arith.constant 0 : i32
    %dma_start3A_10 = arith.constant 0 : i32
    %dma_start3A_11 = tpu.memref_slice %arg4[%arg1, %dma_start3A_8, %dma_start3A_9, %dma_start3A_10] : memref<16x4x50x50xi32, #tpu.memory_space<hbm>> -> memref<1x1x50x50xi32, #tpu.memory_space<hbm>>
    %dma_start3A_12 = tpu.memref_squeeze %dma_start3A_11 : memref<1x1x50x50xi32, #tpu.memory_space<hbm>> -> memref<50x50xi32, #tpu.memory_space<hbm>>
    %dma_start3A_13 = arith.constant 0 : i32
    %dma_start3A_14 = arith.constant 0 : i32
    %dma_start3A_15 = tpu.memref_slice %arg4[%arg1, %dma_start3A_8, %dma_start3A_13, %dma_start3A_14] : memref<16x4x50x50xi32, #tpu.memory_space<hbm>> -> memref<1x1x50x50xi32, #tpu.memory_space<hbm>>
    %dma_start3A_16 = tpu.memref_squeeze %dma_start3A_15 : memref<1x1x50x50xi32, #tpu.memory_space<hbm>> -> memref<50x50xi32, #tpu.memory_space<hbm>>
    tpu.enqueue_dma source(%dma_start3A_16 : memref<50x50xi32, #tpu.memory_space<hbm>>) target(%arg8 : memref<50x50xi32, #tpu.memory_space<vmem>>) target_semaphore(%arg16 : memref<!tpu.dma_semaphore, #tpu.memory_space<semaphore_mem>>)
    %mul3A = arith.constant 10000 : i32
    %mul3A_17 = arith.muli %arg0, %mul3A : i32
    %mul3A_18 = arith.constant 625 : i32
    %mul3A_19 = arith.muli %arg1, %mul3A_18 : i32
    %add3A = arith.addi %mul3A_17, %mul3A_19 : i32
    %mul3A_20 = arith.constant 625 : i32
    %mul3A_21 = arith.muli %arg1, %mul3A_20 : i32
    "tpu.region"() ({
      %run_scoped3A = tpu.sem_alloc : memref<!tpu.dma_semaphore, #tpu.memory_space<semaphore_mem>>
      %dma_start3A_458 = arith.constant 0 : i32
      %dma_start3A_459 = tpu.memref_slice %arg15[%mul3A_21, %dma_start3A_458] : memref<10000x128xf32, #tpu.memory_space<vmem_shared>> -> memref<625x128xf32, #tpu.memory_space<vmem_shared>>
      %dma_start3A_460 = arith.constant 0 : i32
      %dma_start3A_461 = tpu.memref_slice %arg2[%add3A, %dma_start3A_460] : memref<20000x128xf32, #tpu.memory_space<hbm>> -> memref<625x128xf32, #tpu.memory_space<hbm>>
      tpu.enqueue_dma source(%dma_start3A_461 : memref<625x128xf32, #tpu.memory_space<hbm>>) target(%dma_start3A_459 : memref<625x128xf32, #tpu.memory_space<vmem_shared>>) target_semaphore(%run_scoped3A : memref<!tpu.dma_semaphore, #tpu.memory_space<semaphore_mem>>)
      %dma_wait3A_462 = arith.constant 0 : i32
      %dma_wait3A_463 = tpu.memref_slice %arg15[%mul3A_21, %dma_wait3A_462] : memref<10000x128xf32, #tpu.memory_space<vmem_shared>> -> memref<625x128xf32, #tpu.memory_space<vmem_shared>>
      %dma_wait3A_464 = arith.constant 0 : i32
      %dma_wait3A_465 = tpu.memref_slice %arg2[%add3A, %dma_wait3A_464] : memref<20000x128xf32, #tpu.memory_space<hbm>> -> memref<625x128xf32, #tpu.memory_space<hbm>>
      tpu.wait_dma2 semaphore(%run_scoped3A : memref<!tpu.dma_semaphore, #tpu.memory_space<semaphore_mem>>) src(%dma_wait3A_465 : memref<625x128xf32, #tpu.memory_space<hbm>>) dst(%dma_wait3A_463 : memref<625x128xf32, #tpu.memory_space<vmem_shared>>)
      tpu.yield
    }) : () -> ()
    %dma_wait3A = arith.constant 0 : i32
    %dma_wait3A_22 = arith.constant 0 : i32
    %dma_wait3A_23 = arith.constant 0 : i32
    %dma_wait3A_24 = tpu.memref_slice %arg3[%arg0, %arg1, %dma_wait3A, %dma_wait3A_22, %dma_wait3A_23] : memref<2x16x4x50x50xi32, #tpu.memory_space<hbm>> -> memref<1x1x1x50x50xi32, #tpu.memory_space<hbm>>
    %dma_wait3A_25 = tpu.memref_squeeze %dma_wait3A_24 : memref<1x1x1x50x50xi32, #tpu.memory_space<hbm>> -> memref<50x50xi32, #tpu.memory_space<hbm>>
    %dma_wait3A_26 = arith.constant 0 : i32
    %dma_wait3A_27 = arith.constant 0 : i32
    %dma_wait3A_28 = tpu.memref_slice %arg3[%arg0, %arg1, %dma_wait3A, %dma_wait3A_26, %dma_wait3A_27] : memref<2x16x4x50x50xi32, #tpu.memory_space<hbm>> -> memref<1x1x1x50x50xi32, #tpu.memory_space<hbm>>
    %dma_wait3A_29 = tpu.memref_squeeze %dma_wait3A_28 : memref<1x1x1x50x50xi32, #tpu.memory_space<hbm>> -> memref<50x50xi32, #tpu.memory_space<hbm>>
    tpu.wait_dma2 semaphore(%arg16 : memref<!tpu.dma_semaphore, #tpu.memory_space<semaphore_mem>>) src(%dma_wait3A_29 : memref<50x50xi32, #tpu.memory_space<hbm>>) dst(%arg6 : memref<50x50xi32, #tpu.memory_space<vmem>>)
    %dma_wait3A_30 = arith.constant 0 : i32
    %dma_wait3A_31 = arith.constant 0 : i32
    %dma_wait3A_32 = arith.constant 0 : i32
    %dma_wait3A_33 = tpu.memref_slice %arg4[%arg1, %dma_wait3A_30, %dma_wait3A_31, %dma_wait3A_32] : memref<16x4x50x50xi32, #tpu.memory_space<hbm>> -> memref<1x1x50x50xi32, #tpu.memory_space<hbm>>
    %dma_wait3A_34 = tpu.memref_squeeze %dma_wait3A_33 : memref<1x1x50x50xi32, #tpu.memory_space<hbm>> -> memref<50x50xi32, #tpu.memory_space<hbm>>
    %dma_wait3A_35 = arith.constant 0 : i32
    %dma_wait3A_36 = arith.constant 0 : i32
    %dma_wait3A_37 = tpu.memref_slice %arg4[%arg1, %dma_wait3A_30, %dma_wait3A_35, %dma_wait3A_36] : memref<16x4x50x50xi32, #tpu.memory_space<hbm>> -> memref<1x1x50x50xi32, #tpu.memory_space<hbm>>
    %dma_wait3A_38 = tpu.memref_squeeze %dma_wait3A_37 : memref<1x1x50x50xi32, #tpu.memory_space<hbm>> -> memref<50x50xi32, #tpu.memory_space<hbm>>
    tpu.wait_dma2 semaphore(%arg16 : memref<!tpu.dma_semaphore, #tpu.memory_space<semaphore_mem>>) src(%dma_wait3A_38 : memref<50x50xi32, #tpu.memory_space<hbm>>) dst(%arg8 : memref<50x50xi32, #tpu.memory_space<vmem>>)
    %barrier3A = arith.constant 0 : index
    tpu.barrier barrier_id(%barrier3A)
    %dma_start3A_39 = arith.constant 1 : i32
    %dma_start3A_40 = arith.constant 0 : i32
    %dma_start3A_41 = arith.constant 0 : i32
    %dma_start3A_42 = tpu.memref_slice %arg3[%arg0, %arg1, %dma_start3A_39, %dma_start3A_40, %dma_start3A_41] : memref<2x16x4x50x50xi32, #tpu.memory_space<hbm>> -> memref<1x1x1x50x50xi32, #tpu.memory_space<hbm>>
    %dma_start3A_43 = tpu.memref_squeeze %dma_start3A_42 : memref<1x1x1x50x50xi32, #tpu.memory_space<hbm>> -> memref<50x50xi32, #tpu.memory_space<hbm>>
    %dma_start3A_44 = arith.constant 0 : i32
    %dma_start3A_45 = arith.constant 0 : i32
    %dma_start3A_46 = tpu.memref_slice %arg3[%arg0, %arg1, %dma_start3A_39, %dma_start3A_44, %dma_start3A_45] : memref<2x16x4x50x50xi32, #tpu.memory_space<hbm>> -> memref<1x1x1x50x50xi32, #tpu.memory_space<hbm>>
    %dma_start3A_47 = tpu.memref_squeeze %dma_start3A_46 : memref<1x1x1x50x50xi32, #tpu.memory_space<hbm>> -> memref<50x50xi32, #tpu.memory_space<hbm>>
    tpu.enqueue_dma source(%dma_start3A_47 : memref<50x50xi32, #tpu.memory_space<hbm>>) target(%arg7 : memref<50x50xi32, #tpu.memory_space<vmem>>) target_semaphore(%arg17 : memref<!tpu.dma_semaphore, #tpu.memory_space<semaphore_mem>>)
    %dma_start3A_48 = arith.constant 1 : i32
    %dma_start3A_49 = arith.constant 0 : i32
    %dma_start3A_50 = arith.constant 0 : i32
    %dma_start3A_51 = tpu.memref_slice %arg4[%arg1, %dma_start3A_48, %dma_start3A_49, %dma_start3A_50] : memref<16x4x50x50xi32, #tpu.memory_space<hbm>> -> memref<1x1x50x50xi32, #tpu.memory_space<hbm>>
    %dma_start3A_52 = tpu.memref_squeeze %dma_start3A_51 : memref<1x1x50x50xi32, #tpu.memory_space<hbm>> -> memref<50x50xi32, #tpu.memory_space<hbm>>
    %dma_start3A_53 = arith.constant 0 : i32
    %dma_start3A_54 = arith.constant 0 : i32
    %dma_start3A_55 = tpu.memref_slice %arg4[%arg1, %dma_start3A_48, %dma_start3A_53, %dma_start3A_54] : memref<16x4x50x50xi32, #tpu.memory_space<hbm>> -> memref<1x1x50x50xi32, #tpu.memory_space<hbm>>
    %dma_start3A_56 = tpu.memref_squeeze %dma_start3A_55 : memref<1x1x50x50xi32, #tpu.memory_space<hbm>> -> memref<50x50xi32, #tpu.memory_space<hbm>>
    tpu.enqueue_dma source(%dma_start3A_56 : memref<50x50xi32, #tpu.memory_space<hbm>>) target(%arg9 : memref<50x50xi32, #tpu.memory_space<vmem>>) target_semaphore(%arg17 : memref<!tpu.dma_semaphore, #tpu.memory_space<semaphore_mem>>)
    %dma_start3A_57 = arith.constant 0 : i32
    %dma_start3A_58 = arith.constant 0 : i32
    %dma_start3A_59 = tpu.memref_slice %arg6[%dma_start3A_57, %dma_start3A_58] : memref<50x50xi32, #tpu.memory_space<vmem>> -> memref<1x50xi32, #tpu.memory_space<vmem>>
    %dma_start3A_60 = tpu.memref_squeeze %dma_start3A_59 : memref<1x50xi32, #tpu.memory_space<vmem>> -> memref<50xi32, #tpu.memory_space<vmem>>
    %dma_start3A_61 = arith.constant 0 : i32
    %dma_start3A_62 = arith.constant 0 : i32
    %dma_start3A_63 = tpu.memref_slice %arg2[%dma_start3A_61, %dma_start3A_62] : memref<20000x128xf32, #tpu.memory_space<hbm>> -> memref<20000x128xf32, #tpu.memory_space<hbm>>
    tpu.enqueue_indirect_dma source(%dma_start3A_63 : memref<20000x128xf32, #tpu.memory_space<hbm>>) target(%arg10 : memref<50x128xf32, #tpu.memory_space<vmem>>) offsets(%dma_start3A_60 : memref<50xi32, #tpu.memory_space<vmem>>) semaphore(%arg18 : memref<!tpu.dma_semaphore, #tpu.memory_space<semaphore_mem>>)
    %dma_start3A_64 = arith.constant 1 : i32
    %dma_start3A_65 = arith.constant 0 : i32
    %dma_start3A_66 = tpu.memref_slice %arg6[%dma_start3A_64, %dma_start3A_65] : memref<50x50xi32, #tpu.memory_space<vmem>> -> memref<1x50xi32, #tpu.memory_space<vmem>>
    %dma_start3A_67 = tpu.memref_squeeze %dma_start3A_66 : memref<1x50xi32, #tpu.memory_space<vmem>> -> memref<50xi32, #tpu.memory_space<vmem>>
    %dma_start3A_68 = arith.constant 0 : i32
    %dma_start3A_69 = arith.constant 0 : i32
    %dma_start3A_70 = tpu.memref_slice %arg2[%dma_start3A_68, %dma_start3A_69] : memref<20000x128xf32, #tpu.memory_space<hbm>> -> memref<20000x128xf32, #tpu.memory_space<hbm>>
    tpu.enqueue_indirect_dma source(%dma_start3A_70 : memref<20000x128xf32, #tpu.memory_space<hbm>>) target(%arg11 : memref<50x128xf32, #tpu.memory_space<vmem>>) offsets(%dma_start3A_67 : memref<50xi32, #tpu.memory_space<vmem>>) semaphore(%arg19 : memref<!tpu.dma_semaphore, #tpu.memory_space<semaphore_mem>>)
    %dma_start3A_71 = arith.constant 2 : i32
    %dma_start3A_72 = arith.constant 0 : i32
    %dma_start3A_73 = tpu.memref_slice %arg6[%dma_start3A_71, %dma_start3A_72] : memref<50x50xi32, #tpu.memory_space<vmem>> -> memref<1x50xi32, #tpu.memory_space<vmem>>
    %dma_start3A_74 = tpu.memref_squeeze %dma_start3A_73 : memref<1x50xi32, #tpu.memory_space<vmem>> -> memref<50xi32, #tpu.memory_space<vmem>>
    %dma_start3A_75 = arith.constant 0 : i32
    %dma_start3A_76 = arith.constant 0 : i32
    %dma_start3A_77 = tpu.memref_slice %arg2[%dma_start3A_75, %dma_start3A_76] : memref<20000x128xf32, #tpu.memory_space<hbm>> -> memref<20000x128xf32, #tpu.memory_space<hbm>>
    tpu.enqueue_indirect_dma source(%dma_start3A_77 : memref<20000x128xf32, #tpu.memory_space<hbm>>) target(%arg12 : memref<50x128xf32, #tpu.memory_space<vmem>>) offsets(%dma_start3A_74 : memref<50xi32, #tpu.memory_space<vmem>>) semaphore(%arg20 : memref<!tpu.dma_semaphore, #tpu.memory_space<semaphore_mem>>)
    %dma_start3A_78 = arith.constant 3 : i32
    %dma_start3A_79 = arith.constant 0 : i32
    %dma_start3A_80 = tpu.memref_slice %arg6[%dma_start3A_78, %dma_start3A_79] : memref<50x50xi32, #tpu.memory_space<vmem>> -> memref<1x50xi32, #tpu.memory_space<vmem>>
    %dma_start3A_81 = tpu.memref_squeeze %dma_start3A_80 : memref<1x50xi32, #tpu.memory_space<vmem>> -> memref<50xi32, #tpu.memory_space<vmem>>
    %dma_start3A_82 = arith.constant 0 : i32
    %dma_start3A_83 = arith.constant 0 : i32
    %dma_start3A_84 = tpu.memref_slice %arg2[%dma_start3A_82, %dma_start3A_83] : memref<20000x128xf32, #tpu.memory_space<hbm>> -> memref<20000x128xf32, #tpu.memory_space<hbm>>
    tpu.enqueue_indirect_dma source(%dma_start3A_84 : memref<20000x128xf32, #tpu.memory_space<hbm>>) target(%arg13 : memref<50x128xf32, #tpu.memory_space<vmem>>) offsets(%dma_start3A_81 : memref<50xi32, #tpu.memory_space<vmem>>) semaphore(%arg21 : memref<!tpu.dma_semaphore, #tpu.memory_space<semaphore_mem>>)
    %dma_start3A_85 = arith.constant 4 : i32
    %dma_start3A_86 = arith.constant 0 : i32
    %dma_start3A_87 = tpu.memref_slice %arg6[%dma_start3A_85, %dma_start3A_86] : memref<50x50xi32, #tpu.memory_space<vmem>> -> memref<1x50xi32, #tpu.memory_space<vmem>>
    %dma_start3A_88 = tpu.memref_squeeze %dma_start3A_87 : memref<1x50xi32, #tpu.memory_space<vmem>> -> memref<50xi32, #tpu.memory_space<vmem>>
    %dma_start3A_89 = arith.constant 0 : i32
    %dma_start3A_90 = arith.constant 0 : i32
    %dma_start3A_91 = tpu.memref_slice %arg2[%dma_start3A_89, %dma_start3A_90] : memref<20000x128xf32, #tpu.memory_space<hbm>> -> memref<20000x128xf32, #tpu.memory_space<hbm>>
    tpu.enqueue_indirect_dma source(%dma_start3A_91 : memref<20000x128xf32, #tpu.memory_space<hbm>>) target(%arg14 : memref<50x128xf32, #tpu.memory_space<vmem>>) offsets(%dma_start3A_88 : memref<50xi32, #tpu.memory_space<vmem>>) semaphore(%arg22 : memref<!tpu.dma_semaphore, #tpu.memory_space<semaphore_mem>>)
    %scan3A = arith.constant 0 : i32
    %scan3A_92 = arith.constant 0 : i32
    %scan3A_93 = arith.constant 10 : i32
    %scan3A_94 = arith.addi %scan3A_92, %scan3A_93 : i32
    %scan3A_95 = arith.constant 1 : i32
    scf.for %scan3A_458 = %scan3A_92 to %scan3A_94 step %scan3A_95  : i32 {
      %mul3A_459 = arith.constant 5 : i32
      %mul3A_460 = arith.muli %mul3A_459, %scan3A_458 : i32
      %add3A_461 = arith.constant 0 : i32
      %add3A_462 = arith.addi %mul3A_460, %add3A_461 : i32
      %dma_wait3A_463 = arith.constant 0 : i32
      %dma_wait3A_464 = tpu.memref_slice %arg6[%add3A_462, %dma_wait3A_463] : memref<50x50xi32, #tpu.memory_space<vmem>> -> memref<1x50xi32, #tpu.memory_space<vmem>>
      %dma_wait3A_465 = tpu.memref_squeeze %dma_wait3A_464 : memref<1x50xi32, #tpu.memory_space<vmem>> -> memref<50xi32, #tpu.memory_space<vmem>>
      %dma_wait3A_466 = arith.constant 0 : i32
      %dma_wait3A_467 = arith.constant 0 : i32
      %dma_wait3A_468 = tpu.memref_slice %arg2[%dma_wait3A_466, %dma_wait3A_467] : memref<20000x128xf32, #tpu.memory_space<hbm>> -> memref<20000x128xf32, #tpu.memory_space<hbm>>
      tpu.wait_indirect_dma semaphore(%arg18 : memref<!tpu.dma_semaphore, #tpu.memory_space<semaphore_mem>>) src(%dma_wait3A_468 : memref<20000x128xf32, #tpu.memory_space<hbm>>) dst(%arg10 : memref<50x128xf32, #tpu.memory_space<vmem>>)
      %add3A_469 = arith.constant 0 : i32
      %add3A_470 = arith.addi %mul3A_460, %add3A_469 : i32
      %dma_start3A_471 = arith.constant 0 : i32
      %dma_start3A_472 = tpu.memref_slice %arg8[%add3A_470, %dma_start3A_471] : memref<50x50xi32, #tpu.memory_space<vmem>> -> memref<1x50xi32, #tpu.memory_space<vmem>>
      %dma_start3A_473 = tpu.memref_squeeze %dma_start3A_472 : memref<1x50xi32, #tpu.memory_space<vmem>> -> memref<50xi32, #tpu.memory_space<vmem>>
      %dma_start3A_474 = arith.constant 0 : i32
      %dma_start3A_475 = arith.constant 0 : i32
      %dma_start3A_476 = tpu.memref_slice %arg15[%dma_start3A_474, %dma_start3A_475] : memref<10000x128xf32, #tpu.memory_space<vmem_shared>> -> memref<10000x128xf32, #tpu.memory_space<vmem_shared>>
      tpu.enqueue_indirect_dma source(%arg10 : memref<50x128xf32, #tpu.memory_space<vmem>>) target(%dma_start3A_476 : memref<10000x128xf32, #tpu.memory_space<vmem_shared>>) offsets(%dma_start3A_473 : memref<50xi32, #tpu.memory_space<vmem>>) semaphore(%arg23 : memref<!tpu.dma_semaphore, #tpu.memory_space<semaphore_mem>>) {add = true}
      %add3A_477 = arith.constant 1 : i32
      %add3A_478 = arith.addi %mul3A_460, %add3A_477 : i32
      %dma_wait3A_479 = arith.constant 0 : i32
      %dma_wait3A_480 = tpu.memref_slice %arg6[%add3A_478, %dma_wait3A_479] : memref<50x50xi32, #tpu.memory_space<vmem>> -> memref<1x50xi32, #tpu.memory_space<vmem>>
      %dma_wait3A_481 = tpu.memref_squeeze %dma_wait3A_480 : memref<1x50xi32, #tpu.memory_space<vmem>> -> memref<50xi32, #tpu.memory_space<vmem>>
      %dma_wait3A_482 = arith.constant 0 : i32
      %dma_wait3A_483 = arith.constant 0 : i32
      %dma_wait3A_484 = tpu.memref_slice %arg2[%dma_wait3A_482, %dma_wait3A_483] : memref<20000x128xf32, #tpu.memory_space<hbm>> -> memref<20000x128xf32, #tpu.memory_space<hbm>>
      tpu.wait_indirect_dma semaphore(%arg19 : memref<!tpu.dma_semaphore, #tpu.memory_space<semaphore_mem>>) src(%dma_wait3A_484 : memref<20000x128xf32, #tpu.memory_space<hbm>>) dst(%arg11 : memref<50x128xf32, #tpu.memory_space<vmem>>)
      %add3A_485 = arith.constant 1 : i32
      %add3A_486 = arith.addi %mul3A_460, %add3A_485 : i32
      %dma_start3A_487 = arith.constant 0 : i32
      %dma_start3A_488 = tpu.memref_slice %arg8[%add3A_486, %dma_start3A_487] : memref<50x50xi32, #tpu.memory_space<vmem>> -> memref<1x50xi32, #tpu.memory_space<vmem>>
      %dma_start3A_489 = tpu.memref_squeeze %dma_start3A_488 : memref<1x50xi32, #tpu.memory_space<vmem>> -> memref<50xi32, #tpu.memory_space<vmem>>
      %dma_start3A_490 = arith.constant 0 : i32
      %dma_start3A_491 = arith.constant 0 : i32
      %dma_start3A_492 = tpu.memref_slice %arg15[%dma_start3A_490, %dma_start3A_491] : memref<10000x128xf32, #tpu.memory_space<vmem_shared>> -> memref<10000x128xf32, #tpu.memory_space<vmem_shared>>
      tpu.enqueue_indirect_dma source(%arg11 : memref<50x128xf32, #tpu.memory_space<vmem>>) target(%dma_start3A_492 : memref<10000x128xf32, #tpu.memory_space<vmem_shared>>) offsets(%dma_start3A_489 : memref<50xi32, #tpu.memory_space<vmem>>) semaphore(%arg24 : memref<!tpu.dma_semaphore, #tpu.memory_space<semaphore_mem>>) {add = true}
      %add3A_493 = arith.constant 2 : i32
      %add3A_494 = arith.addi %mul3A_460, %add3A_493 : i32
      %dma_wait3A_495 = arith.constant 0 : i32
      %dma_wait3A_496 = tpu.memref_slice %arg6[%add3A_494, %dma_wait3A_495] : memref<50x50xi32, #tpu.memory_space<vmem>> -> memref<1x50xi32, #tpu.memory_space<vmem>>
      %dma_wait3A_497 = tpu.memref_squeeze %dma_wait3A_496 : memref<1x50xi32, #tpu.memory_space<vmem>> -> memref<50xi32, #tpu.memory_space<vmem>>
      %dma_wait3A_498 = arith.constant 0 : i32
      %dma_wait3A_499 = arith.constant 0 : i32
      %dma_wait3A_500 = tpu.memref_slice %arg2[%dma_wait3A_498, %dma_wait3A_499] : memref<20000x128xf32, #tpu.memory_space<hbm>> -> memref<20000x128xf32, #tpu.memory_space<hbm>>
      tpu.wait_indirect_dma semaphore(%arg20 : memref<!tpu.dma_semaphore, #tpu.memory_space<semaphore_mem>>) src(%dma_wait3A_500 : memref<20000x128xf32, #tpu.memory_space<hbm>>) dst(%arg12 : memref<50x128xf32, #tpu.memory_space<vmem>>)
      %add3A_501 = arith.constant 2 : i32
      %add3A_502 = arith.addi %mul3A_460, %add3A_501 : i32
      %dma_start3A_503 = arith.constant 0 : i32
      %dma_start3A_504 = tpu.memref_slice %arg8[%add3A_502, %dma_start3A_503] : memref<50x50xi32, #tpu.memory_space<vmem>> -> memref<1x50xi32, #tpu.memory_space<vmem>>
      %dma_start3A_505 = tpu.memref_squeeze %dma_start3A_504 : memref<1x50xi32, #tpu.memory_space<vmem>> -> memref<50xi32, #tpu.memory_space<vmem>>
      %dma_start3A_506 = arith.constant 0 : i32
      %dma_start3A_507 = arith.constant 0 : i32
      %dma_start3A_508 = tpu.memref_slice %arg15[%dma_start3A_506, %dma_start3A_507] : memref<10000x128xf32, #tpu.memory_space<vmem_shared>> -> memref<10000x128xf32, #tpu.memory_space<vmem_shared>>
      tpu.enqueue_indirect_dma source(%arg12 : memref<50x128xf32, #tpu.memory_space<vmem>>) target(%dma_start3A_508 : memref<10000x128xf32, #tpu.memory_space<vmem_shared>>) offsets(%dma_start3A_505 : memref<50xi32, #tpu.memory_space<vmem>>) semaphore(%arg25 : memref<!tpu.dma_semaphore, #tpu.memory_space<semaphore_mem>>) {add = true}
      %add3A_509 = arith.constant 3 : i32
      %add3A_510 = arith.addi %mul3A_460, %add3A_509 : i32
      %dma_wait3A_511 = arith.constant 0 : i32
      %dma_wait3A_512 = tpu.memref_slice %arg6[%add3A_510, %dma_wait3A_511] : memref<50x50xi32, #tpu.memory_space<vmem>> -> memref<1x50xi32, #tpu.memory_space<vmem>>
      %dma_wait3A_513 = tpu.memref_squeeze %dma_wait3A_512 : memref<1x50xi32, #tpu.memory_space<vmem>> -> memref<50xi32, #tpu.memory_space<vmem>>
      %dma_wait3A_514 = arith.constant 0 : i32
      %dma_wait3A_515 = arith.constant 0 : i32
      %dma_wait3A_516 = tpu.memref_slice %arg2[%dma_wait3A_514, %dma_wait3A_515] : memref<20000x128xf32, #tpu.memory_space<hbm>> -> memref<20000x128xf32, #tpu.memory_space<hbm>>
      tpu.wait_indirect_dma semaphore(%arg21 : memref<!tpu.dma_semaphore, #tpu.memory_space<semaphore_mem>>) src(%dma_wait3A_516 : memref<20000x128xf32, #tpu.memory_space<hbm>>) dst(%arg13 : memref<50x128xf32, #tpu.memory_space<vmem>>)
      %add3A_517 = arith.constant 3 : i32
      %add3A_518 = arith.addi %mul3A_460, %add3A_517 : i32
      %dma_start3A_519 = arith.constant 0 : i32
      %dma_start3A_520 = tpu.memref_slice %arg8[%add3A_518, %dma_start3A_519] : memref<50x50xi32, #tpu.memory_space<vmem>> -> memref<1x50xi32, #tpu.memory_space<vmem>>
      %dma_start3A_521 = tpu.memref_squeeze %dma_start3A_520 : memref<1x50xi32, #tpu.memory_space<vmem>> -> memref<50xi32, #tpu.memory_space<vmem>>
      %dma_start3A_522 = arith.constant 0 : i32
      %dma_start3A_523 = arith.constant 0 : i32
      %dma_start3A_524 = tpu.memref_slice %arg15[%dma_start3A_522, %dma_start3A_523] : memref<10000x128xf32, #tpu.memory_space<vmem_shared>> -> memref<10000x128xf32, #tpu.memory_space<vmem_shared>>
      tpu.enqueue_indirect_dma source(%arg13 : memref<50x128xf32, #tpu.memory_space<vmem>>) target(%dma_start3A_524 : memref<10000x128xf32, #tpu.memory_space<vmem_shared>>) offsets(%dma_start3A_521 : memref<50xi32, #tpu.memory_space<vmem>>) semaphore(%arg26 : memref<!tpu.dma_semaphore, #tpu.memory_space<semaphore_mem>>) {add = true}
      %add3A_525 = arith.constant 4 : i32
      %add3A_526 = arith.addi %mul3A_460, %add3A_525 : i32
      %dma_wait3A_527 = arith.constant 0 : i32
      %dma_wait3A_528 = tpu.memref_slice %arg6[%add3A_526, %dma_wait3A_527] : memref<50x50xi32, #tpu.memory_space<vmem>> -> memref<1x50xi32, #tpu.memory_space<vmem>>
      %dma_wait3A_529 = tpu.memref_squeeze %dma_wait3A_528 : memref<1x50xi32, #tpu.memory_space<vmem>> -> memref<50xi32, #tpu.memory_space<vmem>>
      %dma_wait3A_530 = arith.constant 0 : i32
      %dma_wait3A_531 = arith.constant 0 : i32
      %dma_wait3A_532 = tpu.memref_slice %arg2[%dma_wait3A_530, %dma_wait3A_531] : memref<20000x128xf32, #tpu.memory_space<hbm>> -> memref<20000x128xf32, #tpu.memory_space<hbm>>
      tpu.wait_indirect_dma semaphore(%arg22 : memref<!tpu.dma_semaphore, #tpu.memory_space<semaphore_mem>>) src(%dma_wait3A_532 : memref<20000x128xf32, #tpu.memory_space<hbm>>) dst(%arg14 : memref<50x128xf32, #tpu.memory_space<vmem>>)
      %add3A_533 = arith.constant 4 : i32
      %add3A_534 = arith.addi %mul3A_460, %add3A_533 : i32
      %dma_start3A_535 = arith.constant 0 : i32
      %dma_start3A_536 = tpu.memref_slice %arg8[%add3A_534, %dma_start3A_535] : memref<50x50xi32, #tpu.memory_space<vmem>> -> memref<1x50xi32, #tpu.memory_space<vmem>>
      %dma_start3A_537 = tpu.memref_squeeze %dma_start3A_536 : memref<1x50xi32, #tpu.memory_space<vmem>> -> memref<50xi32, #tpu.memory_space<vmem>>
      %dma_start3A_538 = arith.constant 0 : i32
      %dma_start3A_539 = arith.constant 0 : i32
      %dma_start3A_540 = tpu.memref_slice %arg15[%dma_start3A_538, %dma_start3A_539] : memref<10000x128xf32, #tpu.memory_space<vmem_shared>> -> memref<10000x128xf32, #tpu.memory_space<vmem_shared>>
      tpu.enqueue_indirect_dma source(%arg14 : memref<50x128xf32, #tpu.memory_space<vmem>>) target(%dma_start3A_540 : memref<10000x128xf32, #tpu.memory_space<vmem_shared>>) offsets(%dma_start3A_537 : memref<50xi32, #tpu.memory_space<vmem>>) semaphore(%arg27 : memref<!tpu.dma_semaphore, #tpu.memory_space<semaphore_mem>>) {add = true}
      %lt3A = arith.constant 9 : i32
      %lt3A_541 = arith.cmpi slt, %scan3A_458, %lt3A : i32
      %convert_element_type3A = arith.extui %lt3A_541 : i1 to i32
      %cond3A = arith.constant 0 : i32
      %cond3A_542 = arith.cmpi ne, %convert_element_type3A, %cond3A : i32
      scf.if %cond3A_542 {
        %add3A_543 = arith.constant 0 : i32
        %add3A_544 = arith.addi %mul3A_460, %add3A_543 : i32
        %dma_wait3A_545 = arith.constant 0 : i32
        %dma_wait3A_546 = tpu.memref_slice %arg8[%add3A_544, %dma_wait3A_545] : memref<50x50xi32, #tpu.memory_space<vmem>> -> memref<1x50xi32, #tpu.memory_space<vmem>>
        %dma_wait3A_547 = tpu.memref_squeeze %dma_wait3A_546 : memref<1x50xi32, #tpu.memory_space<vmem>> -> memref<50xi32, #tpu.memory_space<vmem>>
        %dma_wait3A_548 = arith.constant 0 : i32
        %dma_wait3A_549 = arith.constant 0 : i32
        %dma_wait3A_550 = tpu.memref_slice %arg15[%dma_wait3A_548, %dma_wait3A_549] : memref<10000x128xf32, #tpu.memory_space<vmem_shared>> -> memref<10000x128xf32, #tpu.memory_space<vmem_shared>>
        tpu.wait_indirect_dma semaphore(%arg23 : memref<!tpu.dma_semaphore, #tpu.memory_space<semaphore_mem>>) src(%arg10 : memref<50x128xf32, #tpu.memory_space<vmem>>) dst(%dma_wait3A_550 : memref<10000x128xf32, #tpu.memory_space<vmem_shared>>)
        %add3A_551 = arith.constant 5 : i32
        %add3A_552 = arith.addi %mul3A_460, %add3A_551 : i32
        %add3A_553 = arith.constant 0 : i32
        %add3A_554 = arith.addi %add3A_552, %add3A_553 : i32
        %dma_start3A_555 = arith.constant 0 : i32
        %dma_start3A_556 = tpu.memref_slice %arg6[%add3A_554, %dma_start3A_555] : memref<50x50xi32, #tpu.memory_space<vmem>> -> memref<1x50xi32, #tpu.memory_space<vmem>>
        %dma_start3A_557 = tpu.memref_squeeze %dma_start3A_556 : memref<1x50xi32, #tpu.memory_space<vmem>> -> memref<50xi32, #tpu.memory_space<vmem>>
        %dma_start3A_558 = arith.constant 0 : i32
        %dma_start3A_559 = arith.constant 0 : i32
        %dma_start3A_560 = tpu.memref_slice %arg2[%dma_start3A_558, %dma_start3A_559] : memref<20000x128xf32, #tpu.memory_space<hbm>> -> memref<20000x128xf32, #tpu.memory_space<hbm>>
        tpu.enqueue_indirect_dma source(%dma_start3A_560 : memref<20000x128xf32, #tpu.memory_space<hbm>>) target(%arg10 : memref<50x128xf32, #tpu.memory_space<vmem>>) offsets(%dma_start3A_557 : memref<50xi32, #tpu.memory_space<vmem>>) semaphore(%arg18 : memref<!tpu.dma_semaphore, #tpu.memory_space<semaphore_mem>>)
        %add3A_561 = arith.constant 1 : i32
        %add3A_562 = arith.addi %mul3A_460, %add3A_561 : i32
        %dma_wait3A_563 = arith.constant 0 : i32
        %dma_wait3A_564 = tpu.memref_slice %arg8[%add3A_562, %dma_wait3A_563] : memref<50x50xi32, #tpu.memory_space<vmem>> -> memref<1x50xi32, #tpu.memory_space<vmem>>
        %dma_wait3A_565 = tpu.memref_squeeze %dma_wait3A_564 : memref<1x50xi32, #tpu.memory_space<vmem>> -> memref<50xi32, #tpu.memory_space<vmem>>
        %dma_wait3A_566 = arith.constant 0 : i32
        %dma_wait3A_567 = arith.constant 0 : i32
        %dma_wait3A_568 = tpu.memref_slice %arg15[%dma_wait3A_566, %dma_wait3A_567] : memref<10000x128xf32, #tpu.memory_space<vmem_shared>> -> memref<10000x128xf32, #tpu.memory_space<vmem_shared>>
        tpu.wait_indirect_dma semaphore(%arg24 : memref<!tpu.dma_semaphore, #tpu.memory_space<semaphore_mem>>) src(%arg11 : memref<50x128xf32, #tpu.memory_space<vmem>>) dst(%dma_wait3A_568 : memref<10000x128xf32, #tpu.memory_space<vmem_shared>>)
        %add3A_569 = arith.constant 5 : i32
        %add3A_570 = arith.addi %mul3A_460, %add3A_569 : i32
        %add3A_571 = arith.constant 1 : i32
        %add3A_572 = arith.addi %add3A_570, %add3A_571 : i32
        %dma_start3A_573 = arith.constant 0 : i32
        %dma_start3A_574 = tpu.memref_slice %arg6[%add3A_572, %dma_start3A_573] : memref<50x50xi32, #tpu.memory_space<vmem>> -> memref<1x50xi32, #tpu.memory_space<vmem>>
        %dma_start3A_575 = tpu.memref_squeeze %dma_start3A_574 : memref<1x50xi32, #tpu.memory_space<vmem>> -> memref<50xi32, #tpu.memory_space<vmem>>
        %dma_start3A_576 = arith.constant 0 : i32
        %dma_start3A_577 = arith.constant 0 : i32
        %dma_start3A_578 = tpu.memref_slice %arg2[%dma_start3A_576, %dma_start3A_577] : memref<20000x128xf32, #tpu.memory_space<hbm>> -> memref<20000x128xf32, #tpu.memory_space<hbm>>
        tpu.enqueue_indirect_dma source(%dma_start3A_578 : memref<20000x128xf32, #tpu.memory_space<hbm>>) target(%arg11 : memref<50x128xf32, #tpu.memory_space<vmem>>) offsets(%dma_start3A_575 : memref<50xi32, #tpu.memory_space<vmem>>) semaphore(%arg19 : memref<!tpu.dma_semaphore, #tpu.memory_space<semaphore_mem>>)
        %add3A_579 = arith.constant 2 : i32
        %add3A_580 = arith.addi %mul3A_460, %add3A_579 : i32
        %dma_wait3A_581 = arith.constant 0 : i32
        %dma_wait3A_582 = tpu.memref_slice %arg8[%add3A_580, %dma_wait3A_581] : memref<50x50xi32, #tpu.memory_space<vmem>> -> memref<1x50xi32, #tpu.memory_space<vmem>>
        %dma_wait3A_583 = tpu.memref_squeeze %dma_wait3A_582 : memref<1x50xi32, #tpu.memory_space<vmem>> -> memref<50xi32, #tpu.memory_space<vmem>>
        %dma_wait3A_584 = arith.constant 0 : i32
        %dma_wait3A_585 = arith.constant 0 : i32
        %dma_wait3A_586 = tpu.memref_slice %arg15[%dma_wait3A_584, %dma_wait3A_585] : memref<10000x128xf32, #tpu.memory_space<vmem_shared>> -> memref<10000x128xf32, #tpu.memory_space<vmem_shared>>
        tpu.wait_indirect_dma semaphore(%arg25 : memref<!tpu.dma_semaphore, #tpu.memory_space<semaphore_mem>>) src(%arg12 : memref<50x128xf32, #tpu.memory_space<vmem>>) dst(%dma_wait3A_586 : memref<10000x128xf32, #tpu.memory_space<vmem_shared>>)
        %add3A_587 = arith.constant 5 : i32
        %add3A_588 = arith.addi %mul3A_460, %add3A_587 : i32
        %add3A_589 = arith.constant 2 : i32
        %add3A_590 = arith.addi %add3A_588, %add3A_589 : i32
        %dma_start3A_591 = arith.constant 0 : i32
        %dma_start3A_592 = tpu.memref_slice %arg6[%add3A_590, %dma_start3A_591] : memref<50x50xi32, #tpu.memory_space<vmem>> -> memref<1x50xi32, #tpu.memory_space<vmem>>
        %dma_start3A_593 = tpu.memref_squeeze %dma_start3A_592 : memref<1x50xi32, #tpu.memory_space<vmem>> -> memref<50xi32, #tpu.memory_space<vmem>>
        %dma_start3A_594 = arith.constant 0 : i32
        %dma_start3A_595 = arith.constant 0 : i32
        %dma_start3A_596 = tpu.memref_slice %arg2[%dma_start3A_594, %dma_start3A_595] : memref<20000x128xf32, #tpu.memory_space<hbm>> -> memref<20000x128xf32, #tpu.memory_space<hbm>>
        tpu.enqueue_indirect_dma source(%dma_start3A_596 : memref<20000x128xf32, #tpu.memory_space<hbm>>) target(%arg12 : memref<50x128xf32, #tpu.memory_space<vmem>>) offsets(%dma_start3A_593 : memref<50xi32, #tpu.memory_space<vmem>>) semaphore(%arg20 : memref<!tpu.dma_semaphore, #tpu.memory_space<semaphore_mem>>)
        %add3A_597 = arith.constant 3 : i32
        %add3A_598 = arith.addi %mul3A_460, %add3A_597 : i32
        %dma_wait3A_599 = arith.constant 0 : i32
        %dma_wait3A_600 = tpu.memref_slice %arg8[%add3A_598, %dma_wait3A_599] : memref<50x50xi32, #tpu.memory_space<vmem>> -> memref<1x50xi32, #tpu.memory_space<vmem>>
        %dma_wait3A_601 = tpu.memref_squeeze %dma_wait3A_600 : memref<1x50xi32, #tpu.memory_space<vmem>> -> memref<50xi32, #tpu.memory_space<vmem>>
        %dma_wait3A_602 = arith.constant 0 : i32
        %dma_wait3A_603 = arith.constant 0 : i32
        %dma_wait3A_604 = tpu.memref_slice %arg15[%dma_wait3A_602, %dma_wait3A_603] : memref<10000x128xf32, #tpu.memory_space<vmem_shared>> -> memref<10000x128xf32, #tpu.memory_space<vmem_shared>>
        tpu.wait_indirect_dma semaphore(%arg26 : memref<!tpu.dma_semaphore, #tpu.memory_space<semaphore_mem>>) src(%arg13 : memref<50x128xf32, #tpu.memory_space<vmem>>) dst(%dma_wait3A_604 : memref<10000x128xf32, #tpu.memory_space<vmem_shared>>)
        %add3A_605 = arith.constant 5 : i32
        %add3A_606 = arith.addi %mul3A_460, %add3A_605 : i32
        %add3A_607 = arith.constant 3 : i32
        %add3A_608 = arith.addi %add3A_606, %add3A_607 : i32
        %dma_start3A_609 = arith.constant 0 : i32
        %dma_start3A_610 = tpu.memref_slice %arg6[%add3A_608, %dma_start3A_609] : memref<50x50xi32, #tpu.memory_space<vmem>> -> memref<1x50xi32, #tpu.memory_space<vmem>>
        %dma_start3A_611 = tpu.memref_squeeze %dma_start3A_610 : memref<1x50xi32, #tpu.memory_space<vmem>> -> memref<50xi32, #tpu.memory_space<vmem>>
        %dma_start3A_612 = arith.constant 0 : i32
        %dma_start3A_613 = arith.constant 0 : i32
        %dma_start3A_614 = tpu.memref_slice %arg2[%dma_start3A_612, %dma_start3A_613] : memref<20000x128xf32, #tpu.memory_space<hbm>> -> memref<20000x128xf32, #tpu.memory_space<hbm>>
        tpu.enqueue_indirect_dma source(%dma_start3A_614 : memref<20000x128xf32, #tpu.memory_space<hbm>>) target(%arg13 : memref<50x128xf32, #tpu.memory_space<vmem>>) offsets(%dma_start3A_611 : memref<50xi32, #tpu.memory_space<vmem>>) semaphore(%arg21 : memref<!tpu.dma_semaphore, #tpu.memory_space<semaphore_mem>>)
        %add3A_615 = arith.constant 4 : i32
        %add3A_616 = arith.addi %mul3A_460, %add3A_615 : i32
        %dma_wait3A_617 = arith.constant 0 : i32
        %dma_wait3A_618 = tpu.memref_slice %arg8[%add3A_616, %dma_wait3A_617] : memref<50x50xi32, #tpu.memory_space<vmem>> -> memref<1x50xi32, #tpu.memory_space<vmem>>
        %dma_wait3A_619 = tpu.memref_squeeze %dma_wait3A_618 : memref<1x50xi32, #tpu.memory_space<vmem>> -> memref<50xi32, #tpu.memory_space<vmem>>
        %dma_wait3A_620 = arith.constant 0 : i32
        %dma_wait3A_621 = arith.constant 0 : i32
        %dma_wait3A_622 = tpu.memref_slice %arg15[%dma_wait3A_620, %dma_wait3A_621] : memref<10000x128xf32, #tpu.memory_space<vmem_shared>> -> memref<10000x128xf32, #tpu.memory_space<vmem_shared>>
        tpu.wait_indirect_dma semaphore(%arg27 : memref<!tpu.dma_semaphore, #tpu.memory_space<semaphore_mem>>) src(%arg14 : memref<50x128xf32, #tpu.memory_space<vmem>>) dst(%dma_wait3A_622 : memref<10000x128xf32, #tpu.memory_space<vmem_shared>>)
        %add3A_623 = arith.constant 5 : i32
        %add3A_624 = arith.addi %mul3A_460, %add3A_623 : i32
        %add3A_625 = arith.constant 4 : i32
        %add3A_626 = arith.addi %add3A_624, %add3A_625 : i32
        %dma_start3A_627 = arith.constant 0 : i32
        %dma_start3A_628 = tpu.memref_slice %arg6[%add3A_626, %dma_start3A_627] : memref<50x50xi32, #tpu.memory_space<vmem>> -> memref<1x50xi32, #tpu.memory_space<vmem>>
        %dma_start3A_629 = tpu.memref_squeeze %dma_start3A_628 : memref<1x50xi32, #tpu.memory_space<vmem>> -> memref<50xi32, #tpu.memory_space<vmem>>
        %dma_start3A_630 = arith.constant 0 : i32
        %dma_start3A_631 = arith.constant 0 : i32
        %dma_start3A_632 = tpu.memref_slice %arg2[%dma_start3A_630, %dma_start3A_631] : memref<20000x128xf32, #tpu.memory_space<hbm>> -> memref<20000x128xf32, #tpu.memory_space<hbm>>
        tpu.enqueue_indirect_dma source(%dma_start3A_632 : memref<20000x128xf32, #tpu.memory_space<hbm>>) target(%arg14 : memref<50x128xf32, #tpu.memory_space<vmem>>) offsets(%dma_start3A_629 : memref<50xi32, #tpu.memory_space<vmem>>) semaphore(%arg22 : memref<!tpu.dma_semaphore, #tpu.memory_space<semaphore_mem>>)
      } else {
      }
    }
    %scan3A_96 = arith.constant 10 : i32
    %dma_wait3A_97 = arith.constant 45 : i32
    %dma_wait3A_98 = arith.constant 0 : i32
    %dma_wait3A_99 = tpu.memref_slice %arg8[%dma_wait3A_97, %dma_wait3A_98] : memref<50x50xi32, #tpu.memory_space<vmem>> -> memref<1x50xi32, #tpu.memory_space<vmem>>
    %dma_wait3A_100 = tpu.memref_squeeze %dma_wait3A_99 : memref<1x50xi32, #tpu.memory_space<vmem>> -> memref<50xi32, #tpu.memory_space<vmem>>
    %dma_wait3A_101 = arith.constant 0 : i32
    %dma_wait3A_102 = arith.constant 0 : i32
    %dma_wait3A_103 = tpu.memref_slice %arg15[%dma_wait3A_101, %dma_wait3A_102] : memref<10000x128xf32, #tpu.memory_space<vmem_shared>> -> memref<10000x128xf32, #tpu.memory_space<vmem_shared>>
    tpu.wait_indirect_dma semaphore(%arg23 : memref<!tpu.dma_semaphore, #tpu.memory_space<semaphore_mem>>) src(%arg10 : memref<50x128xf32, #tpu.memory_space<vmem>>) dst(%dma_wait3A_103 : memref<10000x128xf32, #tpu.memory_space<vmem_shared>>)
    %dma_wait3A_104 = arith.constant 46 : i32
    %dma_wait3A_105 = arith.constant 0 : i32
    %dma_wait3A_106 = tpu.memref_slice %arg8[%dma_wait3A_104, %dma_wait3A_105] : memref<50x50xi32, #tpu.memory_space<vmem>> -> memref<1x50xi32, #tpu.memory_space<vmem>>
    %dma_wait3A_107 = tpu.memref_squeeze %dma_wait3A_106 : memref<1x50xi32, #tpu.memory_space<vmem>> -> memref<50xi32, #tpu.memory_space<vmem>>
    %dma_wait3A_108 = arith.constant 0 : i32
    %dma_wait3A_109 = arith.constant 0 : i32
    %dma_wait3A_110 = tpu.memref_slice %arg15[%dma_wait3A_108, %dma_wait3A_109] : memref<10000x128xf32, #tpu.memory_space<vmem_shared>> -> memref<10000x128xf32, #tpu.memory_space<vmem_shared>>
    tpu.wait_indirect_dma semaphore(%arg24 : memref<!tpu.dma_semaphore, #tpu.memory_space<semaphore_mem>>) src(%arg11 : memref<50x128xf32, #tpu.memory_space<vmem>>) dst(%dma_wait3A_110 : memref<10000x128xf32, #tpu.memory_space<vmem_shared>>)
    %dma_wait3A_111 = arith.constant 47 : i32
    %dma_wait3A_112 = arith.constant 0 : i32
    %dma_wait3A_113 = tpu.memref_slice %arg8[%dma_wait3A_111, %dma_wait3A_112] : memref<50x50xi32, #tpu.memory_space<vmem>> -> memref<1x50xi32, #tpu.memory_space<vmem>>
    %dma_wait3A_114 = tpu.memref_squeeze %dma_wait3A_113 : memref<1x50xi32, #tpu.memory_space<vmem>> -> memref<50xi32, #tpu.memory_space<vmem>>
    %dma_wait3A_115 = arith.constant 0 : i32
    %dma_wait3A_116 = arith.constant 0 : i32
    %dma_wait3A_117 = tpu.memref_slice %arg15[%dma_wait3A_115, %dma_wait3A_116] : memref<10000x128xf32, #tpu.memory_space<vmem_shared>> -> memref<10000x128xf32, #tpu.memory_space<vmem_shared>>
    tpu.wait_indirect_dma semaphore(%arg25 : memref<!tpu.dma_semaphore, #tpu.memory_space<semaphore_mem>>) src(%arg12 : memref<50x128xf32, #tpu.memory_space<vmem>>) dst(%dma_wait3A_117 : memref<10000x128xf32, #tpu.memory_space<vmem_shared>>)
    %dma_wait3A_118 = arith.constant 48 : i32
    %dma_wait3A_119 = arith.constant 0 : i32
    %dma_wait3A_120 = tpu.memref_slice %arg8[%dma_wait3A_118, %dma_wait3A_119] : memref<50x50xi32, #tpu.memory_space<vmem>> -> memref<1x50xi32, #tpu.memory_space<vmem>>
    %dma_wait3A_121 = tpu.memref_squeeze %dma_wait3A_120 : memref<1x50xi32, #tpu.memory_space<vmem>> -> memref<50xi32, #tpu.memory_space<vmem>>
    %dma_wait3A_122 = arith.constant 0 : i32
    %dma_wait3A_123 = arith.constant 0 : i32
    %dma_wait3A_124 = tpu.memref_slice %arg15[%dma_wait3A_122, %dma_wait3A_123] : memref<10000x128xf32, #tpu.memory_space<vmem_shared>> -> memref<10000x128xf32, #tpu.memory_space<vmem_shared>>
    tpu.wait_indirect_dma semaphore(%arg26 : memref<!tpu.dma_semaphore, #tpu.memory_space<semaphore_mem>>) src(%arg13 : memref<50x128xf32, #tpu.memory_space<vmem>>) dst(%dma_wait3A_124 : memref<10000x128xf32, #tpu.memory_space<vmem_shared>>)
    %dma_wait3A_125 = arith.constant 49 : i32
    %dma_wait3A_126 = arith.constant 0 : i32
    %dma_wait3A_127 = tpu.memref_slice %arg8[%dma_wait3A_125, %dma_wait3A_126] : memref<50x50xi32, #tpu.memory_space<vmem>> -> memref<1x50xi32, #tpu.memory_space<vmem>>
    %dma_wait3A_128 = tpu.memref_squeeze %dma_wait3A_127 : memref<1x50xi32, #tpu.memory_space<vmem>> -> memref<50xi32, #tpu.memory_space<vmem>>
    %dma_wait3A_129 = arith.constant 0 : i32
    %dma_wait3A_130 = arith.constant 0 : i32
    %dma_wait3A_131 = tpu.memref_slice %arg15[%dma_wait3A_129, %dma_wait3A_130] : memref<10000x128xf32, #tpu.memory_space<vmem_shared>> -> memref<10000x128xf32, #tpu.memory_space<vmem_shared>>
    tpu.wait_indirect_dma semaphore(%arg27 : memref<!tpu.dma_semaphore, #tpu.memory_space<semaphore_mem>>) src(%arg14 : memref<50x128xf32, #tpu.memory_space<vmem>>) dst(%dma_wait3A_131 : memref<10000x128xf32, #tpu.memory_space<vmem_shared>>)
    %dma_wait3A_132 = arith.constant 1 : i32
    %dma_wait3A_133 = arith.constant 0 : i32
    %dma_wait3A_134 = arith.constant 0 : i32
    %dma_wait3A_135 = tpu.memref_slice %arg3[%arg0, %arg1, %dma_wait3A_132, %dma_wait3A_133, %dma_wait3A_134] : memref<2x16x4x50x50xi32, #tpu.memory_space<hbm>> -> memref<1x1x1x50x50xi32, #tpu.memory_space<hbm>>
    %dma_wait3A_136 = tpu.memref_squeeze %dma_wait3A_135 : memref<1x1x1x50x50xi32, #tpu.memory_space<hbm>> -> memref<50x50xi32, #tpu.memory_space<hbm>>
    %dma_wait3A_137 = arith.constant 0 : i32
    %dma_wait3A_138 = arith.constant 0 : i32
    %dma_wait3A_139 = tpu.memref_slice %arg3[%arg0, %arg1, %dma_wait3A_132, %dma_wait3A_137, %dma_wait3A_138] : memref<2x16x4x50x50xi32, #tpu.memory_space<hbm>> -> memref<1x1x1x50x50xi32, #tpu.memory_space<hbm>>
    %dma_wait3A_140 = tpu.memref_squeeze %dma_wait3A_139 : memref<1x1x1x50x50xi32, #tpu.memory_space<hbm>> -> memref<50x50xi32, #tpu.memory_space<hbm>>
    tpu.wait_dma2 semaphore(%arg17 : memref<!tpu.dma_semaphore, #tpu.memory_space<semaphore_mem>>) src(%dma_wait3A_140 : memref<50x50xi32, #tpu.memory_space<hbm>>) dst(%arg7 : memref<50x50xi32, #tpu.memory_space<vmem>>)
    %dma_wait3A_141 = arith.constant 1 : i32
    %dma_wait3A_142 = arith.constant 0 : i32
    %dma_wait3A_143 = arith.constant 0 : i32
    %dma_wait3A_144 = tpu.memref_slice %arg4[%arg1, %dma_wait3A_141, %dma_wait3A_142, %dma_wait3A_143] : memref<16x4x50x50xi32, #tpu.memory_space<hbm>> -> memref<1x1x50x50xi32, #tpu.memory_space<hbm>>
    %dma_wait3A_145 = tpu.memref_squeeze %dma_wait3A_144 : memref<1x1x50x50xi32, #tpu.memory_space<hbm>> -> memref<50x50xi32, #tpu.memory_space<hbm>>
    %dma_wait3A_146 = arith.constant 0 : i32
    %dma_wait3A_147 = arith.constant 0 : i32
    %dma_wait3A_148 = tpu.memref_slice %arg4[%arg1, %dma_wait3A_141, %dma_wait3A_146, %dma_wait3A_147] : memref<16x4x50x50xi32, #tpu.memory_space<hbm>> -> memref<1x1x50x50xi32, #tpu.memory_space<hbm>>
    %dma_wait3A_149 = tpu.memref_squeeze %dma_wait3A_148 : memref<1x1x50x50xi32, #tpu.memory_space<hbm>> -> memref<50x50xi32, #tpu.memory_space<hbm>>
    tpu.wait_dma2 semaphore(%arg17 : memref<!tpu.dma_semaphore, #tpu.memory_space<semaphore_mem>>) src(%dma_wait3A_149 : memref<50x50xi32, #tpu.memory_space<hbm>>) dst(%arg9 : memref<50x50xi32, #tpu.memory_space<vmem>>)
    %dma_start3A_150 = arith.constant 2 : i32
    %dma_start3A_151 = arith.constant 0 : i32
    %dma_start3A_152 = arith.constant 0 : i32
    %dma_start3A_153 = tpu.memref_slice %arg3[%arg0, %arg1, %dma_start3A_150, %dma_start3A_151, %dma_start3A_152] : memref<2x16x4x50x50xi32, #tpu.memory_space<hbm>> -> memref<1x1x1x50x50xi32, #tpu.memory_space<hbm>>
    %dma_start3A_154 = tpu.memref_squeeze %dma_start3A_153 : memref<1x1x1x50x50xi32, #tpu.memory_space<hbm>> -> memref<50x50xi32, #tpu.memory_space<hbm>>
    %dma_start3A_155 = arith.constant 0 : i32
    %dma_start3A_156 = arith.constant 0 : i32
    %dma_start3A_157 = tpu.memref_slice %arg3[%arg0, %arg1, %dma_start3A_150, %dma_start3A_155, %dma_start3A_156] : memref<2x16x4x50x50xi32, #tpu.memory_space<hbm>> -> memref<1x1x1x50x50xi32, #tpu.memory_space<hbm>>
    %dma_start3A_158 = tpu.memref_squeeze %dma_start3A_157 : memref<1x1x1x50x50xi32, #tpu.memory_space<hbm>> -> memref<50x50xi32, #tpu.memory_space<hbm>>
    tpu.enqueue_dma source(%dma_start3A_158 : memref<50x50xi32, #tpu.memory_space<hbm>>) target(%arg6 : memref<50x50xi32, #tpu.memory_space<vmem>>) target_semaphore(%arg16 : memref<!tpu.dma_semaphore, #tpu.memory_space<semaphore_mem>>)
    %dma_start3A_159 = arith.constant 2 : i32
    %dma_start3A_160 = arith.constant 0 : i32
    %dma_start3A_161 = arith.constant 0 : i32
    %dma_start3A_162 = tpu.memref_slice %arg4[%arg1, %dma_start3A_159, %dma_start3A_160, %dma_start3A_161] : memref<16x4x50x50xi32, #tpu.memory_space<hbm>> -> memref<1x1x50x50xi32, #tpu.memory_space<hbm>>
    %dma_start3A_163 = tpu.memref_squeeze %dma_start3A_162 : memref<1x1x50x50xi32, #tpu.memory_space<hbm>> -> memref<50x50xi32, #tpu.memory_space<hbm>>
    %dma_start3A_164 = arith.constant 0 : i32
    %dma_start3A_165 = arith.constant 0 : i32
    %dma_start3A_166 = tpu.memref_slice %arg4[%arg1, %dma_start3A_159, %dma_start3A_164, %dma_start3A_165] : memref<16x4x50x50xi32, #tpu.memory_space<hbm>> -> memref<1x1x50x50xi32, #tpu.memory_space<hbm>>
    %dma_start3A_167 = tpu.memref_squeeze %dma_start3A_166 : memref<1x1x50x50xi32, #tpu.memory_space<hbm>> -> memref<50x50xi32, #tpu.memory_space<hbm>>
    tpu.enqueue_dma source(%dma_start3A_167 : memref<50x50xi32, #tpu.memory_space<hbm>>) target(%arg8 : memref<50x50xi32, #tpu.memory_space<vmem>>) target_semaphore(%arg16 : memref<!tpu.dma_semaphore, #tpu.memory_space<semaphore_mem>>)
    %dma_start3A_168 = arith.constant 0 : i32
    %dma_start3A_169 = arith.constant 0 : i32
    %dma_start3A_170 = tpu.memref_slice %arg7[%dma_start3A_168, %dma_start3A_169] : memref<50x50xi32, #tpu.memory_space<vmem>> -> memref<1x50xi32, #tpu.memory_space<vmem>>
    %dma_start3A_171 = tpu.memref_squeeze %dma_start3A_170 : memref<1x50xi32, #tpu.memory_space<vmem>> -> memref<50xi32, #tpu.memory_space<vmem>>
    %dma_start3A_172 = arith.constant 0 : i32
    %dma_start3A_173 = arith.constant 0 : i32
    %dma_start3A_174 = tpu.memref_slice %arg2[%dma_start3A_172, %dma_start3A_173] : memref<20000x128xf32, #tpu.memory_space<hbm>> -> memref<20000x128xf32, #tpu.memory_space<hbm>>
    tpu.enqueue_indirect_dma source(%dma_start3A_174 : memref<20000x128xf32, #tpu.memory_space<hbm>>) target(%arg10 : memref<50x128xf32, #tpu.memory_space<vmem>>) offsets(%dma_start3A_171 : memref<50xi32, #tpu.memory_space<vmem>>) semaphore(%arg18 : memref<!tpu.dma_semaphore, #tpu.memory_space<semaphore_mem>>)
    %dma_start3A_175 = arith.constant 1 : i32
    %dma_start3A_176 = arith.constant 0 : i32
    %dma_start3A_177 = tpu.memref_slice %arg7[%dma_start3A_175, %dma_start3A_176] : memref<50x50xi32, #tpu.memory_space<vmem>> -> memref<1x50xi32, #tpu.memory_space<vmem>>
    %dma_start3A_178 = tpu.memref_squeeze %dma_start3A_177 : memref<1x50xi32, #tpu.memory_space<vmem>> -> memref<50xi32, #tpu.memory_space<vmem>>
    %dma_start3A_179 = arith.constant 0 : i32
    %dma_start3A_180 = arith.constant 0 : i32
    %dma_start3A_181 = tpu.memref_slice %arg2[%dma_start3A_179, %dma_start3A_180] : memref<20000x128xf32, #tpu.memory_space<hbm>> -> memref<20000x128xf32, #tpu.memory_space<hbm>>
    tpu.enqueue_indirect_dma source(%dma_start3A_181 : memref<20000x128xf32, #tpu.memory_space<hbm>>) target(%arg11 : memref<50x128xf32, #tpu.memory_space<vmem>>) offsets(%dma_start3A_178 : memref<50xi32, #tpu.memory_space<vmem>>) semaphore(%arg19 : memref<!tpu.dma_semaphore, #tpu.memory_space<semaphore_mem>>)
    %dma_start3A_182 = arith.constant 2 : i32
    %dma_start3A_183 = arith.constant 0 : i32
    %dma_start3A_184 = tpu.memref_slice %arg7[%dma_start3A_182, %dma_start3A_183] : memref<50x50xi32, #tpu.memory_space<vmem>> -> memref<1x50xi32, #tpu.memory_space<vmem>>
    %dma_start3A_185 = tpu.memref_squeeze %dma_start3A_184 : memref<1x50xi32, #tpu.memory_space<vmem>> -> memref<50xi32, #tpu.memory_space<vmem>>
    %dma_start3A_186 = arith.constant 0 : i32
    %dma_start3A_187 = arith.constant 0 : i32
    %dma_start3A_188 = tpu.memref_slice %arg2[%dma_start3A_186, %dma_start3A_187] : memref<20000x128xf32, #tpu.memory_space<hbm>> -> memref<20000x128xf32, #tpu.memory_space<hbm>>
    tpu.enqueue_indirect_dma source(%dma_start3A_188 : memref<20000x128xf32, #tpu.memory_space<hbm>>) target(%arg12 : memref<50x128xf32, #tpu.memory_space<vmem>>) offsets(%dma_start3A_185 : memref<50xi32, #tpu.memory_space<vmem>>) semaphore(%arg20 : memref<!tpu.dma_semaphore, #tpu.memory_space<semaphore_mem>>)
    %dma_start3A_189 = arith.constant 3 : i32
    %dma_start3A_190 = arith.constant 0 : i32
    %dma_start3A_191 = tpu.memref_slice %arg7[%dma_start3A_189, %dma_start3A_190] : memref<50x50xi32, #tpu.memory_space<vmem>> -> memref<1x50xi32, #tpu.memory_space<vmem>>
    %dma_start3A_192 = tpu.memref_squeeze %dma_start3A_191 : memref<1x50xi32, #tpu.memory_space<vmem>> -> memref<50xi32, #tpu.memory_space<vmem>>
    %dma_start3A_193 = arith.constant 0 : i32
    %dma_start3A_194 = arith.constant 0 : i32
    %dma_start3A_195 = tpu.memref_slice %arg2[%dma_start3A_193, %dma_start3A_194] : memref<20000x128xf32, #tpu.memory_space<hbm>> -> memref<20000x128xf32, #tpu.memory_space<hbm>>
    tpu.enqueue_indirect_dma source(%dma_start3A_195 : memref<20000x128xf32, #tpu.memory_space<hbm>>) target(%arg13 : memref<50x128xf32, #tpu.memory_space<vmem>>) offsets(%dma_start3A_192 : memref<50xi32, #tpu.memory_space<vmem>>) semaphore(%arg21 : memref<!tpu.dma_semaphore, #tpu.memory_space<semaphore_mem>>)
    %dma_start3A_196 = arith.constant 4 : i32
    %dma_start3A_197 = arith.constant 0 : i32
    %dma_start3A_198 = tpu.memref_slice %arg7[%dma_start3A_196, %dma_start3A_197] : memref<50x50xi32, #tpu.memory_space<vmem>> -> memref<1x50xi32, #tpu.memory_space<vmem>>
    %dma_start3A_199 = tpu.memref_squeeze %dma_start3A_198 : memref<1x50xi32, #tpu.memory_space<vmem>> -> memref<50xi32, #tpu.memory_space<vmem>>
    %dma_start3A_200 = arith.constant 0 : i32
    %dma_start3A_201 = arith.constant 0 : i32
    %dma_start3A_202 = tpu.memref_slice %arg2[%dma_start3A_200, %dma_start3A_201] : memref<20000x128xf32, #tpu.memory_space<hbm>> -> memref<20000x128xf32, #tpu.memory_space<hbm>>
    tpu.enqueue_indirect_dma source(%dma_start3A_202 : memref<20000x128xf32, #tpu.memory_space<hbm>>) target(%arg14 : memref<50x128xf32, #tpu.memory_space<vmem>>) offsets(%dma_start3A_199 : memref<50xi32, #tpu.memory_space<vmem>>) semaphore(%arg22 : memref<!tpu.dma_semaphore, #tpu.memory_space<semaphore_mem>>)
    %scan3A_203 = arith.constant 0 : i32
    %scan3A_204 = arith.constant 0 : i32
    %scan3A_205 = arith.constant 10 : i32
    %scan3A_206 = arith.addi %scan3A_204, %scan3A_205 : i32
    %scan3A_207 = arith.constant 1 : i32
    scf.for %scan3A_458 = %scan3A_204 to %scan3A_206 step %scan3A_207  : i32 {
      %mul3A_459 = arith.constant 5 : i32
      %mul3A_460 = arith.muli %mul3A_459, %scan3A_458 : i32
      %add3A_461 = arith.constant 0 : i32
      %add3A_462 = arith.addi %mul3A_460, %add3A_461 : i32
      %dma_wait3A_463 = arith.constant 0 : i32
      %dma_wait3A_464 = tpu.memref_slice %arg7[%add3A_462, %dma_wait3A_463] : memref<50x50xi32, #tpu.memory_space<vmem>> -> memref<1x50xi32, #tpu.memory_space<vmem>>
      %dma_wait3A_465 = tpu.memref_squeeze %dma_wait3A_464 : memref<1x50xi32, #tpu.memory_space<vmem>> -> memref<50xi32, #tpu.memory_space<vmem>>
      %dma_wait3A_466 = arith.constant 0 : i32
      %dma_wait3A_467 = arith.constant 0 : i32
      %dma_wait3A_468 = tpu.memref_slice %arg2[%dma_wait3A_466, %dma_wait3A_467] : memref<20000x128xf32, #tpu.memory_space<hbm>> -> memref<20000x128xf32, #tpu.memory_space<hbm>>
      tpu.wait_indirect_dma semaphore(%arg18 : memref<!tpu.dma_semaphore, #tpu.memory_space<semaphore_mem>>) src(%dma_wait3A_468 : memref<20000x128xf32, #tpu.memory_space<hbm>>) dst(%arg10 : memref<50x128xf32, #tpu.memory_space<vmem>>)
      %add3A_469 = arith.constant 0 : i32
      %add3A_470 = arith.addi %mul3A_460, %add3A_469 : i32
      %dma_start3A_471 = arith.constant 0 : i32
      %dma_start3A_472 = tpu.memref_slice %arg9[%add3A_470, %dma_start3A_471] : memref<50x50xi32, #tpu.memory_space<vmem>> -> memref<1x50xi32, #tpu.memory_space<vmem>>
      %dma_start3A_473 = tpu.memref_squeeze %dma_start3A_472 : memref<1x50xi32, #tpu.memory_space<vmem>> -> memref<50xi32, #tpu.memory_space<vmem>>
      %dma_start3A_474 = arith.constant 0 : i32
      %dma_start3A_475 = arith.constant 0 : i32
      %dma_start3A_476 = tpu.memref_slice %arg15[%dma_start3A_474, %dma_start3A_475] : memref<10000x128xf32, #tpu.memory_space<vmem_shared>> -> memref<10000x128xf32, #tpu.memory_space<vmem_shared>>
      tpu.enqueue_indirect_dma source(%arg10 : memref<50x128xf32, #tpu.memory_space<vmem>>) target(%dma_start3A_476 : memref<10000x128xf32, #tpu.memory_space<vmem_shared>>) offsets(%dma_start3A_473 : memref<50xi32, #tpu.memory_space<vmem>>) semaphore(%arg23 : memref<!tpu.dma_semaphore, #tpu.memory_space<semaphore_mem>>) {add = true}
      %add3A_477 = arith.constant 1 : i32
      %add3A_478 = arith.addi %mul3A_460, %add3A_477 : i32
      %dma_wait3A_479 = arith.constant 0 : i32
      %dma_wait3A_480 = tpu.memref_slice %arg7[%add3A_478, %dma_wait3A_479] : memref<50x50xi32, #tpu.memory_space<vmem>> -> memref<1x50xi32, #tpu.memory_space<vmem>>
      %dma_wait3A_481 = tpu.memref_squeeze %dma_wait3A_480 : memref<1x50xi32, #tpu.memory_space<vmem>> -> memref<50xi32, #tpu.memory_space<vmem>>
      %dma_wait3A_482 = arith.constant 0 : i32
      %dma_wait3A_483 = arith.constant 0 : i32
      %dma_wait3A_484 = tpu.memref_slice %arg2[%dma_wait3A_482, %dma_wait3A_483] : memref<20000x128xf32, #tpu.memory_space<hbm>> -> memref<20000x128xf32, #tpu.memory_space<hbm>>
      tpu.wait_indirect_dma semaphore(%arg19 : memref<!tpu.dma_semaphore, #tpu.memory_space<semaphore_mem>>) src(%dma_wait3A_484 : memref<20000x128xf32, #tpu.memory_space<hbm>>) dst(%arg11 : memref<50x128xf32, #tpu.memory_space<vmem>>)
      %add3A_485 = arith.constant 1 : i32
      %add3A_486 = arith.addi %mul3A_460, %add3A_485 : i32
      %dma_start3A_487 = arith.constant 0 : i32
      %dma_start3A_488 = tpu.memref_slice %arg9[%add3A_486, %dma_start3A_487] : memref<50x50xi32, #tpu.memory_space<vmem>> -> memref<1x50xi32, #tpu.memory_space<vmem>>
      %dma_start3A_489 = tpu.memref_squeeze %dma_start3A_488 : memref<1x50xi32, #tpu.memory_space<vmem>> -> memref<50xi32, #tpu.memory_space<vmem>>
      %dma_start3A_490 = arith.constant 0 : i32
      %dma_start3A_491 = arith.constant 0 : i32
      %dma_start3A_492 = tpu.memref_slice %arg15[%dma_start3A_490, %dma_start3A_491] : memref<10000x128xf32, #tpu.memory_space<vmem_shared>> -> memref<10000x128xf32, #tpu.memory_space<vmem_shared>>
      tpu.enqueue_indirect_dma source(%arg11 : memref<50x128xf32, #tpu.memory_space<vmem>>) target(%dma_start3A_492 : memref<10000x128xf32, #tpu.memory_space<vmem_shared>>) offsets(%dma_start3A_489 : memref<50xi32, #tpu.memory_space<vmem>>) semaphore(%arg24 : memref<!tpu.dma_semaphore, #tpu.memory_space<semaphore_mem>>) {add = true}
      %add3A_493 = arith.constant 2 : i32
      %add3A_494 = arith.addi %mul3A_460, %add3A_493 : i32
      %dma_wait3A_495 = arith.constant 0 : i32
      %dma_wait3A_496 = tpu.memref_slice %arg7[%add3A_494, %dma_wait3A_495] : memref<50x50xi32, #tpu.memory_space<vmem>> -> memref<1x50xi32, #tpu.memory_space<vmem>>
      %dma_wait3A_497 = tpu.memref_squeeze %dma_wait3A_496 : memref<1x50xi32, #tpu.memory_space<vmem>> -> memref<50xi32, #tpu.memory_space<vmem>>
      %dma_wait3A_498 = arith.constant 0 : i32
      %dma_wait3A_499 = arith.constant 0 : i32
      %dma_wait3A_500 = tpu.memref_slice %arg2[%dma_wait3A_498, %dma_wait3A_499] : memref<20000x128xf32, #tpu.memory_space<hbm>> -> memref<20000x128xf32, #tpu.memory_space<hbm>>
      tpu.wait_indirect_dma semaphore(%arg20 : memref<!tpu.dma_semaphore, #tpu.memory_space<semaphore_mem>>) src(%dma_wait3A_500 : memref<20000x128xf32, #tpu.memory_space<hbm>>) dst(%arg12 : memref<50x128xf32, #tpu.memory_space<vmem>>)
      %add3A_501 = arith.constant 2 : i32
      %add3A_502 = arith.addi %mul3A_460, %add3A_501 : i32
      %dma_start3A_503 = arith.constant 0 : i32
      %dma_start3A_504 = tpu.memref_slice %arg9[%add3A_502, %dma_start3A_503] : memref<50x50xi32, #tpu.memory_space<vmem>> -> memref<1x50xi32, #tpu.memory_space<vmem>>
      %dma_start3A_505 = tpu.memref_squeeze %dma_start3A_504 : memref<1x50xi32, #tpu.memory_space<vmem>> -> memref<50xi32, #tpu.memory_space<vmem>>
      %dma_start3A_506 = arith.constant 0 : i32
      %dma_start3A_507 = arith.constant 0 : i32
      %dma_start3A_508 = tpu.memref_slice %arg15[%dma_start3A_506, %dma_start3A_507] : memref<10000x128xf32, #tpu.memory_space<vmem_shared>> -> memref<10000x128xf32, #tpu.memory_space<vmem_shared>>
      tpu.enqueue_indirect_dma source(%arg12 : memref<50x128xf32, #tpu.memory_space<vmem>>) target(%dma_start3A_508 : memref<10000x128xf32, #tpu.memory_space<vmem_shared>>) offsets(%dma_start3A_505 : memref<50xi32, #tpu.memory_space<vmem>>) semaphore(%arg25 : memref<!tpu.dma_semaphore, #tpu.memory_space<semaphore_mem>>) {add = true}
      %add3A_509 = arith.constant 3 : i32
      %add3A_510 = arith.addi %mul3A_460, %add3A_509 : i32
      %dma_wait3A_511 = arith.constant 0 : i32
      %dma_wait3A_512 = tpu.memref_slice %arg7[%add3A_510, %dma_wait3A_511] : memref<50x50xi32, #tpu.memory_space<vmem>> -> memref<1x50xi32, #tpu.memory_space<vmem>>
      %dma_wait3A_513 = tpu.memref_squeeze %dma_wait3A_512 : memref<1x50xi32, #tpu.memory_space<vmem>> -> memref<50xi32, #tpu.memory_space<vmem>>
      %dma_wait3A_514 = arith.constant 0 : i32
      %dma_wait3A_515 = arith.constant 0 : i32
      %dma_wait3A_516 = tpu.memref_slice %arg2[%dma_wait3A_514, %dma_wait3A_515] : memref<20000x128xf32, #tpu.memory_space<hbm>> -> memref<20000x128xf32, #tpu.memory_space<hbm>>
      tpu.wait_indirect_dma semaphore(%arg21 : memref<!tpu.dma_semaphore, #tpu.memory_space<semaphore_mem>>) src(%dma_wait3A_516 : memref<20000x128xf32, #tpu.memory_space<hbm>>) dst(%arg13 : memref<50x128xf32, #tpu.memory_space<vmem>>)
      %add3A_517 = arith.constant 3 : i32
      %add3A_518 = arith.addi %mul3A_460, %add3A_517 : i32
      %dma_start3A_519 = arith.constant 0 : i32
      %dma_start3A_520 = tpu.memref_slice %arg9[%add3A_518, %dma_start3A_519] : memref<50x50xi32, #tpu.memory_space<vmem>> -> memref<1x50xi32, #tpu.memory_space<vmem>>
      %dma_start3A_521 = tpu.memref_squeeze %dma_start3A_520 : memref<1x50xi32, #tpu.memory_space<vmem>> -> memref<50xi32, #tpu.memory_space<vmem>>
      %dma_start3A_522 = arith.constant 0 : i32
      %dma_start3A_523 = arith.constant 0 : i32
      %dma_start3A_524 = tpu.memref_slice %arg15[%dma_start3A_522, %dma_start3A_523] : memref<10000x128xf32, #tpu.memory_space<vmem_shared>> -> memref<10000x128xf32, #tpu.memory_space<vmem_shared>>
      tpu.enqueue_indirect_dma source(%arg13 : memref<50x128xf32, #tpu.memory_space<vmem>>) target(%dma_start3A_524 : memref<10000x128xf32, #tpu.memory_space<vmem_shared>>) offsets(%dma_start3A_521 : memref<50xi32, #tpu.memory_space<vmem>>) semaphore(%arg26 : memref<!tpu.dma_semaphore, #tpu.memory_space<semaphore_mem>>) {add = true}
      %add3A_525 = arith.constant 4 : i32
      %add3A_526 = arith.addi %mul3A_460, %add3A_525 : i32
      %dma_wait3A_527 = arith.constant 0 : i32
      %dma_wait3A_528 = tpu.memref_slice %arg7[%add3A_526, %dma_wait3A_527] : memref<50x50xi32, #tpu.memory_space<vmem>> -> memref<1x50xi32, #tpu.memory_space<vmem>>
      %dma_wait3A_529 = tpu.memref_squeeze %dma_wait3A_528 : memref<1x50xi32, #tpu.memory_space<vmem>> -> memref<50xi32, #tpu.memory_space<vmem>>
      %dma_wait3A_530 = arith.constant 0 : i32
      %dma_wait3A_531 = arith.constant 0 : i32
      %dma_wait3A_532 = tpu.memref_slice %arg2[%dma_wait3A_530, %dma_wait3A_531] : memref<20000x128xf32, #tpu.memory_space<hbm>> -> memref<20000x128xf32, #tpu.memory_space<hbm>>
      tpu.wait_indirect_dma semaphore(%arg22 : memref<!tpu.dma_semaphore, #tpu.memory_space<semaphore_mem>>) src(%dma_wait3A_532 : memref<20000x128xf32, #tpu.memory_space<hbm>>) dst(%arg14 : memref<50x128xf32, #tpu.memory_space<vmem>>)
      %add3A_533 = arith.constant 4 : i32
      %add3A_534 = arith.addi %mul3A_460, %add3A_533 : i32
      %dma_start3A_535 = arith.constant 0 : i32
      %dma_start3A_536 = tpu.memref_slice %arg9[%add3A_534, %dma_start3A_535] : memref<50x50xi32, #tpu.memory_space<vmem>> -> memref<1x50xi32, #tpu.memory_space<vmem>>
      %dma_start3A_537 = tpu.memref_squeeze %dma_start3A_536 : memref<1x50xi32, #tpu.memory_space<vmem>> -> memref<50xi32, #tpu.memory_space<vmem>>
      %dma_start3A_538 = arith.constant 0 : i32
      %dma_start3A_539 = arith.constant 0 : i32
      %dma_start3A_540 = tpu.memref_slice %arg15[%dma_start3A_538, %dma_start3A_539] : memref<10000x128xf32, #tpu.memory_space<vmem_shared>> -> memref<10000x128xf32, #tpu.memory_space<vmem_shared>>
      tpu.enqueue_indirect_dma source(%arg14 : memref<50x128xf32, #tpu.memory_space<vmem>>) target(%dma_start3A_540 : memref<10000x128xf32, #tpu.memory_space<vmem_shared>>) offsets(%dma_start3A_537 : memref<50xi32, #tpu.memory_space<vmem>>) semaphore(%arg27 : memref<!tpu.dma_semaphore, #tpu.memory_space<semaphore_mem>>) {add = true}
      %lt3A = arith.constant 9 : i32
      %lt3A_541 = arith.cmpi slt, %scan3A_458, %lt3A : i32
      %convert_element_type3A = arith.extui %lt3A_541 : i1 to i32
      %cond3A = arith.constant 0 : i32
      %cond3A_542 = arith.cmpi ne, %convert_element_type3A, %cond3A : i32
      scf.if %cond3A_542 {
        %add3A_543 = arith.constant 0 : i32
        %add3A_544 = arith.addi %mul3A_460, %add3A_543 : i32
        %dma_wait3A_545 = arith.constant 0 : i32
        %dma_wait3A_546 = tpu.memref_slice %arg9[%add3A_544, %dma_wait3A_545] : memref<50x50xi32, #tpu.memory_space<vmem>> -> memref<1x50xi32, #tpu.memory_space<vmem>>
        %dma_wait3A_547 = tpu.memref_squeeze %dma_wait3A_546 : memref<1x50xi32, #tpu.memory_space<vmem>> -> memref<50xi32, #tpu.memory_space<vmem>>
        %dma_wait3A_548 = arith.constant 0 : i32
        %dma_wait3A_549 = arith.constant 0 : i32
        %dma_wait3A_550 = tpu.memref_slice %arg15[%dma_wait3A_548, %dma_wait3A_549] : memref<10000x128xf32, #tpu.memory_space<vmem_shared>> -> memref<10000x128xf32, #tpu.memory_space<vmem_shared>>
        tpu.wait_indirect_dma semaphore(%arg23 : memref<!tpu.dma_semaphore, #tpu.memory_space<semaphore_mem>>) src(%arg10 : memref<50x128xf32, #tpu.memory_space<vmem>>) dst(%dma_wait3A_550 : memref<10000x128xf32, #tpu.memory_space<vmem_shared>>)
        %add3A_551 = arith.constant 5 : i32
        %add3A_552 = arith.addi %mul3A_460, %add3A_551 : i32
        %add3A_553 = arith.constant 0 : i32
        %add3A_554 = arith.addi %add3A_552, %add3A_553 : i32
        %dma_start3A_555 = arith.constant 0 : i32
        %dma_start3A_556 = tpu.memref_slice %arg7[%add3A_554, %dma_start3A_555] : memref<50x50xi32, #tpu.memory_space<vmem>> -> memref<1x50xi32, #tpu.memory_space<vmem>>
        %dma_start3A_557 = tpu.memref_squeeze %dma_start3A_556 : memref<1x50xi32, #tpu.memory_space<vmem>> -> memref<50xi32, #tpu.memory_space<vmem>>
        %dma_start3A_558 = arith.constant 0 : i32
        %dma_start3A_559 = arith.constant 0 : i32
        %dma_start3A_560 = tpu.memref_slice %arg2[%dma_start3A_558, %dma_start3A_559] : memref<20000x128xf32, #tpu.memory_space<hbm>> -> memref<20000x128xf32, #tpu.memory_space<hbm>>
        tpu.enqueue_indirect_dma source(%dma_start3A_560 : memref<20000x128xf32, #tpu.memory_space<hbm>>) target(%arg10 : memref<50x128xf32, #tpu.memory_space<vmem>>) offsets(%dma_start3A_557 : memref<50xi32, #tpu.memory_space<vmem>>) semaphore(%arg18 : memref<!tpu.dma_semaphore, #tpu.memory_space<semaphore_mem>>)
        %add3A_561 = arith.constant 1 : i32
        %add3A_562 = arith.addi %mul3A_460, %add3A_561 : i32
        %dma_wait3A_563 = arith.constant 0 : i32
        %dma_wait3A_564 = tpu.memref_slice %arg9[%add3A_562, %dma_wait3A_563] : memref<50x50xi32, #tpu.memory_space<vmem>> -> memref<1x50xi32, #tpu.memory_space<vmem>>
        %dma_wait3A_565 = tpu.memref_squeeze %dma_wait3A_564 : memref<1x50xi32, #tpu.memory_space<vmem>> -> memref<50xi32, #tpu.memory_space<vmem>>
        %dma_wait3A_566 = arith.constant 0 : i32
        %dma_wait3A_567 = arith.constant 0 : i32
        %dma_wait3A_568 = tpu.memref_slice %arg15[%dma_wait3A_566, %dma_wait3A_567] : memref<10000x128xf32, #tpu.memory_space<vmem_shared>> -> memref<10000x128xf32, #tpu.memory_space<vmem_shared>>
        tpu.wait_indirect_dma semaphore(%arg24 : memref<!tpu.dma_semaphore, #tpu.memory_space<semaphore_mem>>) src(%arg11 : memref<50x128xf32, #tpu.memory_space<vmem>>) dst(%dma_wait3A_568 : memref<10000x128xf32, #tpu.memory_space<vmem_shared>>)
        %add3A_569 = arith.constant 5 : i32
        %add3A_570 = arith.addi %mul3A_460, %add3A_569 : i32
        %add3A_571 = arith.constant 1 : i32
        %add3A_572 = arith.addi %add3A_570, %add3A_571 : i32
        %dma_start3A_573 = arith.constant 0 : i32
        %dma_start3A_574 = tpu.memref_slice %arg7[%add3A_572, %dma_start3A_573] : memref<50x50xi32, #tpu.memory_space<vmem>> -> memref<1x50xi32, #tpu.memory_space<vmem>>
        %dma_start3A_575 = tpu.memref_squeeze %dma_start3A_574 : memref<1x50xi32, #tpu.memory_space<vmem>> -> memref<50xi32, #tpu.memory_space<vmem>>
        %dma_start3A_576 = arith.constant 0 : i32
        %dma_start3A_577 = arith.constant 0 : i32
        %dma_start3A_578 = tpu.memref_slice %arg2[%dma_start3A_576, %dma_start3A_577] : memref<20000x128xf32, #tpu.memory_space<hbm>> -> memref<20000x128xf32, #tpu.memory_space<hbm>>
        tpu.enqueue_indirect_dma source(%dma_start3A_578 : memref<20000x128xf32, #tpu.memory_space<hbm>>) target(%arg11 : memref<50x128xf32, #tpu.memory_space<vmem>>) offsets(%dma_start3A_575 : memref<50xi32, #tpu.memory_space<vmem>>) semaphore(%arg19 : memref<!tpu.dma_semaphore, #tpu.memory_space<semaphore_mem>>)
        %add3A_579 = arith.constant 2 : i32
        %add3A_580 = arith.addi %mul3A_460, %add3A_579 : i32
        %dma_wait3A_581 = arith.constant 0 : i32
        %dma_wait3A_582 = tpu.memref_slice %arg9[%add3A_580, %dma_wait3A_581] : memref<50x50xi32, #tpu.memory_space<vmem>> -> memref<1x50xi32, #tpu.memory_space<vmem>>
        %dma_wait3A_583 = tpu.memref_squeeze %dma_wait3A_582 : memref<1x50xi32, #tpu.memory_space<vmem>> -> memref<50xi32, #tpu.memory_space<vmem>>
        %dma_wait3A_584 = arith.constant 0 : i32
        %dma_wait3A_585 = arith.constant 0 : i32
        %dma_wait3A_586 = tpu.memref_slice %arg15[%dma_wait3A_584, %dma_wait3A_585] : memref<10000x128xf32, #tpu.memory_space<vmem_shared>> -> memref<10000x128xf32, #tpu.memory_space<vmem_shared>>
        tpu.wait_indirect_dma semaphore(%arg25 : memref<!tpu.dma_semaphore, #tpu.memory_space<semaphore_mem>>) src(%arg12 : memref<50x128xf32, #tpu.memory_space<vmem>>) dst(%dma_wait3A_586 : memref<10000x128xf32, #tpu.memory_space<vmem_shared>>)
        %add3A_587 = arith.constant 5 : i32
        %add3A_588 = arith.addi %mul3A_460, %add3A_587 : i32
        %add3A_589 = arith.constant 2 : i32
        %add3A_590 = arith.addi %add3A_588, %add3A_589 : i32
        %dma_start3A_591 = arith.constant 0 : i32
        %dma_start3A_592 = tpu.memref_slice %arg7[%add3A_590, %dma_start3A_591] : memref<50x50xi32, #tpu.memory_space<vmem>> -> memref<1x50xi32, #tpu.memory_space<vmem>>
        %dma_start3A_593 = tpu.memref_squeeze %dma_start3A_592 : memref<1x50xi32, #tpu.memory_space<vmem>> -> memref<50xi32, #tpu.memory_space<vmem>>
        %dma_start3A_594 = arith.constant 0 : i32
        %dma_start3A_595 = arith.constant 0 : i32
        %dma_start3A_596 = tpu.memref_slice %arg2[%dma_start3A_594, %dma_start3A_595] : memref<20000x128xf32, #tpu.memory_space<hbm>> -> memref<20000x128xf32, #tpu.memory_space<hbm>>
        tpu.enqueue_indirect_dma source(%dma_start3A_596 : memref<20000x128xf32, #tpu.memory_space<hbm>>) target(%arg12 : memref<50x128xf32, #tpu.memory_space<vmem>>) offsets(%dma_start3A_593 : memref<50xi32, #tpu.memory_space<vmem>>) semaphore(%arg20 : memref<!tpu.dma_semaphore, #tpu.memory_space<semaphore_mem>>)
        %add3A_597 = arith.constant 3 : i32
        %add3A_598 = arith.addi %mul3A_460, %add3A_597 : i32
        %dma_wait3A_599 = arith.constant 0 : i32
        %dma_wait3A_600 = tpu.memref_slice %arg9[%add3A_598, %dma_wait3A_599] : memref<50x50xi32, #tpu.memory_space<vmem>> -> memref<1x50xi32, #tpu.memory_space<vmem>>
        %dma_wait3A_601 = tpu.memref_squeeze %dma_wait3A_600 : memref<1x50xi32, #tpu.memory_space<vmem>> -> memref<50xi32, #tpu.memory_space<vmem>>
        %dma_wait3A_602 = arith.constant 0 : i32
        %dma_wait3A_603 = arith.constant 0 : i32
        %dma_wait3A_604 = tpu.memref_slice %arg15[%dma_wait3A_602, %dma_wait3A_603] : memref<10000x128xf32, #tpu.memory_space<vmem_shared>> -> memref<10000x128xf32, #tpu.memory_space<vmem_shared>>
        tpu.wait_indirect_dma semaphore(%arg26 : memref<!tpu.dma_semaphore, #tpu.memory_space<semaphore_mem>>) src(%arg13 : memref<50x128xf32, #tpu.memory_space<vmem>>) dst(%dma_wait3A_604 : memref<10000x128xf32, #tpu.memory_space<vmem_shared>>)
        %add3A_605 = arith.constant 5 : i32
        %add3A_606 = arith.addi %mul3A_460, %add3A_605 : i32
        %add3A_607 = arith.constant 3 : i32
        %add3A_608 = arith.addi %add3A_606, %add3A_607 : i32
        %dma_start3A_609 = arith.constant 0 : i32
        %dma_start3A_610 = tpu.memref_slice %arg7[%add3A_608, %dma_start3A_609] : memref<50x50xi32, #tpu.memory_space<vmem>> -> memref<1x50xi32, #tpu.memory_space<vmem>>
        %dma_start3A_611 = tpu.memref_squeeze %dma_start3A_610 : memref<1x50xi32, #tpu.memory_space<vmem>> -> memref<50xi32, #tpu.memory_space<vmem>>
        %dma_start3A_612 = arith.constant 0 : i32
        %dma_start3A_613 = arith.constant 0 : i32
        %dma_start3A_614 = tpu.memref_slice %arg2[%dma_start3A_612, %dma_start3A_613] : memref<20000x128xf32, #tpu.memory_space<hbm>> -> memref<20000x128xf32, #tpu.memory_space<hbm>>
        tpu.enqueue_indirect_dma source(%dma_start3A_614 : memref<20000x128xf32, #tpu.memory_space<hbm>>) target(%arg13 : memref<50x128xf32, #tpu.memory_space<vmem>>) offsets(%dma_start3A_611 : memref<50xi32, #tpu.memory_space<vmem>>) semaphore(%arg21 : memref<!tpu.dma_semaphore, #tpu.memory_space<semaphore_mem>>)
        %add3A_615 = arith.constant 4 : i32
        %add3A_616 = arith.addi %mul3A_460, %add3A_615 : i32
        %dma_wait3A_617 = arith.constant 0 : i32
        %dma_wait3A_618 = tpu.memref_slice %arg9[%add3A_616, %dma_wait3A_617] : memref<50x50xi32, #tpu.memory_space<vmem>> -> memref<1x50xi32, #tpu.memory_space<vmem>>
        %dma_wait3A_619 = tpu.memref_squeeze %dma_wait3A_618 : memref<1x50xi32, #tpu.memory_space<vmem>> -> memref<50xi32, #tpu.memory_space<vmem>>
        %dma_wait3A_620 = arith.constant 0 : i32
        %dma_wait3A_621 = arith.constant 0 : i32
        %dma_wait3A_622 = tpu.memref_slice %arg15[%dma_wait3A_620, %dma_wait3A_621] : memref<10000x128xf32, #tpu.memory_space<vmem_shared>> -> memref<10000x128xf32, #tpu.memory_space<vmem_shared>>
        tpu.wait_indirect_dma semaphore(%arg27 : memref<!tpu.dma_semaphore, #tpu.memory_space<semaphore_mem>>) src(%arg14 : memref<50x128xf32, #tpu.memory_space<vmem>>) dst(%dma_wait3A_622 : memref<10000x128xf32, #tpu.memory_space<vmem_shared>>)
        %add3A_623 = arith.constant 5 : i32
        %add3A_624 = arith.addi %mul3A_460, %add3A_623 : i32
        %add3A_625 = arith.constant 4 : i32
        %add3A_626 = arith.addi %add3A_624, %add3A_625 : i32
        %dma_start3A_627 = arith.constant 0 : i32
        %dma_start3A_628 = tpu.memref_slice %arg7[%add3A_626, %dma_start3A_627] : memref<50x50xi32, #tpu.memory_space<vmem>> -> memref<1x50xi32, #tpu.memory_space<vmem>>
        %dma_start3A_629 = tpu.memref_squeeze %dma_start3A_628 : memref<1x50xi32, #tpu.memory_space<vmem>> -> memref<50xi32, #tpu.memory_space<vmem>>
        %dma_start3A_630 = arith.constant 0 : i32
        %dma_start3A_631 = arith.constant 0 : i32
        %dma_start3A_632 = tpu.memref_slice %arg2[%dma_start3A_630, %dma_start3A_631] : memref<20000x128xf32, #tpu.memory_space<hbm>> -> memref<20000x128xf32, #tpu.memory_space<hbm>>
        tpu.enqueue_indirect_dma source(%dma_start3A_632 : memref<20000x128xf32, #tpu.memory_space<hbm>>) target(%arg14 : memref<50x128xf32, #tpu.memory_space<vmem>>) offsets(%dma_start3A_629 : memref<50xi32, #tpu.memory_space<vmem>>) semaphore(%arg22 : memref<!tpu.dma_semaphore, #tpu.memory_space<semaphore_mem>>)
      } else {
      }
    }
    %scan3A_208 = arith.constant 10 : i32
    %dma_wait3A_209 = arith.constant 45 : i32
    %dma_wait3A_210 = arith.constant 0 : i32
    %dma_wait3A_211 = tpu.memref_slice %arg9[%dma_wait3A_209, %dma_wait3A_210] : memref<50x50xi32, #tpu.memory_space<vmem>> -> memref<1x50xi32, #tpu.memory_space<vmem>>
    %dma_wait3A_212 = tpu.memref_squeeze %dma_wait3A_211 : memref<1x50xi32, #tpu.memory_space<vmem>> -> memref<50xi32, #tpu.memory_space<vmem>>
    %dma_wait3A_213 = arith.constant 0 : i32
    %dma_wait3A_214 = arith.constant 0 : i32
    %dma_wait3A_215 = tpu.memref_slice %arg15[%dma_wait3A_213, %dma_wait3A_214] : memref<10000x128xf32, #tpu.memory_space<vmem_shared>> -> memref<10000x128xf32, #tpu.memory_space<vmem_shared>>
    tpu.wait_indirect_dma semaphore(%arg23 : memref<!tpu.dma_semaphore, #tpu.memory_space<semaphore_mem>>) src(%arg10 : memref<50x128xf32, #tpu.memory_space<vmem>>) dst(%dma_wait3A_215 : memref<10000x128xf32, #tpu.memory_space<vmem_shared>>)
    %dma_wait3A_216 = arith.constant 46 : i32
    %dma_wait3A_217 = arith.constant 0 : i32
    %dma_wait3A_218 = tpu.memref_slice %arg9[%dma_wait3A_216, %dma_wait3A_217] : memref<50x50xi32, #tpu.memory_space<vmem>> -> memref<1x50xi32, #tpu.memory_space<vmem>>
    %dma_wait3A_219 = tpu.memref_squeeze %dma_wait3A_218 : memref<1x50xi32, #tpu.memory_space<vmem>> -> memref<50xi32, #tpu.memory_space<vmem>>
    %dma_wait3A_220 = arith.constant 0 : i32
    %dma_wait3A_221 = arith.constant 0 : i32
    %dma_wait3A_222 = tpu.memref_slice %arg15[%dma_wait3A_220, %dma_wait3A_221] : memref<10000x128xf32, #tpu.memory_space<vmem_shared>> -> memref<10000x128xf32, #tpu.memory_space<vmem_shared>>
    tpu.wait_indirect_dma semaphore(%arg24 : memref<!tpu.dma_semaphore, #tpu.memory_space<semaphore_mem>>) src(%arg11 : memref<50x128xf32, #tpu.memory_space<vmem>>) dst(%dma_wait3A_222 : memref<10000x128xf32, #tpu.memory_space<vmem_shared>>)
    %dma_wait3A_223 = arith.constant 47 : i32
    %dma_wait3A_224 = arith.constant 0 : i32
    %dma_wait3A_225 = tpu.memref_slice %arg9[%dma_wait3A_223, %dma_wait3A_224] : memref<50x50xi32, #tpu.memory_space<vmem>> -> memref<1x50xi32, #tpu.memory_space<vmem>>
    %dma_wait3A_226 = tpu.memref_squeeze %dma_wait3A_225 : memref<1x50xi32, #tpu.memory_space<vmem>> -> memref<50xi32, #tpu.memory_space<vmem>>
    %dma_wait3A_227 = arith.constant 0 : i32
    %dma_wait3A_228 = arith.constant 0 : i32
    %dma_wait3A_229 = tpu.memref_slice %arg15[%dma_wait3A_227, %dma_wait3A_228] : memref<10000x128xf32, #tpu.memory_space<vmem_shared>> -> memref<10000x128xf32, #tpu.memory_space<vmem_shared>>
    tpu.wait_indirect_dma semaphore(%arg25 : memref<!tpu.dma_semaphore, #tpu.memory_space<semaphore_mem>>) src(%arg12 : memref<50x128xf32, #tpu.memory_space<vmem>>) dst(%dma_wait3A_229 : memref<10000x128xf32, #tpu.memory_space<vmem_shared>>)
    %dma_wait3A_230 = arith.constant 48 : i32
    %dma_wait3A_231 = arith.constant 0 : i32
    %dma_wait3A_232 = tpu.memref_slice %arg9[%dma_wait3A_230, %dma_wait3A_231] : memref<50x50xi32, #tpu.memory_space<vmem>> -> memref<1x50xi32, #tpu.memory_space<vmem>>
    %dma_wait3A_233 = tpu.memref_squeeze %dma_wait3A_232 : memref<1x50xi32, #tpu.memory_space<vmem>> -> memref<50xi32, #tpu.memory_space<vmem>>
    %dma_wait3A_234 = arith.constant 0 : i32
    %dma_wait3A_235 = arith.constant 0 : i32
    %dma_wait3A_236 = tpu.memref_slice %arg15[%dma_wait3A_234, %dma_wait3A_235] : memref<10000x128xf32, #tpu.memory_space<vmem_shared>> -> memref<10000x128xf32, #tpu.memory_space<vmem_shared>>
    tpu.wait_indirect_dma semaphore(%arg26 : memref<!tpu.dma_semaphore, #tpu.memory_space<semaphore_mem>>) src(%arg13 : memref<50x128xf32, #tpu.memory_space<vmem>>) dst(%dma_wait3A_236 : memref<10000x128xf32, #tpu.memory_space<vmem_shared>>)
    %dma_wait3A_237 = arith.constant 49 : i32
    %dma_wait3A_238 = arith.constant 0 : i32
    %dma_wait3A_239 = tpu.memref_slice %arg9[%dma_wait3A_237, %dma_wait3A_238] : memref<50x50xi32, #tpu.memory_space<vmem>> -> memref<1x50xi32, #tpu.memory_space<vmem>>
    %dma_wait3A_240 = tpu.memref_squeeze %dma_wait3A_239 : memref<1x50xi32, #tpu.memory_space<vmem>> -> memref<50xi32, #tpu.memory_space<vmem>>
    %dma_wait3A_241 = arith.constant 0 : i32
    %dma_wait3A_242 = arith.constant 0 : i32
    %dma_wait3A_243 = tpu.memref_slice %arg15[%dma_wait3A_241, %dma_wait3A_242] : memref<10000x128xf32, #tpu.memory_space<vmem_shared>> -> memref<10000x128xf32, #tpu.memory_space<vmem_shared>>
    tpu.wait_indirect_dma semaphore(%arg27 : memref<!tpu.dma_semaphore, #tpu.memory_space<semaphore_mem>>) src(%arg14 : memref<50x128xf32, #tpu.memory_space<vmem>>) dst(%dma_wait3A_243 : memref<10000x128xf32, #tpu.memory_space<vmem_shared>>)
    %dma_wait3A_244 = arith.constant 2 : i32
    %dma_wait3A_245 = arith.constant 0 : i32
    %dma_wait3A_246 = arith.constant 0 : i32
    %dma_wait3A_247 = tpu.memref_slice %arg3[%arg0, %arg1, %dma_wait3A_244, %dma_wait3A_245, %dma_wait3A_246] : memref<2x16x4x50x50xi32, #tpu.memory_space<hbm>> -> memref<1x1x1x50x50xi32, #tpu.memory_space<hbm>>
    %dma_wait3A_248 = tpu.memref_squeeze %dma_wait3A_247 : memref<1x1x1x50x50xi32, #tpu.memory_space<hbm>> -> memref<50x50xi32, #tpu.memory_space<hbm>>
    %dma_wait3A_249 = arith.constant 0 : i32
    %dma_wait3A_250 = arith.constant 0 : i32
    %dma_wait3A_251 = tpu.memref_slice %arg3[%arg0, %arg1, %dma_wait3A_244, %dma_wait3A_249, %dma_wait3A_250] : memref<2x16x4x50x50xi32, #tpu.memory_space<hbm>> -> memref<1x1x1x50x50xi32, #tpu.memory_space<hbm>>
    %dma_wait3A_252 = tpu.memref_squeeze %dma_wait3A_251 : memref<1x1x1x50x50xi32, #tpu.memory_space<hbm>> -> memref<50x50xi32, #tpu.memory_space<hbm>>
    tpu.wait_dma2 semaphore(%arg16 : memref<!tpu.dma_semaphore, #tpu.memory_space<semaphore_mem>>) src(%dma_wait3A_252 : memref<50x50xi32, #tpu.memory_space<hbm>>) dst(%arg6 : memref<50x50xi32, #tpu.memory_space<vmem>>)
    %dma_wait3A_253 = arith.constant 2 : i32
    %dma_wait3A_254 = arith.constant 0 : i32
    %dma_wait3A_255 = arith.constant 0 : i32
    %dma_wait3A_256 = tpu.memref_slice %arg4[%arg1, %dma_wait3A_253, %dma_wait3A_254, %dma_wait3A_255] : memref<16x4x50x50xi32, #tpu.memory_space<hbm>> -> memref<1x1x50x50xi32, #tpu.memory_space<hbm>>
    %dma_wait3A_257 = tpu.memref_squeeze %dma_wait3A_256 : memref<1x1x50x50xi32, #tpu.memory_space<hbm>> -> memref<50x50xi32, #tpu.memory_space<hbm>>
    %dma_wait3A_258 = arith.constant 0 : i32
    %dma_wait3A_259 = arith.constant 0 : i32
    %dma_wait3A_260 = tpu.memref_slice %arg4[%arg1, %dma_wait3A_253, %dma_wait3A_258, %dma_wait3A_259] : memref<16x4x50x50xi32, #tpu.memory_space<hbm>> -> memref<1x1x50x50xi32, #tpu.memory_space<hbm>>
    %dma_wait3A_261 = tpu.memref_squeeze %dma_wait3A_260 : memref<1x1x50x50xi32, #tpu.memory_space<hbm>> -> memref<50x50xi32, #tpu.memory_space<hbm>>
    tpu.wait_dma2 semaphore(%arg16 : memref<!tpu.dma_semaphore, #tpu.memory_space<semaphore_mem>>) src(%dma_wait3A_261 : memref<50x50xi32, #tpu.memory_space<hbm>>) dst(%arg8 : memref<50x50xi32, #tpu.memory_space<vmem>>)
    %dma_start3A_262 = arith.constant 3 : i32
    %dma_start3A_263 = arith.constant 0 : i32
    %dma_start3A_264 = arith.constant 0 : i32
    %dma_start3A_265 = tpu.memref_slice %arg3[%arg0, %arg1, %dma_start3A_262, %dma_start3A_263, %dma_start3A_264] : memref<2x16x4x50x50xi32, #tpu.memory_space<hbm>> -> memref<1x1x1x50x50xi32, #tpu.memory_space<hbm>>
    %dma_start3A_266 = tpu.memref_squeeze %dma_start3A_265 : memref<1x1x1x50x50xi32, #tpu.memory_space<hbm>> -> memref<50x50xi32, #tpu.memory_space<hbm>>
    %dma_start3A_267 = arith.constant 0 : i32
    %dma_start3A_268 = arith.constant 0 : i32
    %dma_start3A_269 = tpu.memref_slice %arg3[%arg0, %arg1, %dma_start3A_262, %dma_start3A_267, %dma_start3A_268] : memref<2x16x4x50x50xi32, #tpu.memory_space<hbm>> -> memref<1x1x1x50x50xi32, #tpu.memory_space<hbm>>
    %dma_start3A_270 = tpu.memref_squeeze %dma_start3A_269 : memref<1x1x1x50x50xi32, #tpu.memory_space<hbm>> -> memref<50x50xi32, #tpu.memory_space<hbm>>
    tpu.enqueue_dma source(%dma_start3A_270 : memref<50x50xi32, #tpu.memory_space<hbm>>) target(%arg7 : memref<50x50xi32, #tpu.memory_space<vmem>>) target_semaphore(%arg17 : memref<!tpu.dma_semaphore, #tpu.memory_space<semaphore_mem>>)
    %dma_start3A_271 = arith.constant 3 : i32
    %dma_start3A_272 = arith.constant 0 : i32
    %dma_start3A_273 = arith.constant 0 : i32
    %dma_start3A_274 = tpu.memref_slice %arg4[%arg1, %dma_start3A_271, %dma_start3A_272, %dma_start3A_273] : memref<16x4x50x50xi32, #tpu.memory_space<hbm>> -> memref<1x1x50x50xi32, #tpu.memory_space<hbm>>
    %dma_start3A_275 = tpu.memref_squeeze %dma_start3A_274 : memref<1x1x50x50xi32, #tpu.memory_space<hbm>> -> memref<50x50xi32, #tpu.memory_space<hbm>>
    %dma_start3A_276 = arith.constant 0 : i32
    %dma_start3A_277 = arith.constant 0 : i32
    %dma_start3A_278 = tpu.memref_slice %arg4[%arg1, %dma_start3A_271, %dma_start3A_276, %dma_start3A_277] : memref<16x4x50x50xi32, #tpu.memory_space<hbm>> -> memref<1x1x50x50xi32, #tpu.memory_space<hbm>>
    %dma_start3A_279 = tpu.memref_squeeze %dma_start3A_278 : memref<1x1x50x50xi32, #tpu.memory_space<hbm>> -> memref<50x50xi32, #tpu.memory_space<hbm>>
    tpu.enqueue_dma source(%dma_start3A_279 : memref<50x50xi32, #tpu.memory_space<hbm>>) target(%arg9 : memref<50x50xi32, #tpu.memory_space<vmem>>) target_semaphore(%arg17 : memref<!tpu.dma_semaphore, #tpu.memory_space<semaphore_mem>>)
    %dma_start3A_280 = arith.constant 0 : i32
    %dma_start3A_281 = arith.constant 0 : i32
    %dma_start3A_282 = tpu.memref_slice %arg6[%dma_start3A_280, %dma_start3A_281] : memref<50x50xi32, #tpu.memory_space<vmem>> -> memref<1x50xi32, #tpu.memory_space<vmem>>
    %dma_start3A_283 = tpu.memref_squeeze %dma_start3A_282 : memref<1x50xi32, #tpu.memory_space<vmem>> -> memref<50xi32, #tpu.memory_space<vmem>>
    %dma_start3A_284 = arith.constant 0 : i32
    %dma_start3A_285 = arith.constant 0 : i32
    %dma_start3A_286 = tpu.memref_slice %arg2[%dma_start3A_284, %dma_start3A_285] : memref<20000x128xf32, #tpu.memory_space<hbm>> -> memref<20000x128xf32, #tpu.memory_space<hbm>>
    tpu.enqueue_indirect_dma source(%dma_start3A_286 : memref<20000x128xf32, #tpu.memory_space<hbm>>) target(%arg10 : memref<50x128xf32, #tpu.memory_space<vmem>>) offsets(%dma_start3A_283 : memref<50xi32, #tpu.memory_space<vmem>>) semaphore(%arg18 : memref<!tpu.dma_semaphore, #tpu.memory_space<semaphore_mem>>)
    %dma_start3A_287 = arith.constant 1 : i32
    %dma_start3A_288 = arith.constant 0 : i32
    %dma_start3A_289 = tpu.memref_slice %arg6[%dma_start3A_287, %dma_start3A_288] : memref<50x50xi32, #tpu.memory_space<vmem>> -> memref<1x50xi32, #tpu.memory_space<vmem>>
    %dma_start3A_290 = tpu.memref_squeeze %dma_start3A_289 : memref<1x50xi32, #tpu.memory_space<vmem>> -> memref<50xi32, #tpu.memory_space<vmem>>
    %dma_start3A_291 = arith.constant 0 : i32
    %dma_start3A_292 = arith.constant 0 : i32
    %dma_start3A_293 = tpu.memref_slice %arg2[%dma_start3A_291, %dma_start3A_292] : memref<20000x128xf32, #tpu.memory_space<hbm>> -> memref<20000x128xf32, #tpu.memory_space<hbm>>
    tpu.enqueue_indirect_dma source(%dma_start3A_293 : memref<20000x128xf32, #tpu.memory_space<hbm>>) target(%arg11 : memref<50x128xf32, #tpu.memory_space<vmem>>) offsets(%dma_start3A_290 : memref<50xi32, #tpu.memory_space<vmem>>) semaphore(%arg19 : memref<!tpu.dma_semaphore, #tpu.memory_space<semaphore_mem>>)
    %dma_start3A_294 = arith.constant 2 : i32
    %dma_start3A_295 = arith.constant 0 : i32
    %dma_start3A_296 = tpu.memref_slice %arg6[%dma_start3A_294, %dma_start3A_295] : memref<50x50xi32, #tpu.memory_space<vmem>> -> memref<1x50xi32, #tpu.memory_space<vmem>>
    %dma_start3A_297 = tpu.memref_squeeze %dma_start3A_296 : memref<1x50xi32, #tpu.memory_space<vmem>> -> memref<50xi32, #tpu.memory_space<vmem>>
    %dma_start3A_298 = arith.constant 0 : i32
    %dma_start3A_299 = arith.constant 0 : i32
    %dma_start3A_300 = tpu.memref_slice %arg2[%dma_start3A_298, %dma_start3A_299] : memref<20000x128xf32, #tpu.memory_space<hbm>> -> memref<20000x128xf32, #tpu.memory_space<hbm>>
    tpu.enqueue_indirect_dma source(%dma_start3A_300 : memref<20000x128xf32, #tpu.memory_space<hbm>>) target(%arg12 : memref<50x128xf32, #tpu.memory_space<vmem>>) offsets(%dma_start3A_297 : memref<50xi32, #tpu.memory_space<vmem>>) semaphore(%arg20 : memref<!tpu.dma_semaphore, #tpu.memory_space<semaphore_mem>>)
    %dma_start3A_301 = arith.constant 3 : i32
    %dma_start3A_302 = arith.constant 0 : i32
    %dma_start3A_303 = tpu.memref_slice %arg6[%dma_start3A_301, %dma_start3A_302] : memref<50x50xi32, #tpu.memory_space<vmem>> -> memref<1x50xi32, #tpu.memory_space<vmem>>
    %dma_start3A_304 = tpu.memref_squeeze %dma_start3A_303 : memref<1x50xi32, #tpu.memory_space<vmem>> -> memref<50xi32, #tpu.memory_space<vmem>>
    %dma_start3A_305 = arith.constant 0 : i32
    %dma_start3A_306 = arith.constant 0 : i32
    %dma_start3A_307 = tpu.memref_slice %arg2[%dma_start3A_305, %dma_start3A_306] : memref<20000x128xf32, #tpu.memory_space<hbm>> -> memref<20000x128xf32, #tpu.memory_space<hbm>>
    tpu.enqueue_indirect_dma source(%dma_start3A_307 : memref<20000x128xf32, #tpu.memory_space<hbm>>) target(%arg13 : memref<50x128xf32, #tpu.memory_space<vmem>>) offsets(%dma_start3A_304 : memref<50xi32, #tpu.memory_space<vmem>>) semaphore(%arg21 : memref<!tpu.dma_semaphore, #tpu.memory_space<semaphore_mem>>)
    %dma_start3A_308 = arith.constant 4 : i32
    %dma_start3A_309 = arith.constant 0 : i32
    %dma_start3A_310 = tpu.memref_slice %arg6[%dma_start3A_308, %dma_start3A_309] : memref<50x50xi32, #tpu.memory_space<vmem>> -> memref<1x50xi32, #tpu.memory_space<vmem>>
    %dma_start3A_311 = tpu.memref_squeeze %dma_start3A_310 : memref<1x50xi32, #tpu.memory_space<vmem>> -> memref<50xi32, #tpu.memory_space<vmem>>
    %dma_start3A_312 = arith.constant 0 : i32
    %dma_start3A_313 = arith.constant 0 : i32
    %dma_start3A_314 = tpu.memref_slice %arg2[%dma_start3A_312, %dma_start3A_313] : memref<20000x128xf32, #tpu.memory_space<hbm>> -> memref<20000x128xf32, #tpu.memory_space<hbm>>
    tpu.enqueue_indirect_dma source(%dma_start3A_314 : memref<20000x128xf32, #tpu.memory_space<hbm>>) target(%arg14 : memref<50x128xf32, #tpu.memory_space<vmem>>) offsets(%dma_start3A_311 : memref<50xi32, #tpu.memory_space<vmem>>) semaphore(%arg22 : memref<!tpu.dma_semaphore, #tpu.memory_space<semaphore_mem>>)
    %scan3A_315 = arith.constant 0 : i32
    %scan3A_316 = arith.constant 0 : i32
    %scan3A_317 = arith.constant 10 : i32
    %scan3A_318 = arith.addi %scan3A_316, %scan3A_317 : i32
    %scan3A_319 = arith.constant 1 : i32
    scf.for %scan3A_458 = %scan3A_316 to %scan3A_318 step %scan3A_319  : i32 {
      %mul3A_459 = arith.constant 5 : i32
      %mul3A_460 = arith.muli %mul3A_459, %scan3A_458 : i32
      %add3A_461 = arith.constant 0 : i32
      %add3A_462 = arith.addi %mul3A_460, %add3A_461 : i32
      %dma_wait3A_463 = arith.constant 0 : i32
      %dma_wait3A_464 = tpu.memref_slice %arg6[%add3A_462, %dma_wait3A_463] : memref<50x50xi32, #tpu.memory_space<vmem>> -> memref<1x50xi32, #tpu.memory_space<vmem>>
      %dma_wait3A_465 = tpu.memref_squeeze %dma_wait3A_464 : memref<1x50xi32, #tpu.memory_space<vmem>> -> memref<50xi32, #tpu.memory_space<vmem>>
      %dma_wait3A_466 = arith.constant 0 : i32
      %dma_wait3A_467 = arith.constant 0 : i32
      %dma_wait3A_468 = tpu.memref_slice %arg2[%dma_wait3A_466, %dma_wait3A_467] : memref<20000x128xf32, #tpu.memory_space<hbm>> -> memref<20000x128xf32, #tpu.memory_space<hbm>>
      tpu.wait_indirect_dma semaphore(%arg18 : memref<!tpu.dma_semaphore, #tpu.memory_space<semaphore_mem>>) src(%dma_wait3A_468 : memref<20000x128xf32, #tpu.memory_space<hbm>>) dst(%arg10 : memref<50x128xf32, #tpu.memory_space<vmem>>)
      %add3A_469 = arith.constant 0 : i32
      %add3A_470 = arith.addi %mul3A_460, %add3A_469 : i32
      %dma_start3A_471 = arith.constant 0 : i32
      %dma_start3A_472 = tpu.memref_slice %arg8[%add3A_470, %dma_start3A_471] : memref<50x50xi32, #tpu.memory_space<vmem>> -> memref<1x50xi32, #tpu.memory_space<vmem>>
      %dma_start3A_473 = tpu.memref_squeeze %dma_start3A_472 : memref<1x50xi32, #tpu.memory_space<vmem>> -> memref<50xi32, #tpu.memory_space<vmem>>
      %dma_start3A_474 = arith.constant 0 : i32
      %dma_start3A_475 = arith.constant 0 : i32
      %dma_start3A_476 = tpu.memref_slice %arg15[%dma_start3A_474, %dma_start3A_475] : memref<10000x128xf32, #tpu.memory_space<vmem_shared>> -> memref<10000x128xf32, #tpu.memory_space<vmem_shared>>
      tpu.enqueue_indirect_dma source(%arg10 : memref<50x128xf32, #tpu.memory_space<vmem>>) target(%dma_start3A_476 : memref<10000x128xf32, #tpu.memory_space<vmem_shared>>) offsets(%dma_start3A_473 : memref<50xi32, #tpu.memory_space<vmem>>) semaphore(%arg23 : memref<!tpu.dma_semaphore, #tpu.memory_space<semaphore_mem>>) {add = true}
      %add3A_477 = arith.constant 1 : i32
      %add3A_478 = arith.addi %mul3A_460, %add3A_477 : i32
      %dma_wait3A_479 = arith.constant 0 : i32
      %dma_wait3A_480 = tpu.memref_slice %arg6[%add3A_478, %dma_wait3A_479] : memref<50x50xi32, #tpu.memory_space<vmem>> -> memref<1x50xi32, #tpu.memory_space<vmem>>
      %dma_wait3A_481 = tpu.memref_squeeze %dma_wait3A_480 : memref<1x50xi32, #tpu.memory_space<vmem>> -> memref<50xi32, #tpu.memory_space<vmem>>
      %dma_wait3A_482 = arith.constant 0 : i32
      %dma_wait3A_483 = arith.constant 0 : i32
      %dma_wait3A_484 = tpu.memref_slice %arg2[%dma_wait3A_482, %dma_wait3A_483] : memref<20000x128xf32, #tpu.memory_space<hbm>> -> memref<20000x128xf32, #tpu.memory_space<hbm>>
      tpu.wait_indirect_dma semaphore(%arg19 : memref<!tpu.dma_semaphore, #tpu.memory_space<semaphore_mem>>) src(%dma_wait3A_484 : memref<20000x128xf32, #tpu.memory_space<hbm>>) dst(%arg11 : memref<50x128xf32, #tpu.memory_space<vmem>>)
      %add3A_485 = arith.constant 1 : i32
      %add3A_486 = arith.addi %mul3A_460, %add3A_485 : i32
      %dma_start3A_487 = arith.constant 0 : i32
      %dma_start3A_488 = tpu.memref_slice %arg8[%add3A_486, %dma_start3A_487] : memref<50x50xi32, #tpu.memory_space<vmem>> -> memref<1x50xi32, #tpu.memory_space<vmem>>
      %dma_start3A_489 = tpu.memref_squeeze %dma_start3A_488 : memref<1x50xi32, #tpu.memory_space<vmem>> -> memref<50xi32, #tpu.memory_space<vmem>>
      %dma_start3A_490 = arith.constant 0 : i32
      %dma_start3A_491 = arith.constant 0 : i32
      %dma_start3A_492 = tpu.memref_slice %arg15[%dma_start3A_490, %dma_start3A_491] : memref<10000x128xf32, #tpu.memory_space<vmem_shared>> -> memref<10000x128xf32, #tpu.memory_space<vmem_shared>>
      tpu.enqueue_indirect_dma source(%arg11 : memref<50x128xf32, #tpu.memory_space<vmem>>) target(%dma_start3A_492 : memref<10000x128xf32, #tpu.memory_space<vmem_shared>>) offsets(%dma_start3A_489 : memref<50xi32, #tpu.memory_space<vmem>>) semaphore(%arg24 : memref<!tpu.dma_semaphore, #tpu.memory_space<semaphore_mem>>) {add = true}
      %add3A_493 = arith.constant 2 : i32
      %add3A_494 = arith.addi %mul3A_460, %add3A_493 : i32
      %dma_wait3A_495 = arith.constant 0 : i32
      %dma_wait3A_496 = tpu.memref_slice %arg6[%add3A_494, %dma_wait3A_495] : memref<50x50xi32, #tpu.memory_space<vmem>> -> memref<1x50xi32, #tpu.memory_space<vmem>>
      %dma_wait3A_497 = tpu.memref_squeeze %dma_wait3A_496 : memref<1x50xi32, #tpu.memory_space<vmem>> -> memref<50xi32, #tpu.memory_space<vmem>>
      %dma_wait3A_498 = arith.constant 0 : i32
      %dma_wait3A_499 = arith.constant 0 : i32
      %dma_wait3A_500 = tpu.memref_slice %arg2[%dma_wait3A_498, %dma_wait3A_499] : memref<20000x128xf32, #tpu.memory_space<hbm>> -> memref<20000x128xf32, #tpu.memory_space<hbm>>
      tpu.wait_indirect_dma semaphore(%arg20 : memref<!tpu.dma_semaphore, #tpu.memory_space<semaphore_mem>>) src(%dma_wait3A_500 : memref<20000x128xf32, #tpu.memory_space<hbm>>) dst(%arg12 : memref<50x128xf32, #tpu.memory_space<vmem>>)
      %add3A_501 = arith.constant 2 : i32
      %add3A_502 = arith.addi %mul3A_460, %add3A_501 : i32
      %dma_start3A_503 = arith.constant 0 : i32
      %dma_start3A_504 = tpu.memref_slice %arg8[%add3A_502, %dma_start3A_503] : memref<50x50xi32, #tpu.memory_space<vmem>> -> memref<1x50xi32, #tpu.memory_space<vmem>>
      %dma_start3A_505 = tpu.memref_squeeze %dma_start3A_504 : memref<1x50xi32, #tpu.memory_space<vmem>> -> memref<50xi32, #tpu.memory_space<vmem>>
      %dma_start3A_506 = arith.constant 0 : i32
      %dma_start3A_507 = arith.constant 0 : i32
      %dma_start3A_508 = tpu.memref_slice %arg15[%dma_start3A_506, %dma_start3A_507] : memref<10000x128xf32, #tpu.memory_space<vmem_shared>> -> memref<10000x128xf32, #tpu.memory_space<vmem_shared>>
      tpu.enqueue_indirect_dma source(%arg12 : memref<50x128xf32, #tpu.memory_space<vmem>>) target(%dma_start3A_508 : memref<10000x128xf32, #tpu.memory_space<vmem_shared>>) offsets(%dma_start3A_505 : memref<50xi32, #tpu.memory_space<vmem>>) semaphore(%arg25 : memref<!tpu.dma_semaphore, #tpu.memory_space<semaphore_mem>>) {add = true}
      %add3A_509 = arith.constant 3 : i32
      %add3A_510 = arith.addi %mul3A_460, %add3A_509 : i32
      %dma_wait3A_511 = arith.constant 0 : i32
      %dma_wait3A_512 = tpu.memref_slice %arg6[%add3A_510, %dma_wait3A_511] : memref<50x50xi32, #tpu.memory_space<vmem>> -> memref<1x50xi32, #tpu.memory_space<vmem>>
      %dma_wait3A_513 = tpu.memref_squeeze %dma_wait3A_512 : memref<1x50xi32, #tpu.memory_space<vmem>> -> memref<50xi32, #tpu.memory_space<vmem>>
      %dma_wait3A_514 = arith.constant 0 : i32
      %dma_wait3A_515 = arith.constant 0 : i32
      %dma_wait3A_516 = tpu.memref_slice %arg2[%dma_wait3A_514, %dma_wait3A_515] : memref<20000x128xf32, #tpu.memory_space<hbm>> -> memref<20000x128xf32, #tpu.memory_space<hbm>>
      tpu.wait_indirect_dma semaphore(%arg21 : memref<!tpu.dma_semaphore, #tpu.memory_space<semaphore_mem>>) src(%dma_wait3A_516 : memref<20000x128xf32, #tpu.memory_space<hbm>>) dst(%arg13 : memref<50x128xf32, #tpu.memory_space<vmem>>)
      %add3A_517 = arith.constant 3 : i32
      %add3A_518 = arith.addi %mul3A_460, %add3A_517 : i32
      %dma_start3A_519 = arith.constant 0 : i32
      %dma_start3A_520 = tpu.memref_slice %arg8[%add3A_518, %dma_start3A_519] : memref<50x50xi32, #tpu.memory_space<vmem>> -> memref<1x50xi32, #tpu.memory_space<vmem>>
      %dma_start3A_521 = tpu.memref_squeeze %dma_start3A_520 : memref<1x50xi32, #tpu.memory_space<vmem>> -> memref<50xi32, #tpu.memory_space<vmem>>
      %dma_start3A_522 = arith.constant 0 : i32
      %dma_start3A_523 = arith.constant 0 : i32
      %dma_start3A_524 = tpu.memref_slice %arg15[%dma_start3A_522, %dma_start3A_523] : memref<10000x128xf32, #tpu.memory_space<vmem_shared>> -> memref<10000x128xf32, #tpu.memory_space<vmem_shared>>
      tpu.enqueue_indirect_dma source(%arg13 : memref<50x128xf32, #tpu.memory_space<vmem>>) target(%dma_start3A_524 : memref<10000x128xf32, #tpu.memory_space<vmem_shared>>) offsets(%dma_start3A_521 : memref<50xi32, #tpu.memory_space<vmem>>) semaphore(%arg26 : memref<!tpu.dma_semaphore, #tpu.memory_space<semaphore_mem>>) {add = true}
      %add3A_525 = arith.constant 4 : i32
      %add3A_526 = arith.addi %mul3A_460, %add3A_525 : i32
      %dma_wait3A_527 = arith.constant 0 : i32
      %dma_wait3A_528 = tpu.memref_slice %arg6[%add3A_526, %dma_wait3A_527] : memref<50x50xi32, #tpu.memory_space<vmem>> -> memref<1x50xi32, #tpu.memory_space<vmem>>
      %dma_wait3A_529 = tpu.memref_squeeze %dma_wait3A_528 : memref<1x50xi32, #tpu.memory_space<vmem>> -> memref<50xi32, #tpu.memory_space<vmem>>
      %dma_wait3A_530 = arith.constant 0 : i32
      %dma_wait3A_531 = arith.constant 0 : i32
      %dma_wait3A_532 = tpu.memref_slice %arg2[%dma_wait3A_530, %dma_wait3A_531] : memref<20000x128xf32, #tpu.memory_space<hbm>> -> memref<20000x128xf32, #tpu.memory_space<hbm>>
      tpu.wait_indirect_dma semaphore(%arg22 : memref<!tpu.dma_semaphore, #tpu.memory_space<semaphore_mem>>) src(%dma_wait3A_532 : memref<20000x128xf32, #tpu.memory_space<hbm>>) dst(%arg14 : memref<50x128xf32, #tpu.memory_space<vmem>>)
      %add3A_533 = arith.constant 4 : i32
      %add3A_534 = arith.addi %mul3A_460, %add3A_533 : i32
      %dma_start3A_535 = arith.constant 0 : i32
      %dma_start3A_536 = tpu.memref_slice %arg8[%add3A_534, %dma_start3A_535] : memref<50x50xi32, #tpu.memory_space<vmem>> -> memref<1x50xi32, #tpu.memory_space<vmem>>
      %dma_start3A_537 = tpu.memref_squeeze %dma_start3A_536 : memref<1x50xi32, #tpu.memory_space<vmem>> -> memref<50xi32, #tpu.memory_space<vmem>>
      %dma_start3A_538 = arith.constant 0 : i32
      %dma_start3A_539 = arith.constant 0 : i32
      %dma_start3A_540 = tpu.memref_slice %arg15[%dma_start3A_538, %dma_start3A_539] : memref<10000x128xf32, #tpu.memory_space<vmem_shared>> -> memref<10000x128xf32, #tpu.memory_space<vmem_shared>>
      tpu.enqueue_indirect_dma source(%arg14 : memref<50x128xf32, #tpu.memory_space<vmem>>) target(%dma_start3A_540 : memref<10000x128xf32, #tpu.memory_space<vmem_shared>>) offsets(%dma_start3A_537 : memref<50xi32, #tpu.memory_space<vmem>>) semaphore(%arg27 : memref<!tpu.dma_semaphore, #tpu.memory_space<semaphore_mem>>) {add = true}
      %lt3A = arith.constant 9 : i32
      %lt3A_541 = arith.cmpi slt, %scan3A_458, %lt3A : i32
      %convert_element_type3A = arith.extui %lt3A_541 : i1 to i32
      %cond3A = arith.constant 0 : i32
      %cond3A_542 = arith.cmpi ne, %convert_element_type3A, %cond3A : i32
      scf.if %cond3A_542 {
        %add3A_543 = arith.constant 0 : i32
        %add3A_544 = arith.addi %mul3A_460, %add3A_543 : i32
        %dma_wait3A_545 = arith.constant 0 : i32
        %dma_wait3A_546 = tpu.memref_slice %arg8[%add3A_544, %dma_wait3A_545] : memref<50x50xi32, #tpu.memory_space<vmem>> -> memref<1x50xi32, #tpu.memory_space<vmem>>
        %dma_wait3A_547 = tpu.memref_squeeze %dma_wait3A_546 : memref<1x50xi32, #tpu.memory_space<vmem>> -> memref<50xi32, #tpu.memory_space<vmem>>
        %dma_wait3A_548 = arith.constant 0 : i32
        %dma_wait3A_549 = arith.constant 0 : i32
        %dma_wait3A_550 = tpu.memref_slice %arg15[%dma_wait3A_548, %dma_wait3A_549] : memref<10000x128xf32, #tpu.memory_space<vmem_shared>> -> memref<10000x128xf32, #tpu.memory_space<vmem_shared>>
        tpu.wait_indirect_dma semaphore(%arg23 : memref<!tpu.dma_semaphore, #tpu.memory_space<semaphore_mem>>) src(%arg10 : memref<50x128xf32, #tpu.memory_space<vmem>>) dst(%dma_wait3A_550 : memref<10000x128xf32, #tpu.memory_space<vmem_shared>>)
        %add3A_551 = arith.constant 5 : i32
        %add3A_552 = arith.addi %mul3A_460, %add3A_551 : i32
        %add3A_553 = arith.constant 0 : i32
        %add3A_554 = arith.addi %add3A_552, %add3A_553 : i32
        %dma_start3A_555 = arith.constant 0 : i32
        %dma_start3A_556 = tpu.memref_slice %arg6[%add3A_554, %dma_start3A_555] : memref<50x50xi32, #tpu.memory_space<vmem>> -> memref<1x50xi32, #tpu.memory_space<vmem>>
        %dma_start3A_557 = tpu.memref_squeeze %dma_start3A_556 : memref<1x50xi32, #tpu.memory_space<vmem>> -> memref<50xi32, #tpu.memory_space<vmem>>
        %dma_start3A_558 = arith.constant 0 : i32
        %dma_start3A_559 = arith.constant 0 : i32
        %dma_start3A_560 = tpu.memref_slice %arg2[%dma_start3A_558, %dma_start3A_559] : memref<20000x128xf32, #tpu.memory_space<hbm>> -> memref<20000x128xf32, #tpu.memory_space<hbm>>
        tpu.enqueue_indirect_dma source(%dma_start3A_560 : memref<20000x128xf32, #tpu.memory_space<hbm>>) target(%arg10 : memref<50x128xf32, #tpu.memory_space<vmem>>) offsets(%dma_start3A_557 : memref<50xi32, #tpu.memory_space<vmem>>) semaphore(%arg18 : memref<!tpu.dma_semaphore, #tpu.memory_space<semaphore_mem>>)
        %add3A_561 = arith.constant 1 : i32
        %add3A_562 = arith.addi %mul3A_460, %add3A_561 : i32
        %dma_wait3A_563 = arith.constant 0 : i32
        %dma_wait3A_564 = tpu.memref_slice %arg8[%add3A_562, %dma_wait3A_563] : memref<50x50xi32, #tpu.memory_space<vmem>> -> memref<1x50xi32, #tpu.memory_space<vmem>>
        %dma_wait3A_565 = tpu.memref_squeeze %dma_wait3A_564 : memref<1x50xi32, #tpu.memory_space<vmem>> -> memref<50xi32, #tpu.memory_space<vmem>>
        %dma_wait3A_566 = arith.constant 0 : i32
        %dma_wait3A_567 = arith.constant 0 : i32
        %dma_wait3A_568 = tpu.memref_slice %arg15[%dma_wait3A_566, %dma_wait3A_567] : memref<10000x128xf32, #tpu.memory_space<vmem_shared>> -> memref<10000x128xf32, #tpu.memory_space<vmem_shared>>
        tpu.wait_indirect_dma semaphore(%arg24 : memref<!tpu.dma_semaphore, #tpu.memory_space<semaphore_mem>>) src(%arg11 : memref<50x128xf32, #tpu.memory_space<vmem>>) dst(%dma_wait3A_568 : memref<10000x128xf32, #tpu.memory_space<vmem_shared>>)
        %add3A_569 = arith.constant 5 : i32
        %add3A_570 = arith.addi %mul3A_460, %add3A_569 : i32
        %add3A_571 = arith.constant 1 : i32
        %add3A_572 = arith.addi %add3A_570, %add3A_571 : i32
        %dma_start3A_573 = arith.constant 0 : i32
        %dma_start3A_574 = tpu.memref_slice %arg6[%add3A_572, %dma_start3A_573] : memref<50x50xi32, #tpu.memory_space<vmem>> -> memref<1x50xi32, #tpu.memory_space<vmem>>
        %dma_start3A_575 = tpu.memref_squeeze %dma_start3A_574 : memref<1x50xi32, #tpu.memory_space<vmem>> -> memref<50xi32, #tpu.memory_space<vmem>>
        %dma_start3A_576 = arith.constant 0 : i32
        %dma_start3A_577 = arith.constant 0 : i32
        %dma_start3A_578 = tpu.memref_slice %arg2[%dma_start3A_576, %dma_start3A_577] : memref<20000x128xf32, #tpu.memory_space<hbm>> -> memref<20000x128xf32, #tpu.memory_space<hbm>>
        tpu.enqueue_indirect_dma source(%dma_start3A_578 : memref<20000x128xf32, #tpu.memory_space<hbm>>) target(%arg11 : memref<50x128xf32, #tpu.memory_space<vmem>>) offsets(%dma_start3A_575 : memref<50xi32, #tpu.memory_space<vmem>>) semaphore(%arg19 : memref<!tpu.dma_semaphore, #tpu.memory_space<semaphore_mem>>)
        %add3A_579 = arith.constant 2 : i32
        %add3A_580 = arith.addi %mul3A_460, %add3A_579 : i32
        %dma_wait3A_581 = arith.constant 0 : i32
        %dma_wait3A_582 = tpu.memref_slice %arg8[%add3A_580, %dma_wait3A_581] : memref<50x50xi32, #tpu.memory_space<vmem>> -> memref<1x50xi32, #tpu.memory_space<vmem>>
        %dma_wait3A_583 = tpu.memref_squeeze %dma_wait3A_582 : memref<1x50xi32, #tpu.memory_space<vmem>> -> memref<50xi32, #tpu.memory_space<vmem>>
        %dma_wait3A_584 = arith.constant 0 : i32
        %dma_wait3A_585 = arith.constant 0 : i32
        %dma_wait3A_586 = tpu.memref_slice %arg15[%dma_wait3A_584, %dma_wait3A_585] : memref<10000x128xf32, #tpu.memory_space<vmem_shared>> -> memref<10000x128xf32, #tpu.memory_space<vmem_shared>>
        tpu.wait_indirect_dma semaphore(%arg25 : memref<!tpu.dma_semaphore, #tpu.memory_space<semaphore_mem>>) src(%arg12 : memref<50x128xf32, #tpu.memory_space<vmem>>) dst(%dma_wait3A_586 : memref<10000x128xf32, #tpu.memory_space<vmem_shared>>)
        %add3A_587 = arith.constant 5 : i32
        %add3A_588 = arith.addi %mul3A_460, %add3A_587 : i32
        %add3A_589 = arith.constant 2 : i32
        %add3A_590 = arith.addi %add3A_588, %add3A_589 : i32
        %dma_start3A_591 = arith.constant 0 : i32
        %dma_start3A_592 = tpu.memref_slice %arg6[%add3A_590, %dma_start3A_591] : memref<50x50xi32, #tpu.memory_space<vmem>> -> memref<1x50xi32, #tpu.memory_space<vmem>>
        %dma_start3A_593 = tpu.memref_squeeze %dma_start3A_592 : memref<1x50xi32, #tpu.memory_space<vmem>> -> memref<50xi32, #tpu.memory_space<vmem>>
        %dma_start3A_594 = arith.constant 0 : i32
        %dma_start3A_595 = arith.constant 0 : i32
        %dma_start3A_596 = tpu.memref_slice %arg2[%dma_start3A_594, %dma_start3A_595] : memref<20000x128xf32, #tpu.memory_space<hbm>> -> memref<20000x128xf32, #tpu.memory_space<hbm>>
        tpu.enqueue_indirect_dma source(%dma_start3A_596 : memref<20000x128xf32, #tpu.memory_space<hbm>>) target(%arg12 : memref<50x128xf32, #tpu.memory_space<vmem>>) offsets(%dma_start3A_593 : memref<50xi32, #tpu.memory_space<vmem>>) semaphore(%arg20 : memref<!tpu.dma_semaphore, #tpu.memory_space<semaphore_mem>>)
        %add3A_597 = arith.constant 3 : i32
        %add3A_598 = arith.addi %mul3A_460, %add3A_597 : i32
        %dma_wait3A_599 = arith.constant 0 : i32
        %dma_wait3A_600 = tpu.memref_slice %arg8[%add3A_598, %dma_wait3A_599] : memref<50x50xi32, #tpu.memory_space<vmem>> -> memref<1x50xi32, #tpu.memory_space<vmem>>
        %dma_wait3A_601 = tpu.memref_squeeze %dma_wait3A_600 : memref<1x50xi32, #tpu.memory_space<vmem>> -> memref<50xi32, #tpu.memory_space<vmem>>
        %dma_wait3A_602 = arith.constant 0 : i32
        %dma_wait3A_603 = arith.constant 0 : i32
        %dma_wait3A_604 = tpu.memref_slice %arg15[%dma_wait3A_602, %dma_wait3A_603] : memref<10000x128xf32, #tpu.memory_space<vmem_shared>> -> memref<10000x128xf32, #tpu.memory_space<vmem_shared>>
        tpu.wait_indirect_dma semaphore(%arg26 : memref<!tpu.dma_semaphore, #tpu.memory_space<semaphore_mem>>) src(%arg13 : memref<50x128xf32, #tpu.memory_space<vmem>>) dst(%dma_wait3A_604 : memref<10000x128xf32, #tpu.memory_space<vmem_shared>>)
        %add3A_605 = arith.constant 5 : i32
        %add3A_606 = arith.addi %mul3A_460, %add3A_605 : i32
        %add3A_607 = arith.constant 3 : i32
        %add3A_608 = arith.addi %add3A_606, %add3A_607 : i32
        %dma_start3A_609 = arith.constant 0 : i32
        %dma_start3A_610 = tpu.memref_slice %arg6[%add3A_608, %dma_start3A_609] : memref<50x50xi32, #tpu.memory_space<vmem>> -> memref<1x50xi32, #tpu.memory_space<vmem>>
        %dma_start3A_611 = tpu.memref_squeeze %dma_start3A_610 : memref<1x50xi32, #tpu.memory_space<vmem>> -> memref<50xi32, #tpu.memory_space<vmem>>
        %dma_start3A_612 = arith.constant 0 : i32
        %dma_start3A_613 = arith.constant 0 : i32
        %dma_start3A_614 = tpu.memref_slice %arg2[%dma_start3A_612, %dma_start3A_613] : memref<20000x128xf32, #tpu.memory_space<hbm>> -> memref<20000x128xf32, #tpu.memory_space<hbm>>
        tpu.enqueue_indirect_dma source(%dma_start3A_614 : memref<20000x128xf32, #tpu.memory_space<hbm>>) target(%arg13 : memref<50x128xf32, #tpu.memory_space<vmem>>) offsets(%dma_start3A_611 : memref<50xi32, #tpu.memory_space<vmem>>) semaphore(%arg21 : memref<!tpu.dma_semaphore, #tpu.memory_space<semaphore_mem>>)
        %add3A_615 = arith.constant 4 : i32
        %add3A_616 = arith.addi %mul3A_460, %add3A_615 : i32
        %dma_wait3A_617 = arith.constant 0 : i32
        %dma_wait3A_618 = tpu.memref_slice %arg8[%add3A_616, %dma_wait3A_617] : memref<50x50xi32, #tpu.memory_space<vmem>> -> memref<1x50xi32, #tpu.memory_space<vmem>>
        %dma_wait3A_619 = tpu.memref_squeeze %dma_wait3A_618 : memref<1x50xi32, #tpu.memory_space<vmem>> -> memref<50xi32, #tpu.memory_space<vmem>>
        %dma_wait3A_620 = arith.constant 0 : i32
        %dma_wait3A_621 = arith.constant 0 : i32
        %dma_wait3A_622 = tpu.memref_slice %arg15[%dma_wait3A_620, %dma_wait3A_621] : memref<10000x128xf32, #tpu.memory_space<vmem_shared>> -> memref<10000x128xf32, #tpu.memory_space<vmem_shared>>
        tpu.wait_indirect_dma semaphore(%arg27 : memref<!tpu.dma_semaphore, #tpu.memory_space<semaphore_mem>>) src(%arg14 : memref<50x128xf32, #tpu.memory_space<vmem>>) dst(%dma_wait3A_622 : memref<10000x128xf32, #tpu.memory_space<vmem_shared>>)
        %add3A_623 = arith.constant 5 : i32
        %add3A_624 = arith.addi %mul3A_460, %add3A_623 : i32
        %add3A_625 = arith.constant 4 : i32
        %add3A_626 = arith.addi %add3A_624, %add3A_625 : i32
        %dma_start3A_627 = arith.constant 0 : i32
        %dma_start3A_628 = tpu.memref_slice %arg6[%add3A_626, %dma_start3A_627] : memref<50x50xi32, #tpu.memory_space<vmem>> -> memref<1x50xi32, #tpu.memory_space<vmem>>
        %dma_start3A_629 = tpu.memref_squeeze %dma_start3A_628 : memref<1x50xi32, #tpu.memory_space<vmem>> -> memref<50xi32, #tpu.memory_space<vmem>>
        %dma_start3A_630 = arith.constant 0 : i32
        %dma_start3A_631 = arith.constant 0 : i32
        %dma_start3A_632 = tpu.memref_slice %arg2[%dma_start3A_630, %dma_start3A_631] : memref<20000x128xf32, #tpu.memory_space<hbm>> -> memref<20000x128xf32, #tpu.memory_space<hbm>>
        tpu.enqueue_indirect_dma source(%dma_start3A_632 : memref<20000x128xf32, #tpu.memory_space<hbm>>) target(%arg14 : memref<50x128xf32, #tpu.memory_space<vmem>>) offsets(%dma_start3A_629 : memref<50xi32, #tpu.memory_space<vmem>>) semaphore(%arg22 : memref<!tpu.dma_semaphore, #tpu.memory_space<semaphore_mem>>)
      } else {
      }
    }
    %scan3A_320 = arith.constant 10 : i32
    %dma_wait3A_321 = arith.constant 45 : i32
    %dma_wait3A_322 = arith.constant 0 : i32
    %dma_wait3A_323 = tpu.memref_slice %arg8[%dma_wait3A_321, %dma_wait3A_322] : memref<50x50xi32, #tpu.memory_space<vmem>> -> memref<1x50xi32, #tpu.memory_space<vmem>>
    %dma_wait3A_324 = tpu.memref_squeeze %dma_wait3A_323 : memref<1x50xi32, #tpu.memory_space<vmem>> -> memref<50xi32, #tpu.memory_space<vmem>>
    %dma_wait3A_325 = arith.constant 0 : i32
    %dma_wait3A_326 = arith.constant 0 : i32
    %dma_wait3A_327 = tpu.memref_slice %arg15[%dma_wait3A_325, %dma_wait3A_326] : memref<10000x128xf32, #tpu.memory_space<vmem_shared>> -> memref<10000x128xf32, #tpu.memory_space<vmem_shared>>
    tpu.wait_indirect_dma semaphore(%arg23 : memref<!tpu.dma_semaphore, #tpu.memory_space<semaphore_mem>>) src(%arg10 : memref<50x128xf32, #tpu.memory_space<vmem>>) dst(%dma_wait3A_327 : memref<10000x128xf32, #tpu.memory_space<vmem_shared>>)
    %dma_wait3A_328 = arith.constant 46 : i32
    %dma_wait3A_329 = arith.constant 0 : i32
    %dma_wait3A_330 = tpu.memref_slice %arg8[%dma_wait3A_328, %dma_wait3A_329] : memref<50x50xi32, #tpu.memory_space<vmem>> -> memref<1x50xi32, #tpu.memory_space<vmem>>
    %dma_wait3A_331 = tpu.memref_squeeze %dma_wait3A_330 : memref<1x50xi32, #tpu.memory_space<vmem>> -> memref<50xi32, #tpu.memory_space<vmem>>
    %dma_wait3A_332 = arith.constant 0 : i32
    %dma_wait3A_333 = arith.constant 0 : i32
    %dma_wait3A_334 = tpu.memref_slice %arg15[%dma_wait3A_332, %dma_wait3A_333] : memref<10000x128xf32, #tpu.memory_space<vmem_shared>> -> memref<10000x128xf32, #tpu.memory_space<vmem_shared>>
    tpu.wait_indirect_dma semaphore(%arg24 : memref<!tpu.dma_semaphore, #tpu.memory_space<semaphore_mem>>) src(%arg11 : memref<50x128xf32, #tpu.memory_space<vmem>>) dst(%dma_wait3A_334 : memref<10000x128xf32, #tpu.memory_space<vmem_shared>>)
    %dma_wait3A_335 = arith.constant 47 : i32
    %dma_wait3A_336 = arith.constant 0 : i32
    %dma_wait3A_337 = tpu.memref_slice %arg8[%dma_wait3A_335, %dma_wait3A_336] : memref<50x50xi32, #tpu.memory_space<vmem>> -> memref<1x50xi32, #tpu.memory_space<vmem>>
    %dma_wait3A_338 = tpu.memref_squeeze %dma_wait3A_337 : memref<1x50xi32, #tpu.memory_space<vmem>> -> memref<50xi32, #tpu.memory_space<vmem>>
    %dma_wait3A_339 = arith.constant 0 : i32
    %dma_wait3A_340 = arith.constant 0 : i32
    %dma_wait3A_341 = tpu.memref_slice %arg15[%dma_wait3A_339, %dma_wait3A_340] : memref<10000x128xf32, #tpu.memory_space<vmem_shared>> -> memref<10000x128xf32, #tpu.memory_space<vmem_shared>>
    tpu.wait_indirect_dma semaphore(%arg25 : memref<!tpu.dma_semaphore, #tpu.memory_space<semaphore_mem>>) src(%arg12 : memref<50x128xf32, #tpu.memory_space<vmem>>) dst(%dma_wait3A_341 : memref<10000x128xf32, #tpu.memory_space<vmem_shared>>)
    %dma_wait3A_342 = arith.constant 48 : i32
    %dma_wait3A_343 = arith.constant 0 : i32
    %dma_wait3A_344 = tpu.memref_slice %arg8[%dma_wait3A_342, %dma_wait3A_343] : memref<50x50xi32, #tpu.memory_space<vmem>> -> memref<1x50xi32, #tpu.memory_space<vmem>>
    %dma_wait3A_345 = tpu.memref_squeeze %dma_wait3A_344 : memref<1x50xi32, #tpu.memory_space<vmem>> -> memref<50xi32, #tpu.memory_space<vmem>>
    %dma_wait3A_346 = arith.constant 0 : i32
    %dma_wait3A_347 = arith.constant 0 : i32
    %dma_wait3A_348 = tpu.memref_slice %arg15[%dma_wait3A_346, %dma_wait3A_347] : memref<10000x128xf32, #tpu.memory_space<vmem_shared>> -> memref<10000x128xf32, #tpu.memory_space<vmem_shared>>
    tpu.wait_indirect_dma semaphore(%arg26 : memref<!tpu.dma_semaphore, #tpu.memory_space<semaphore_mem>>) src(%arg13 : memref<50x128xf32, #tpu.memory_space<vmem>>) dst(%dma_wait3A_348 : memref<10000x128xf32, #tpu.memory_space<vmem_shared>>)
    %dma_wait3A_349 = arith.constant 49 : i32
    %dma_wait3A_350 = arith.constant 0 : i32
    %dma_wait3A_351 = tpu.memref_slice %arg8[%dma_wait3A_349, %dma_wait3A_350] : memref<50x50xi32, #tpu.memory_space<vmem>> -> memref<1x50xi32, #tpu.memory_space<vmem>>
    %dma_wait3A_352 = tpu.memref_squeeze %dma_wait3A_351 : memref<1x50xi32, #tpu.memory_space<vmem>> -> memref<50xi32, #tpu.memory_space<vmem>>
    %dma_wait3A_353 = arith.constant 0 : i32
    %dma_wait3A_354 = arith.constant 0 : i32
    %dma_wait3A_355 = tpu.memref_slice %arg15[%dma_wait3A_353, %dma_wait3A_354] : memref<10000x128xf32, #tpu.memory_space<vmem_shared>> -> memref<10000x128xf32, #tpu.memory_space<vmem_shared>>
    tpu.wait_indirect_dma semaphore(%arg27 : memref<!tpu.dma_semaphore, #tpu.memory_space<semaphore_mem>>) src(%arg14 : memref<50x128xf32, #tpu.memory_space<vmem>>) dst(%dma_wait3A_355 : memref<10000x128xf32, #tpu.memory_space<vmem_shared>>)
    %dma_wait3A_356 = arith.constant 3 : i32
    %dma_wait3A_357 = arith.constant 0 : i32
    %dma_wait3A_358 = arith.constant 0 : i32
    %dma_wait3A_359 = tpu.memref_slice %arg3[%arg0, %arg1, %dma_wait3A_356, %dma_wait3A_357, %dma_wait3A_358] : memref<2x16x4x50x50xi32, #tpu.memory_space<hbm>> -> memref<1x1x1x50x50xi32, #tpu.memory_space<hbm>>
    %dma_wait3A_360 = tpu.memref_squeeze %dma_wait3A_359 : memref<1x1x1x50x50xi32, #tpu.memory_space<hbm>> -> memref<50x50xi32, #tpu.memory_space<hbm>>
    %dma_wait3A_361 = arith.constant 0 : i32
    %dma_wait3A_362 = arith.constant 0 : i32
    %dma_wait3A_363 = tpu.memref_slice %arg3[%arg0, %arg1, %dma_wait3A_356, %dma_wait3A_361, %dma_wait3A_362] : memref<2x16x4x50x50xi32, #tpu.memory_space<hbm>> -> memref<1x1x1x50x50xi32, #tpu.memory_space<hbm>>
    %dma_wait3A_364 = tpu.memref_squeeze %dma_wait3A_363 : memref<1x1x1x50x50xi32, #tpu.memory_space<hbm>> -> memref<50x50xi32, #tpu.memory_space<hbm>>
    tpu.wait_dma2 semaphore(%arg17 : memref<!tpu.dma_semaphore, #tpu.memory_space<semaphore_mem>>) src(%dma_wait3A_364 : memref<50x50xi32, #tpu.memory_space<hbm>>) dst(%arg7 : memref<50x50xi32, #tpu.memory_space<vmem>>)
    %dma_wait3A_365 = arith.constant 3 : i32
    %dma_wait3A_366 = arith.constant 0 : i32
    %dma_wait3A_367 = arith.constant 0 : i32
    %dma_wait3A_368 = tpu.memref_slice %arg4[%arg1, %dma_wait3A_365, %dma_wait3A_366, %dma_wait3A_367] : memref<16x4x50x50xi32, #tpu.memory_space<hbm>> -> memref<1x1x50x50xi32, #tpu.memory_space<hbm>>
    %dma_wait3A_369 = tpu.memref_squeeze %dma_wait3A_368 : memref<1x1x50x50xi32, #tpu.memory_space<hbm>> -> memref<50x50xi32, #tpu.memory_space<hbm>>
    %dma_wait3A_370 = arith.constant 0 : i32
    %dma_wait3A_371 = arith.constant 0 : i32
    %dma_wait3A_372 = tpu.memref_slice %arg4[%arg1, %dma_wait3A_365, %dma_wait3A_370, %dma_wait3A_371] : memref<16x4x50x50xi32, #tpu.memory_space<hbm>> -> memref<1x1x50x50xi32, #tpu.memory_space<hbm>>
    %dma_wait3A_373 = tpu.memref_squeeze %dma_wait3A_372 : memref<1x1x50x50xi32, #tpu.memory_space<hbm>> -> memref<50x50xi32, #tpu.memory_space<hbm>>
    tpu.wait_dma2 semaphore(%arg17 : memref<!tpu.dma_semaphore, #tpu.memory_space<semaphore_mem>>) src(%dma_wait3A_373 : memref<50x50xi32, #tpu.memory_space<hbm>>) dst(%arg9 : memref<50x50xi32, #tpu.memory_space<vmem>>)
    %dma_start3A_374 = arith.constant 0 : i32
    %dma_start3A_375 = arith.constant 0 : i32
    %dma_start3A_376 = tpu.memref_slice %arg7[%dma_start3A_374, %dma_start3A_375] : memref<50x50xi32, #tpu.memory_space<vmem>> -> memref<1x50xi32, #tpu.memory_space<vmem>>
    %dma_start3A_377 = tpu.memref_squeeze %dma_start3A_376 : memref<1x50xi32, #tpu.memory_space<vmem>> -> memref<50xi32, #tpu.memory_space<vmem>>
    %dma_start3A_378 = arith.constant 0 : i32
    %dma_start3A_379 = arith.constant 0 : i32
    %dma_start3A_380 = tpu.memref_slice %arg2[%dma_start3A_378, %dma_start3A_379] : memref<20000x128xf32, #tpu.memory_space<hbm>> -> memref<20000x128xf32, #tpu.memory_space<hbm>>
    tpu.enqueue_indirect_dma source(%dma_start3A_380 : memref<20000x128xf32, #tpu.memory_space<hbm>>) target(%arg10 : memref<50x128xf32, #tpu.memory_space<vmem>>) offsets(%dma_start3A_377 : memref<50xi32, #tpu.memory_space<vmem>>) semaphore(%arg18 : memref<!tpu.dma_semaphore, #tpu.memory_space<semaphore_mem>>)
    %dma_start3A_381 = arith.constant 1 : i32
    %dma_start3A_382 = arith.constant 0 : i32
    %dma_start3A_383 = tpu.memref_slice %arg7[%dma_start3A_381, %dma_start3A_382] : memref<50x50xi32, #tpu.memory_space<vmem>> -> memref<1x50xi32, #tpu.memory_space<vmem>>
    %dma_start3A_384 = tpu.memref_squeeze %dma_start3A_383 : memref<1x50xi32, #tpu.memory_space<vmem>> -> memref<50xi32, #tpu.memory_space<vmem>>
    %dma_start3A_385 = arith.constant 0 : i32
    %dma_start3A_386 = arith.constant 0 : i32
    %dma_start3A_387 = tpu.memref_slice %arg2[%dma_start3A_385, %dma_start3A_386] : memref<20000x128xf32, #tpu.memory_space<hbm>> -> memref<20000x128xf32, #tpu.memory_space<hbm>>
    tpu.enqueue_indirect_dma source(%dma_start3A_387 : memref<20000x128xf32, #tpu.memory_space<hbm>>) target(%arg11 : memref<50x128xf32, #tpu.memory_space<vmem>>) offsets(%dma_start3A_384 : memref<50xi32, #tpu.memory_space<vmem>>) semaphore(%arg19 : memref<!tpu.dma_semaphore, #tpu.memory_space<semaphore_mem>>)
    %dma_start3A_388 = arith.constant 2 : i32
    %dma_start3A_389 = arith.constant 0 : i32
    %dma_start3A_390 = tpu.memref_slice %arg7[%dma_start3A_388, %dma_start3A_389] : memref<50x50xi32, #tpu.memory_space<vmem>> -> memref<1x50xi32, #tpu.memory_space<vmem>>
    %dma_start3A_391 = tpu.memref_squeeze %dma_start3A_390 : memref<1x50xi32, #tpu.memory_space<vmem>> -> memref<50xi32, #tpu.memory_space<vmem>>
    %dma_start3A_392 = arith.constant 0 : i32
    %dma_start3A_393 = arith.constant 0 : i32
    %dma_start3A_394 = tpu.memref_slice %arg2[%dma_start3A_392, %dma_start3A_393] : memref<20000x128xf32, #tpu.memory_space<hbm>> -> memref<20000x128xf32, #tpu.memory_space<hbm>>
    tpu.enqueue_indirect_dma source(%dma_start3A_394 : memref<20000x128xf32, #tpu.memory_space<hbm>>) target(%arg12 : memref<50x128xf32, #tpu.memory_space<vmem>>) offsets(%dma_start3A_391 : memref<50xi32, #tpu.memory_space<vmem>>) semaphore(%arg20 : memref<!tpu.dma_semaphore, #tpu.memory_space<semaphore_mem>>)
    %dma_start3A_395 = arith.constant 3 : i32
    %dma_start3A_396 = arith.constant 0 : i32
    %dma_start3A_397 = tpu.memref_slice %arg7[%dma_start3A_395, %dma_start3A_396] : memref<50x50xi32, #tpu.memory_space<vmem>> -> memref<1x50xi32, #tpu.memory_space<vmem>>
    %dma_start3A_398 = tpu.memref_squeeze %dma_start3A_397 : memref<1x50xi32, #tpu.memory_space<vmem>> -> memref<50xi32, #tpu.memory_space<vmem>>
    %dma_start3A_399 = arith.constant 0 : i32
    %dma_start3A_400 = arith.constant 0 : i32
    %dma_start3A_401 = tpu.memref_slice %arg2[%dma_start3A_399, %dma_start3A_400] : memref<20000x128xf32, #tpu.memory_space<hbm>> -> memref<20000x128xf32, #tpu.memory_space<hbm>>
    tpu.enqueue_indirect_dma source(%dma_start3A_401 : memref<20000x128xf32, #tpu.memory_space<hbm>>) target(%arg13 : memref<50x128xf32, #tpu.memory_space<vmem>>) offsets(%dma_start3A_398 : memref<50xi32, #tpu.memory_space<vmem>>) semaphore(%arg21 : memref<!tpu.dma_semaphore, #tpu.memory_space<semaphore_mem>>)
    %dma_start3A_402 = arith.constant 4 : i32
    %dma_start3A_403 = arith.constant 0 : i32
    %dma_start3A_404 = tpu.memref_slice %arg7[%dma_start3A_402, %dma_start3A_403] : memref<50x50xi32, #tpu.memory_space<vmem>> -> memref<1x50xi32, #tpu.memory_space<vmem>>
    %dma_start3A_405 = tpu.memref_squeeze %dma_start3A_404 : memref<1x50xi32, #tpu.memory_space<vmem>> -> memref<50xi32, #tpu.memory_space<vmem>>
    %dma_start3A_406 = arith.constant 0 : i32
    %dma_start3A_407 = arith.constant 0 : i32
    %dma_start3A_408 = tpu.memref_slice %arg2[%dma_start3A_406, %dma_start3A_407] : memref<20000x128xf32, #tpu.memory_space<hbm>> -> memref<20000x128xf32, #tpu.memory_space<hbm>>
    tpu.enqueue_indirect_dma source(%dma_start3A_408 : memref<20000x128xf32, #tpu.memory_space<hbm>>) target(%arg14 : memref<50x128xf32, #tpu.memory_space<vmem>>) offsets(%dma_start3A_405 : memref<50xi32, #tpu.memory_space<vmem>>) semaphore(%arg22 : memref<!tpu.dma_semaphore, #tpu.memory_space<semaphore_mem>>)
    %scan3A_409 = arith.constant 0 : i32
    %scan3A_410 = arith.constant 0 : i32
    %scan3A_411 = arith.constant 10 : i32
    %scan3A_412 = arith.addi %scan3A_410, %scan3A_411 : i32
    %scan3A_413 = arith.constant 1 : i32
    scf.for %scan3A_458 = %scan3A_410 to %scan3A_412 step %scan3A_413  : i32 {
      %mul3A_459 = arith.constant 5 : i32
      %mul3A_460 = arith.muli %mul3A_459, %scan3A_458 : i32
      %add3A_461 = arith.constant 0 : i32
      %add3A_462 = arith.addi %mul3A_460, %add3A_461 : i32
      %dma_wait3A_463 = arith.constant 0 : i32
      %dma_wait3A_464 = tpu.memref_slice %arg7[%add3A_462, %dma_wait3A_463] : memref<50x50xi32, #tpu.memory_space<vmem>> -> memref<1x50xi32, #tpu.memory_space<vmem>>
      %dma_wait3A_465 = tpu.memref_squeeze %dma_wait3A_464 : memref<1x50xi32, #tpu.memory_space<vmem>> -> memref<50xi32, #tpu.memory_space<vmem>>
      %dma_wait3A_466 = arith.constant 0 : i32
      %dma_wait3A_467 = arith.constant 0 : i32
      %dma_wait3A_468 = tpu.memref_slice %arg2[%dma_wait3A_466, %dma_wait3A_467] : memref<20000x128xf32, #tpu.memory_space<hbm>> -> memref<20000x128xf32, #tpu.memory_space<hbm>>
      tpu.wait_indirect_dma semaphore(%arg18 : memref<!tpu.dma_semaphore, #tpu.memory_space<semaphore_mem>>) src(%dma_wait3A_468 : memref<20000x128xf32, #tpu.memory_space<hbm>>) dst(%arg10 : memref<50x128xf32, #tpu.memory_space<vmem>>)
      %add3A_469 = arith.constant 0 : i32
      %add3A_470 = arith.addi %mul3A_460, %add3A_469 : i32
      %dma_start3A_471 = arith.constant 0 : i32
      %dma_start3A_472 = tpu.memref_slice %arg9[%add3A_470, %dma_start3A_471] : memref<50x50xi32, #tpu.memory_space<vmem>> -> memref<1x50xi32, #tpu.memory_space<vmem>>
      %dma_start3A_473 = tpu.memref_squeeze %dma_start3A_472 : memref<1x50xi32, #tpu.memory_space<vmem>> -> memref<50xi32, #tpu.memory_space<vmem>>
      %dma_start3A_474 = arith.constant 0 : i32
      %dma_start3A_475 = arith.constant 0 : i32
      %dma_start3A_476 = tpu.memref_slice %arg15[%dma_start3A_474, %dma_start3A_475] : memref<10000x128xf32, #tpu.memory_space<vmem_shared>> -> memref<10000x128xf32, #tpu.memory_space<vmem_shared>>
      tpu.enqueue_indirect_dma source(%arg10 : memref<50x128xf32, #tpu.memory_space<vmem>>) target(%dma_start3A_476 : memref<10000x128xf32, #tpu.memory_space<vmem_shared>>) offsets(%dma_start3A_473 : memref<50xi32, #tpu.memory_space<vmem>>) semaphore(%arg23 : memref<!tpu.dma_semaphore, #tpu.memory_space<semaphore_mem>>) {add = true}
      %add3A_477 = arith.constant 1 : i32
      %add3A_478 = arith.addi %mul3A_460, %add3A_477 : i32
      %dma_wait3A_479 = arith.constant 0 : i32
      %dma_wait3A_480 = tpu.memref_slice %arg7[%add3A_478, %dma_wait3A_479] : memref<50x50xi32, #tpu.memory_space<vmem>> -> memref<1x50xi32, #tpu.memory_space<vmem>>
      %dma_wait3A_481 = tpu.memref_squeeze %dma_wait3A_480 : memref<1x50xi32, #tpu.memory_space<vmem>> -> memref<50xi32, #tpu.memory_space<vmem>>
      %dma_wait3A_482 = arith.constant 0 : i32
      %dma_wait3A_483 = arith.constant 0 : i32
      %dma_wait3A_484 = tpu.memref_slice %arg2[%dma_wait3A_482, %dma_wait3A_483] : memref<20000x128xf32, #tpu.memory_space<hbm>> -> memref<20000x128xf32, #tpu.memory_space<hbm>>
      tpu.wait_indirect_dma semaphore(%arg19 : memref<!tpu.dma_semaphore, #tpu.memory_space<semaphore_mem>>) src(%dma_wait3A_484 : memref<20000x128xf32, #tpu.memory_space<hbm>>) dst(%arg11 : memref<50x128xf32, #tpu.memory_space<vmem>>)
      %add3A_485 = arith.constant 1 : i32
      %add3A_486 = arith.addi %mul3A_460, %add3A_485 : i32
      %dma_start3A_487 = arith.constant 0 : i32
      %dma_start3A_488 = tpu.memref_slice %arg9[%add3A_486, %dma_start3A_487] : memref<50x50xi32, #tpu.memory_space<vmem>> -> memref<1x50xi32, #tpu.memory_space<vmem>>
      %dma_start3A_489 = tpu.memref_squeeze %dma_start3A_488 : memref<1x50xi32, #tpu.memory_space<vmem>> -> memref<50xi32, #tpu.memory_space<vmem>>
      %dma_start3A_490 = arith.constant 0 : i32
      %dma_start3A_491 = arith.constant 0 : i32
      %dma_start3A_492 = tpu.memref_slice %arg15[%dma_start3A_490, %dma_start3A_491] : memref<10000x128xf32, #tpu.memory_space<vmem_shared>> -> memref<10000x128xf32, #tpu.memory_space<vmem_shared>>
      tpu.enqueue_indirect_dma source(%arg11 : memref<50x128xf32, #tpu.memory_space<vmem>>) target(%dma_start3A_492 : memref<10000x128xf32, #tpu.memory_space<vmem_shared>>) offsets(%dma_start3A_489 : memref<50xi32, #tpu.memory_space<vmem>>) semaphore(%arg24 : memref<!tpu.dma_semaphore, #tpu.memory_space<semaphore_mem>>) {add = true}
      %add3A_493 = arith.constant 2 : i32
      %add3A_494 = arith.addi %mul3A_460, %add3A_493 : i32
      %dma_wait3A_495 = arith.constant 0 : i32
      %dma_wait3A_496 = tpu.memref_slice %arg7[%add3A_494, %dma_wait3A_495] : memref<50x50xi32, #tpu.memory_space<vmem>> -> memref<1x50xi32, #tpu.memory_space<vmem>>
      %dma_wait3A_497 = tpu.memref_squeeze %dma_wait3A_496 : memref<1x50xi32, #tpu.memory_space<vmem>> -> memref<50xi32, #tpu.memory_space<vmem>>
      %dma_wait3A_498 = arith.constant 0 : i32
      %dma_wait3A_499 = arith.constant 0 : i32
      %dma_wait3A_500 = tpu.memref_slice %arg2[%dma_wait3A_498, %dma_wait3A_499] : memref<20000x128xf32, #tpu.memory_space<hbm>> -> memref<20000x128xf32, #tpu.memory_space<hbm>>
      tpu.wait_indirect_dma semaphore(%arg20 : memref<!tpu.dma_semaphore, #tpu.memory_space<semaphore_mem>>) src(%dma_wait3A_500 : memref<20000x128xf32, #tpu.memory_space<hbm>>) dst(%arg12 : memref<50x128xf32, #tpu.memory_space<vmem>>)
      %add3A_501 = arith.constant 2 : i32
      %add3A_502 = arith.addi %mul3A_460, %add3A_501 : i32
      %dma_start3A_503 = arith.constant 0 : i32
      %dma_start3A_504 = tpu.memref_slice %arg9[%add3A_502, %dma_start3A_503] : memref<50x50xi32, #tpu.memory_space<vmem>> -> memref<1x50xi32, #tpu.memory_space<vmem>>
      %dma_start3A_505 = tpu.memref_squeeze %dma_start3A_504 : memref<1x50xi32, #tpu.memory_space<vmem>> -> memref<50xi32, #tpu.memory_space<vmem>>
      %dma_start3A_506 = arith.constant 0 : i32
      %dma_start3A_507 = arith.constant 0 : i32
      %dma_start3A_508 = tpu.memref_slice %arg15[%dma_start3A_506, %dma_start3A_507] : memref<10000x128xf32, #tpu.memory_space<vmem_shared>> -> memref<10000x128xf32, #tpu.memory_space<vmem_shared>>
      tpu.enqueue_indirect_dma source(%arg12 : memref<50x128xf32, #tpu.memory_space<vmem>>) target(%dma_start3A_508 : memref<10000x128xf32, #tpu.memory_space<vmem_shared>>) offsets(%dma_start3A_505 : memref<50xi32, #tpu.memory_space<vmem>>) semaphore(%arg25 : memref<!tpu.dma_semaphore, #tpu.memory_space<semaphore_mem>>) {add = true}
      %add3A_509 = arith.constant 3 : i32
      %add3A_510 = arith.addi %mul3A_460, %add3A_509 : i32
      %dma_wait3A_511 = arith.constant 0 : i32
      %dma_wait3A_512 = tpu.memref_slice %arg7[%add3A_510, %dma_wait3A_511] : memref<50x50xi32, #tpu.memory_space<vmem>> -> memref<1x50xi32, #tpu.memory_space<vmem>>
      %dma_wait3A_513 = tpu.memref_squeeze %dma_wait3A_512 : memref<1x50xi32, #tpu.memory_space<vmem>> -> memref<50xi32, #tpu.memory_space<vmem>>
      %dma_wait3A_514 = arith.constant 0 : i32
      %dma_wait3A_515 = arith.constant 0 : i32
      %dma_wait3A_516 = tpu.memref_slice %arg2[%dma_wait3A_514, %dma_wait3A_515] : memref<20000x128xf32, #tpu.memory_space<hbm>> -> memref<20000x128xf32, #tpu.memory_space<hbm>>
      tpu.wait_indirect_dma semaphore(%arg21 : memref<!tpu.dma_semaphore, #tpu.memory_space<semaphore_mem>>) src(%dma_wait3A_516 : memref<20000x128xf32, #tpu.memory_space<hbm>>) dst(%arg13 : memref<50x128xf32, #tpu.memory_space<vmem>>)
      %add3A_517 = arith.constant 3 : i32
      %add3A_518 = arith.addi %mul3A_460, %add3A_517 : i32
      %dma_start3A_519 = arith.constant 0 : i32
      %dma_start3A_520 = tpu.memref_slice %arg9[%add3A_518, %dma_start3A_519] : memref<50x50xi32, #tpu.memory_space<vmem>> -> memref<1x50xi32, #tpu.memory_space<vmem>>
      %dma_start3A_521 = tpu.memref_squeeze %dma_start3A_520 : memref<1x50xi32, #tpu.memory_space<vmem>> -> memref<50xi32, #tpu.memory_space<vmem>>
      %dma_start3A_522 = arith.constant 0 : i32
      %dma_start3A_523 = arith.constant 0 : i32
      %dma_start3A_524 = tpu.memref_slice %arg15[%dma_start3A_522, %dma_start3A_523] : memref<10000x128xf32, #tpu.memory_space<vmem_shared>> -> memref<10000x128xf32, #tpu.memory_space<vmem_shared>>
      tpu.enqueue_indirect_dma source(%arg13 : memref<50x128xf32, #tpu.memory_space<vmem>>) target(%dma_start3A_524 : memref<10000x128xf32, #tpu.memory_space<vmem_shared>>) offsets(%dma_start3A_521 : memref<50xi32, #tpu.memory_space<vmem>>) semaphore(%arg26 : memref<!tpu.dma_semaphore, #tpu.memory_space<semaphore_mem>>) {add = true}
      %add3A_525 = arith.constant 4 : i32
      %add3A_526 = arith.addi %mul3A_460, %add3A_525 : i32
      %dma_wait3A_527 = arith.constant 0 : i32
      %dma_wait3A_528 = tpu.memref_slice %arg7[%add3A_526, %dma_wait3A_527] : memref<50x50xi32, #tpu.memory_space<vmem>> -> memref<1x50xi32, #tpu.memory_space<vmem>>
      %dma_wait3A_529 = tpu.memref_squeeze %dma_wait3A_528 : memref<1x50xi32, #tpu.memory_space<vmem>> -> memref<50xi32, #tpu.memory_space<vmem>>
      %dma_wait3A_530 = arith.constant 0 : i32
      %dma_wait3A_531 = arith.constant 0 : i32
      %dma_wait3A_532 = tpu.memref_slice %arg2[%dma_wait3A_530, %dma_wait3A_531] : memref<20000x128xf32, #tpu.memory_space<hbm>> -> memref<20000x128xf32, #tpu.memory_space<hbm>>
      tpu.wait_indirect_dma semaphore(%arg22 : memref<!tpu.dma_semaphore, #tpu.memory_space<semaphore_mem>>) src(%dma_wait3A_532 : memref<20000x128xf32, #tpu.memory_space<hbm>>) dst(%arg14 : memref<50x128xf32, #tpu.memory_space<vmem>>)
      %add3A_533 = arith.constant 4 : i32
      %add3A_534 = arith.addi %mul3A_460, %add3A_533 : i32
      %dma_start3A_535 = arith.constant 0 : i32
      %dma_start3A_536 = tpu.memref_slice %arg9[%add3A_534, %dma_start3A_535] : memref<50x50xi32, #tpu.memory_space<vmem>> -> memref<1x50xi32, #tpu.memory_space<vmem>>
      %dma_start3A_537 = tpu.memref_squeeze %dma_start3A_536 : memref<1x50xi32, #tpu.memory_space<vmem>> -> memref<50xi32, #tpu.memory_space<vmem>>
      %dma_start3A_538 = arith.constant 0 : i32
      %dma_start3A_539 = arith.constant 0 : i32
      %dma_start3A_540 = tpu.memref_slice %arg15[%dma_start3A_538, %dma_start3A_539] : memref<10000x128xf32, #tpu.memory_space<vmem_shared>> -> memref<10000x128xf32, #tpu.memory_space<vmem_shared>>
      tpu.enqueue_indirect_dma source(%arg14 : memref<50x128xf32, #tpu.memory_space<vmem>>) target(%dma_start3A_540 : memref<10000x128xf32, #tpu.memory_space<vmem_shared>>) offsets(%dma_start3A_537 : memref<50xi32, #tpu.memory_space<vmem>>) semaphore(%arg27 : memref<!tpu.dma_semaphore, #tpu.memory_space<semaphore_mem>>) {add = true}
      %lt3A = arith.constant 9 : i32
      %lt3A_541 = arith.cmpi slt, %scan3A_458, %lt3A : i32
      %convert_element_type3A = arith.extui %lt3A_541 : i1 to i32
      %cond3A = arith.constant 0 : i32
      %cond3A_542 = arith.cmpi ne, %convert_element_type3A, %cond3A : i32
      scf.if %cond3A_542 {
        %add3A_543 = arith.constant 0 : i32
        %add3A_544 = arith.addi %mul3A_460, %add3A_543 : i32
        %dma_wait3A_545 = arith.constant 0 : i32
        %dma_wait3A_546 = tpu.memref_slice %arg9[%add3A_544, %dma_wait3A_545] : memref<50x50xi32, #tpu.memory_space<vmem>> -> memref<1x50xi32, #tpu.memory_space<vmem>>
        %dma_wait3A_547 = tpu.memref_squeeze %dma_wait3A_546 : memref<1x50xi32, #tpu.memory_space<vmem>> -> memref<50xi32, #tpu.memory_space<vmem>>
        %dma_wait3A_548 = arith.constant 0 : i32
        %dma_wait3A_549 = arith.constant 0 : i32
        %dma_wait3A_550 = tpu.memref_slice %arg15[%dma_wait3A_548, %dma_wait3A_549] : memref<10000x128xf32, #tpu.memory_space<vmem_shared>> -> memref<10000x128xf32, #tpu.memory_space<vmem_shared>>
        tpu.wait_indirect_dma semaphore(%arg23 : memref<!tpu.dma_semaphore, #tpu.memory_space<semaphore_mem>>) src(%arg10 : memref<50x128xf32, #tpu.memory_space<vmem>>) dst(%dma_wait3A_550 : memref<10000x128xf32, #tpu.memory_space<vmem_shared>>)
        %add3A_551 = arith.constant 5 : i32
        %add3A_552 = arith.addi %mul3A_460, %add3A_551 : i32
        %add3A_553 = arith.constant 0 : i32
        %add3A_554 = arith.addi %add3A_552, %add3A_553 : i32
        %dma_start3A_555 = arith.constant 0 : i32
        %dma_start3A_556 = tpu.memref_slice %arg7[%add3A_554, %dma_start3A_555] : memref<50x50xi32, #tpu.memory_space<vmem>> -> memref<1x50xi32, #tpu.memory_space<vmem>>
        %dma_start3A_557 = tpu.memref_squeeze %dma_start3A_556 : memref<1x50xi32, #tpu.memory_space<vmem>> -> memref<50xi32, #tpu.memory_space<vmem>>
        %dma_start3A_558 = arith.constant 0 : i32
        %dma_start3A_559 = arith.constant 0 : i32
        %dma_start3A_560 = tpu.memref_slice %arg2[%dma_start3A_558, %dma_start3A_559] : memref<20000x128xf32, #tpu.memory_space<hbm>> -> memref<20000x128xf32, #tpu.memory_space<hbm>>
        tpu.enqueue_indirect_dma source(%dma_start3A_560 : memref<20000x128xf32, #tpu.memory_space<hbm>>) target(%arg10 : memref<50x128xf32, #tpu.memory_space<vmem>>) offsets(%dma_start3A_557 : memref<50xi32, #tpu.memory_space<vmem>>) semaphore(%arg18 : memref<!tpu.dma_semaphore, #tpu.memory_space<semaphore_mem>>)
        %add3A_561 = arith.constant 1 : i32
        %add3A_562 = arith.addi %mul3A_460, %add3A_561 : i32
        %dma_wait3A_563 = arith.constant 0 : i32
        %dma_wait3A_564 = tpu.memref_slice %arg9[%add3A_562, %dma_wait3A_563] : memref<50x50xi32, #tpu.memory_space<vmem>> -> memref<1x50xi32, #tpu.memory_space<vmem>>
        %dma_wait3A_565 = tpu.memref_squeeze %dma_wait3A_564 : memref<1x50xi32, #tpu.memory_space<vmem>> -> memref<50xi32, #tpu.memory_space<vmem>>
        %dma_wait3A_566 = arith.constant 0 : i32
        %dma_wait3A_567 = arith.constant 0 : i32
        %dma_wait3A_568 = tpu.memref_slice %arg15[%dma_wait3A_566, %dma_wait3A_567] : memref<10000x128xf32, #tpu.memory_space<vmem_shared>> -> memref<10000x128xf32, #tpu.memory_space<vmem_shared>>
        tpu.wait_indirect_dma semaphore(%arg24 : memref<!tpu.dma_semaphore, #tpu.memory_space<semaphore_mem>>) src(%arg11 : memref<50x128xf32, #tpu.memory_space<vmem>>) dst(%dma_wait3A_568 : memref<10000x128xf32, #tpu.memory_space<vmem_shared>>)
        %add3A_569 = arith.constant 5 : i32
        %add3A_570 = arith.addi %mul3A_460, %add3A_569 : i32
        %add3A_571 = arith.constant 1 : i32
        %add3A_572 = arith.addi %add3A_570, %add3A_571 : i32
        %dma_start3A_573 = arith.constant 0 : i32
        %dma_start3A_574 = tpu.memref_slice %arg7[%add3A_572, %dma_start3A_573] : memref<50x50xi32, #tpu.memory_space<vmem>> -> memref<1x50xi32, #tpu.memory_space<vmem>>
        %dma_start3A_575 = tpu.memref_squeeze %dma_start3A_574 : memref<1x50xi32, #tpu.memory_space<vmem>> -> memref<50xi32, #tpu.memory_space<vmem>>
        %dma_start3A_576 = arith.constant 0 : i32
        %dma_start3A_577 = arith.constant 0 : i32
        %dma_start3A_578 = tpu.memref_slice %arg2[%dma_start3A_576, %dma_start3A_577] : memref<20000x128xf32, #tpu.memory_space<hbm>> -> memref<20000x128xf32, #tpu.memory_space<hbm>>
        tpu.enqueue_indirect_dma source(%dma_start3A_578 : memref<20000x128xf32, #tpu.memory_space<hbm>>) target(%arg11 : memref<50x128xf32, #tpu.memory_space<vmem>>) offsets(%dma_start3A_575 : memref<50xi32, #tpu.memory_space<vmem>>) semaphore(%arg19 : memref<!tpu.dma_semaphore, #tpu.memory_space<semaphore_mem>>)
        %add3A_579 = arith.constant 2 : i32
        %add3A_580 = arith.addi %mul3A_460, %add3A_579 : i32
        %dma_wait3A_581 = arith.constant 0 : i32
        %dma_wait3A_582 = tpu.memref_slice %arg9[%add3A_580, %dma_wait3A_581] : memref<50x50xi32, #tpu.memory_space<vmem>> -> memref<1x50xi32, #tpu.memory_space<vmem>>
        %dma_wait3A_583 = tpu.memref_squeeze %dma_wait3A_582 : memref<1x50xi32, #tpu.memory_space<vmem>> -> memref<50xi32, #tpu.memory_space<vmem>>
        %dma_wait3A_584 = arith.constant 0 : i32
        %dma_wait3A_585 = arith.constant 0 : i32
        %dma_wait3A_586 = tpu.memref_slice %arg15[%dma_wait3A_584, %dma_wait3A_585] : memref<10000x128xf32, #tpu.memory_space<vmem_shared>> -> memref<10000x128xf32, #tpu.memory_space<vmem_shared>>
        tpu.wait_indirect_dma semaphore(%arg25 : memref<!tpu.dma_semaphore, #tpu.memory_space<semaphore_mem>>) src(%arg12 : memref<50x128xf32, #tpu.memory_space<vmem>>) dst(%dma_wait3A_586 : memref<10000x128xf32, #tpu.memory_space<vmem_shared>>)
        %add3A_587 = arith.constant 5 : i32
        %add3A_588 = arith.addi %mul3A_460, %add3A_587 : i32
        %add3A_589 = arith.constant 2 : i32
        %add3A_590 = arith.addi %add3A_588, %add3A_589 : i32
        %dma_start3A_591 = arith.constant 0 : i32
        %dma_start3A_592 = tpu.memref_slice %arg7[%add3A_590, %dma_start3A_591] : memref<50x50xi32, #tpu.memory_space<vmem>> -> memref<1x50xi32, #tpu.memory_space<vmem>>
        %dma_start3A_593 = tpu.memref_squeeze %dma_start3A_592 : memref<1x50xi32, #tpu.memory_space<vmem>> -> memref<50xi32, #tpu.memory_space<vmem>>
        %dma_start3A_594 = arith.constant 0 : i32
        %dma_start3A_595 = arith.constant 0 : i32
        %dma_start3A_596 = tpu.memref_slice %arg2[%dma_start3A_594, %dma_start3A_595] : memref<20000x128xf32, #tpu.memory_space<hbm>> -> memref<20000x128xf32, #tpu.memory_space<hbm>>
        tpu.enqueue_indirect_dma source(%dma_start3A_596 : memref<20000x128xf32, #tpu.memory_space<hbm>>) target(%arg12 : memref<50x128xf32, #tpu.memory_space<vmem>>) offsets(%dma_start3A_593 : memref<50xi32, #tpu.memory_space<vmem>>) semaphore(%arg20 : memref<!tpu.dma_semaphore, #tpu.memory_space<semaphore_mem>>)
        %add3A_597 = arith.constant 3 : i32
        %add3A_598 = arith.addi %mul3A_460, %add3A_597 : i32
        %dma_wait3A_599 = arith.constant 0 : i32
        %dma_wait3A_600 = tpu.memref_slice %arg9[%add3A_598, %dma_wait3A_599] : memref<50x50xi32, #tpu.memory_space<vmem>> -> memref<1x50xi32, #tpu.memory_space<vmem>>
        %dma_wait3A_601 = tpu.memref_squeeze %dma_wait3A_600 : memref<1x50xi32, #tpu.memory_space<vmem>> -> memref<50xi32, #tpu.memory_space<vmem>>
        %dma_wait3A_602 = arith.constant 0 : i32
        %dma_wait3A_603 = arith.constant 0 : i32
        %dma_wait3A_604 = tpu.memref_slice %arg15[%dma_wait3A_602, %dma_wait3A_603] : memref<10000x128xf32, #tpu.memory_space<vmem_shared>> -> memref<10000x128xf32, #tpu.memory_space<vmem_shared>>
        tpu.wait_indirect_dma semaphore(%arg26 : memref<!tpu.dma_semaphore, #tpu.memory_space<semaphore_mem>>) src(%arg13 : memref<50x128xf32, #tpu.memory_space<vmem>>) dst(%dma_wait3A_604 : memref<10000x128xf32, #tpu.memory_space<vmem_shared>>)
        %add3A_605 = arith.constant 5 : i32
        %add3A_606 = arith.addi %mul3A_460, %add3A_605 : i32
        %add3A_607 = arith.constant 3 : i32
        %add3A_608 = arith.addi %add3A_606, %add3A_607 : i32
        %dma_start3A_609 = arith.constant 0 : i32
        %dma_start3A_610 = tpu.memref_slice %arg7[%add3A_608, %dma_start3A_609] : memref<50x50xi32, #tpu.memory_space<vmem>> -> memref<1x50xi32, #tpu.memory_space<vmem>>
        %dma_start3A_611 = tpu.memref_squeeze %dma_start3A_610 : memref<1x50xi32, #tpu.memory_space<vmem>> -> memref<50xi32, #tpu.memory_space<vmem>>
        %dma_start3A_612 = arith.constant 0 : i32
        %dma_start3A_613 = arith.constant 0 : i32
        %dma_start3A_614 = tpu.memref_slice %arg2[%dma_start3A_612, %dma_start3A_613] : memref<20000x128xf32, #tpu.memory_space<hbm>> -> memref<20000x128xf32, #tpu.memory_space<hbm>>
        tpu.enqueue_indirect_dma source(%dma_start3A_614 : memref<20000x128xf32, #tpu.memory_space<hbm>>) target(%arg13 : memref<50x128xf32, #tpu.memory_space<vmem>>) offsets(%dma_start3A_611 : memref<50xi32, #tpu.memory_space<vmem>>) semaphore(%arg21 : memref<!tpu.dma_semaphore, #tpu.memory_space<semaphore_mem>>)
        %add3A_615 = arith.constant 4 : i32
        %add3A_616 = arith.addi %mul3A_460, %add3A_615 : i32
        %dma_wait3A_617 = arith.constant 0 : i32
        %dma_wait3A_618 = tpu.memref_slice %arg9[%add3A_616, %dma_wait3A_617] : memref<50x50xi32, #tpu.memory_space<vmem>> -> memref<1x50xi32, #tpu.memory_space<vmem>>
        %dma_wait3A_619 = tpu.memref_squeeze %dma_wait3A_618 : memref<1x50xi32, #tpu.memory_space<vmem>> -> memref<50xi32, #tpu.memory_space<vmem>>
        %dma_wait3A_620 = arith.constant 0 : i32
        %dma_wait3A_621 = arith.constant 0 : i32
        %dma_wait3A_622 = tpu.memref_slice %arg15[%dma_wait3A_620, %dma_wait3A_621] : memref<10000x128xf32, #tpu.memory_space<vmem_shared>> -> memref<10000x128xf32, #tpu.memory_space<vmem_shared>>
        tpu.wait_indirect_dma semaphore(%arg27 : memref<!tpu.dma_semaphore, #tpu.memory_space<semaphore_mem>>) src(%arg14 : memref<50x128xf32, #tpu.memory_space<vmem>>) dst(%dma_wait3A_622 : memref<10000x128xf32, #tpu.memory_space<vmem_shared>>)
        %add3A_623 = arith.constant 5 : i32
        %add3A_624 = arith.addi %mul3A_460, %add3A_623 : i32
        %add3A_625 = arith.constant 4 : i32
        %add3A_626 = arith.addi %add3A_624, %add3A_625 : i32
        %dma_start3A_627 = arith.constant 0 : i32
        %dma_start3A_628 = tpu.memref_slice %arg7[%add3A_626, %dma_start3A_627] : memref<50x50xi32, #tpu.memory_space<vmem>> -> memref<1x50xi32, #tpu.memory_space<vmem>>
        %dma_start3A_629 = tpu.memref_squeeze %dma_start3A_628 : memref<1x50xi32, #tpu.memory_space<vmem>> -> memref<50xi32, #tpu.memory_space<vmem>>
        %dma_start3A_630 = arith.constant 0 : i32
        %dma_start3A_631 = arith.constant 0 : i32
        %dma_start3A_632 = tpu.memref_slice %arg2[%dma_start3A_630, %dma_start3A_631] : memref<20000x128xf32, #tpu.memory_space<hbm>> -> memref<20000x128xf32, #tpu.memory_space<hbm>>
        tpu.enqueue_indirect_dma source(%dma_start3A_632 : memref<20000x128xf32, #tpu.memory_space<hbm>>) target(%arg14 : memref<50x128xf32, #tpu.memory_space<vmem>>) offsets(%dma_start3A_629 : memref<50xi32, #tpu.memory_space<vmem>>) semaphore(%arg22 : memref<!tpu.dma_semaphore, #tpu.memory_space<semaphore_mem>>)
      } else {
      }
    }
    %scan3A_414 = arith.constant 10 : i32
    %dma_wait3A_415 = arith.constant 45 : i32
    %dma_wait3A_416 = arith.constant 0 : i32
    %dma_wait3A_417 = tpu.memref_slice %arg9[%dma_wait3A_415, %dma_wait3A_416] : memref<50x50xi32, #tpu.memory_space<vmem>> -> memref<1x50xi32, #tpu.memory_space<vmem>>
    %dma_wait3A_418 = tpu.memref_squeeze %dma_wait3A_417 : memref<1x50xi32, #tpu.memory_space<vmem>> -> memref<50xi32, #tpu.memory_space<vmem>>
    %dma_wait3A_419 = arith.constant 0 : i32
    %dma_wait3A_420 = arith.constant 0 : i32
    %dma_wait3A_421 = tpu.memref_slice %arg15[%dma_wait3A_419, %dma_wait3A_420] : memref<10000x128xf32, #tpu.memory_space<vmem_shared>> -> memref<10000x128xf32, #tpu.memory_space<vmem_shared>>
    tpu.wait_indirect_dma semaphore(%arg23 : memref<!tpu.dma_semaphore, #tpu.memory_space<semaphore_mem>>) src(%arg10 : memref<50x128xf32, #tpu.memory_space<vmem>>) dst(%dma_wait3A_421 : memref<10000x128xf32, #tpu.memory_space<vmem_shared>>)
    %dma_wait3A_422 = arith.constant 46 : i32
    %dma_wait3A_423 = arith.constant 0 : i32
    %dma_wait3A_424 = tpu.memref_slice %arg9[%dma_wait3A_422, %dma_wait3A_423] : memref<50x50xi32, #tpu.memory_space<vmem>> -> memref<1x50xi32, #tpu.memory_space<vmem>>
    %dma_wait3A_425 = tpu.memref_squeeze %dma_wait3A_424 : memref<1x50xi32, #tpu.memory_space<vmem>> -> memref<50xi32, #tpu.memory_space<vmem>>
    %dma_wait3A_426 = arith.constant 0 : i32
    %dma_wait3A_427 = arith.constant 0 : i32
    %dma_wait3A_428 = tpu.memref_slice %arg15[%dma_wait3A_426, %dma_wait3A_427] : memref<10000x128xf32, #tpu.memory_space<vmem_shared>> -> memref<10000x128xf32, #tpu.memory_space<vmem_shared>>
    tpu.wait_indirect_dma semaphore(%arg24 : memref<!tpu.dma_semaphore, #tpu.memory_space<semaphore_mem>>) src(%arg11 : memref<50x128xf32, #tpu.memory_space<vmem>>) dst(%dma_wait3A_428 : memref<10000x128xf32, #tpu.memory_space<vmem_shared>>)
    %dma_wait3A_429 = arith.constant 47 : i32
    %dma_wait3A_430 = arith.constant 0 : i32
    %dma_wait3A_431 = tpu.memref_slice %arg9[%dma_wait3A_429, %dma_wait3A_430] : memref<50x50xi32, #tpu.memory_space<vmem>> -> memref<1x50xi32, #tpu.memory_space<vmem>>
    %dma_wait3A_432 = tpu.memref_squeeze %dma_wait3A_431 : memref<1x50xi32, #tpu.memory_space<vmem>> -> memref<50xi32, #tpu.memory_space<vmem>>
    %dma_wait3A_433 = arith.constant 0 : i32
    %dma_wait3A_434 = arith.constant 0 : i32
    %dma_wait3A_435 = tpu.memref_slice %arg15[%dma_wait3A_433, %dma_wait3A_434] : memref<10000x128xf32, #tpu.memory_space<vmem_shared>> -> memref<10000x128xf32, #tpu.memory_space<vmem_shared>>
    tpu.wait_indirect_dma semaphore(%arg25 : memref<!tpu.dma_semaphore, #tpu.memory_space<semaphore_mem>>) src(%arg12 : memref<50x128xf32, #tpu.memory_space<vmem>>) dst(%dma_wait3A_435 : memref<10000x128xf32, #tpu.memory_space<vmem_shared>>)
    %dma_wait3A_436 = arith.constant 48 : i32
    %dma_wait3A_437 = arith.constant 0 : i32
    %dma_wait3A_438 = tpu.memref_slice %arg9[%dma_wait3A_436, %dma_wait3A_437] : memref<50x50xi32, #tpu.memory_space<vmem>> -> memref<1x50xi32, #tpu.memory_space<vmem>>
    %dma_wait3A_439 = tpu.memref_squeeze %dma_wait3A_438 : memref<1x50xi32, #tpu.memory_space<vmem>> -> memref<50xi32, #tpu.memory_space<vmem>>
    %dma_wait3A_440 = arith.constant 0 : i32
    %dma_wait3A_441 = arith.constant 0 : i32
    %dma_wait3A_442 = tpu.memref_slice %arg15[%dma_wait3A_440, %dma_wait3A_441] : memref<10000x128xf32, #tpu.memory_space<vmem_shared>> -> memref<10000x128xf32, #tpu.memory_space<vmem_shared>>
    tpu.wait_indirect_dma semaphore(%arg26 : memref<!tpu.dma_semaphore, #tpu.memory_space<semaphore_mem>>) src(%arg13 : memref<50x128xf32, #tpu.memory_space<vmem>>) dst(%dma_wait3A_442 : memref<10000x128xf32, #tpu.memory_space<vmem_shared>>)
    %dma_wait3A_443 = arith.constant 49 : i32
    %dma_wait3A_444 = arith.constant 0 : i32
    %dma_wait3A_445 = tpu.memref_slice %arg9[%dma_wait3A_443, %dma_wait3A_444] : memref<50x50xi32, #tpu.memory_space<vmem>> -> memref<1x50xi32, #tpu.memory_space<vmem>>
    %dma_wait3A_446 = tpu.memref_squeeze %dma_wait3A_445 : memref<1x50xi32, #tpu.memory_space<vmem>> -> memref<50xi32, #tpu.memory_space<vmem>>
    %dma_wait3A_447 = arith.constant 0 : i32
    %dma_wait3A_448 = arith.constant 0 : i32
    %dma_wait3A_449 = tpu.memref_slice %arg15[%dma_wait3A_447, %dma_wait3A_448] : memref<10000x128xf32, #tpu.memory_space<vmem_shared>> -> memref<10000x128xf32, #tpu.memory_space<vmem_shared>>
    tpu.wait_indirect_dma semaphore(%arg27 : memref<!tpu.dma_semaphore, #tpu.memory_space<semaphore_mem>>) src(%arg14 : memref<50x128xf32, #tpu.memory_space<vmem>>) dst(%dma_wait3A_449 : memref<10000x128xf32, #tpu.memory_space<vmem_shared>>)
    %barrier3A_450 = arith.constant 0 : index
    tpu.barrier barrier_id(%barrier3A_450)
    %mul3A_451 = arith.constant 625 : i32
    %mul3A_452 = arith.muli %arg1, %mul3A_451 : i32
    %mul3A_453 = arith.constant 10000 : i32
    %mul3A_454 = arith.muli %arg0, %mul3A_453 : i32
    %mul3A_455 = arith.constant 625 : i32
    %mul3A_456 = arith.muli %arg1, %mul3A_455 : i32
    %add3A_457 = arith.addi %mul3A_454, %mul3A_456 : i32
    "tpu.region"() ({
      %run_scoped3A = tpu.sem_alloc : memref<!tpu.dma_semaphore, #tpu.memory_space<semaphore_mem>>
      %dma_start3A_458 = arith.constant 0 : i32
      %dma_start3A_459 = tpu.memref_slice %arg5[%add3A_457, %dma_start3A_458] : memref<20000x128xf32, #tpu.memory_space<hbm>> -> memref<625x128xf32, #tpu.memory_space<hbm>>
      %dma_start3A_460 = arith.constant 0 : i32
      %dma_start3A_461 = tpu.memref_slice %arg15[%mul3A_452, %dma_start3A_460] : memref<10000x128xf32, #tpu.memory_space<vmem_shared>> -> memref<625x128xf32, #tpu.memory_space<vmem_shared>>
      tpu.enqueue_dma source(%dma_start3A_461 : memref<625x128xf32, #tpu.memory_space<vmem_shared>>) target(%dma_start3A_459 : memref<625x128xf32, #tpu.memory_space<hbm>>) target_semaphore(%run_scoped3A : memref<!tpu.dma_semaphore, #tpu.memory_space<semaphore_mem>>)
      %dma_wait3A_462 = arith.constant 0 : i32
      %dma_wait3A_463 = tpu.memref_slice %arg5[%add3A_457, %dma_wait3A_462] : memref<20000x128xf32, #tpu.memory_space<hbm>> -> memref<625x128xf32, #tpu.memory_space<hbm>>
      %dma_wait3A_464 = arith.constant 0 : i32
      %dma_wait3A_465 = tpu.memref_slice %arg15[%mul3A_452, %dma_wait3A_464] : memref<10000x128xf32, #tpu.memory_space<vmem_shared>> -> memref<625x128xf32, #tpu.memory_space<vmem_shared>>
      tpu.wait_dma2 semaphore(%run_scoped3A : memref<!tpu.dma_semaphore, #tpu.memory_space<semaphore_mem>>) src(%dma_wait3A_465 : memref<625x128xf32, #tpu.memory_space<vmem_shared>>) dst(%dma_wait3A_463 : memref<625x128xf32, #tpu.memory_space<hbm>>)
      tpu.yield
    }) : () -> ()
    return
  }
}

module attributes {stable_mosaic.version = 14 : i64} {
  func.func @_mm1_body(%arg0: i32, %arg1: memref<1000x256xf32, #tpu.memory_space<vmem>>, %arg2: memref<256x256xf32, #tpu.memory_space<vmem>>, %arg3: memref<1000x32xf32, #tpu.memory_space<vmem>>, %arg4: memref<2x1000x128xf32, #tpu.memory_space<vmem>>) attributes {dimension_semantics = [#tpu.dimension_semantics<arbitrary>], iteration_bounds = array<i64: 10>, scalar_prefetch = 0 : i64, scratch_operands = 0 : i64, tpu.core_type = #tpu.core_type<tc>, window_params = [{transform_indices = @transform_0, window_bounds = array<i64: 1000, 256>}, {pipeline_mode = #tpu.pipeline_mode<synchronous>, transform_indices = @transform_1, window_bounds = array<i64: 256, 256>}, {transform_indices = @transform_2, window_bounds = array<i64: 1000, 32>}, {transform_indices = @transform_3, window_bounds = array<i64: 2, 1000, 128>}]} {
    %get3A = arith.constant 0 : index
    %get3A_0 = arith.constant 0 : index
    %get3A_1 = vector.load %arg3[%get3A, %get3A_0] : memref<1000x32xf32, #tpu.memory_space<vmem>>, vector<1000x32xf32>
    %reduce_sum3A = arith.constant dense<0.000000e+00> : vector<1000xf32>
    %reduce_sum3A_2 = vector.multi_reduction <add>, %get3A_1, %reduce_sum3A [1] : vector<1000x32xf32> to vector<1000xf32>
    %broadcast_in_dim3A = vector.shape_cast %reduce_sum3A_2 : vector<1000xf32> to vector<1000x1xf32>
    %add3A = arith.constant 1.000000e+00 : f32
    %add3A_3 = vector.broadcast %add3A : f32 to vector<1000x1xf32>
    %add3A_4 = arith.addf %broadcast_in_dim3A, %add3A_3 : vector<1000x1xf32>
    %rsqrt3A = math.rsqrt %add3A_4 : vector<1000x1xf32>
    %get3A_5 = arith.constant 0 : index
    %get3A_6 = arith.constant 0 : index
    %get3A_7 = vector.load %arg1[%get3A_5, %get3A_6] : memref<1000x256xf32, #tpu.memory_space<vmem>>, vector<1000x256xf32>
    %get3A_8 = arith.constant 0 : index
    %get3A_9 = arith.constant 0 : index
    %get3A_10 = vector.load %arg2[%get3A_8, %get3A_9] : memref<256x256xf32, #tpu.memory_space<vmem>>, vector<256x256xf32>
    %slice3A = vector.extract_strided_slice %get3A_10 {offsets = [0, 0], sizes = [256, 128], strides = [1, 1]} : vector<256x256xf32> to vector<256x128xf32>
    %dot_general3A = arith.constant dense<0.000000e+00> : vector<1000x128xf32>
    %dot_general3A_11 = tpu.matmul %get3A_7, %slice3A, %dot_general3A {dimension_numbers = #tpu.dot_dimension_numbers<[1], [0], [0], [1], [0, 0, 1, 1], [], []>, transpose_lhs_hint = false} : vector<1000x256xf32>, vector<256x128xf32>, vector<1000x128xf32> -> vector<1000x128xf32>
    %mul3A = vector.broadcast %rsqrt3A : vector<1000x1xf32> to vector<1000x128xf32>
    %mul3A_12 = arith.mulf %dot_general3A_11, %mul3A : vector<1000x128xf32>
    %swap3A = arith.constant 0 : index
    %swap3A_13 = arith.constant 0 : index
    %swap3A_14 = arith.constant 0 : index
    %swap3A_15 = vector.load %arg4[%swap3A, %swap3A_13, %swap3A_14] : memref<2x1000x128xf32, #tpu.memory_space<vmem>>, vector<1x1000x128xf32>
    %swap3A_16 = vector.shape_cast %swap3A_15 : vector<1x1000x128xf32> to vector<1000x128xf32>
    %swap3A_17 = vector.shape_cast %mul3A_12 : vector<1000x128xf32> to vector<1x1000x128xf32>
    tpu.vector_store %arg4[%swap3A, %swap3A_13, %swap3A_14], %swap3A_17 {strides = array<i32>} : memref<2x1000x128xf32, #tpu.memory_space<vmem>>, vector<1x1000x128xf32>,
    %slice3A_18 = vector.extract_strided_slice %get3A_10 {offsets = [0, 128], sizes = [256, 128], strides = [1, 1]} : vector<256x256xf32> to vector<256x128xf32>
    %dot_general3A_19 = arith.constant dense<0.000000e+00> : vector<1000x128xf32>
    %dot_general3A_20 = tpu.matmul %get3A_7, %slice3A_18, %dot_general3A_19 {dimension_numbers = #tpu.dot_dimension_numbers<[1], [0], [0], [1], [0, 0, 1, 1], [], []>, transpose_lhs_hint = false} : vector<1000x256xf32>, vector<256x128xf32>, vector<1000x128xf32> -> vector<1000x128xf32>
    %mul3A_21 = vector.broadcast %rsqrt3A : vector<1000x1xf32> to vector<1000x128xf32>
    %mul3A_22 = arith.mulf %dot_general3A_20, %mul3A_21 : vector<1000x128xf32>
    %swap3A_23 = arith.constant 1 : index
    %swap3A_24 = arith.constant 0 : index
    %swap3A_25 = arith.constant 0 : index
    %swap3A_26 = vector.load %arg4[%swap3A_23, %swap3A_24, %swap3A_25] : memref<2x1000x128xf32, #tpu.memory_space<vmem>>, vector<1x1000x128xf32>
    %swap3A_27 = vector.shape_cast %swap3A_26 : vector<1x1000x128xf32> to vector<1000x128xf32>
    %swap3A_28 = vector.shape_cast %mul3A_22 : vector<1000x128xf32> to vector<1x1000x128xf32>
    tpu.vector_store %arg4[%swap3A_23, %swap3A_24, %swap3A_25], %swap3A_28 {strides = array<i32>} : memref<2x1000x128xf32, #tpu.memory_space<vmem>>, vector<1x1000x128xf32>,
    return
  }
  func.func @transform_0(%arg0: i32) -> (i32, i32) {
    %c0_i32 = arith.constant 0 : i32
    %c0_i32_0 = arith.constant 0 : i32
    return %arg0, %c0_i32 : i32, i32
  }
  func.func @transform_1(%arg0: i32) -> (i32, i32) {
    %c0_i32 = arith.constant 0 : i32
    %c0_i32_0 = arith.constant 0 : i32
    %c0_i32_1 = arith.constant 0 : i32
    return %c0_i32, %c0_i32_0 : i32, i32
  }
  func.func @transform_2(%arg0: i32) -> (i32, i32) {
    %c0_i32 = arith.constant 0 : i32
    %c0_i32_0 = arith.constant 0 : i32
    return %arg0, %c0_i32 : i32, i32
  }
  func.func @transform_3(%arg0: i32) -> (i32, i32, i32) {
    %c0_i32 = arith.constant 0 : i32
    %c0_i32_0 = arith.constant 0 : i32
    %c0_i32_1 = arith.constant 0 : i32
    return %c0_i32, %arg0, %c0_i32_0 : i32, i32, i32
  }
}

module attributes {stable_mosaic.version = 14 : i64} {
  func.func @_mm2_body(%arg0: i32, %arg1: memref<2x1000x128xf32, #tpu.memory_space<vmem>>, %arg2: memref<1000x32xf32, #tpu.memory_space<vmem>>, %arg3: memref<2x1x128xf32, #tpu.memory_space<vmem>>, %arg4: memref<2x128x16xf32, #tpu.memory_space<vmem>>, %arg5: memref<1000x16xf32, #tpu.memory_space<vmem>>) attributes {dimension_semantics = [#tpu.dimension_semantics<arbitrary>], iteration_bounds = array<i64: 10>, scalar_prefetch = 0 : i64, scratch_operands = 0 : i64, tpu.core_type = #tpu.core_type<tc>, window_params = [{transform_indices = @transform_0, window_bounds = array<i64: 2, 1000, 128>}, {transform_indices = @transform_1, window_bounds = array<i64: 1000, 32>}, {pipeline_mode = #tpu.pipeline_mode<synchronous>, transform_indices = @transform_2, window_bounds = array<i64: 2, 1, 128>}, {pipeline_mode = #tpu.pipeline_mode<synchronous>, transform_indices = @transform_3, window_bounds = array<i64: 2, 128, 16>}, {transform_indices = @transform_4, window_bounds = array<i64: 1000, 16>}]} {
    %get3A = arith.constant 0 : index
    %get3A_0 = arith.constant 0 : index
    %get3A_1 = vector.load %arg2[%get3A, %get3A_0] : memref<1000x32xf32, #tpu.memory_space<vmem>>, vector<1000x32xf32>
    %reduce_sum3A = arith.constant dense<0.000000e+00> : vector<1000xf32>
    %reduce_sum3A_2 = vector.multi_reduction <add>, %get3A_1, %reduce_sum3A [1] : vector<1000x32xf32> to vector<1000xf32>
    %broadcast_in_dim3A = vector.shape_cast %reduce_sum3A_2 : vector<1000xf32> to vector<1000x1xf32>
    %add3A = arith.constant 1.000000e+00 : f32
    %add3A_3 = vector.broadcast %add3A : f32 to vector<1000x1xf32>
    %add3A_4 = arith.addf %broadcast_in_dim3A, %add3A_3 : vector<1000x1xf32>
    %rsqrt3A = math.rsqrt %add3A_4 : vector<1000x1xf32>
    %get3A_5 = arith.constant 0 : index
    %get3A_6 = arith.constant 0 : index
    %get3A_7 = arith.constant 0 : index
    %get3A_8 = vector.load %arg1[%get3A_5, %get3A_6, %get3A_7] : memref<2x1000x128xf32, #tpu.memory_space<vmem>>, vector<2x1000x128xf32>
    %get3A_9 = arith.constant 0 : index
    %get3A_10 = arith.constant 0 : index
    %get3A_11 = arith.constant 0 : index
    %get3A_12 = vector.load %arg3[%get3A_9, %get3A_10, %get3A_11] : memref<2x1x128xf32, #tpu.memory_space<vmem>>, vector<2x1x128xf32>
    %get3A_13 = arith.constant 0 : index
    %get3A_14 = arith.constant 0 : index
    %get3A_15 = arith.constant 0 : index
    %get3A_16 = vector.load %arg4[%get3A_13, %get3A_14, %get3A_15] : memref<2x128x16xf32, #tpu.memory_space<vmem>>, vector<2x128x16xf32>
    %slice3A = vector.extract_strided_slice %get3A_8 {offsets = [0, 0, 0], sizes = [1, 1000, 128], strides = [1, 1, 1]} : vector<2x1000x128xf32> to vector<1x1000x128xf32>
    %squeeze3A = vector.shape_cast %slice3A : vector<1x1000x128xf32> to vector<1000x128xf32>
    %mul3A = vector.broadcast %rsqrt3A : vector<1000x1xf32> to vector<1000x128xf32>
    %mul3A_17 = arith.mulf %squeeze3A, %mul3A : vector<1000x128xf32>
    %slice3A_18 = vector.extract_strided_slice %get3A_12 {offsets = [0, 0, 0], sizes = [1, 1, 128], strides = [1, 1, 1]} : vector<2x1x128xf32> to vector<1x1x128xf32>
    %squeeze3A_19 = vector.shape_cast %slice3A_18 : vector<1x1x128xf32> to vector<1x128xf32>
    %add3A_20 = vector.broadcast %squeeze3A_19 : vector<1x128xf32> to vector<1000x128xf32>
    %add3A_21 = arith.addf %mul3A_17, %add3A_20 : vector<1000x128xf32>
    %max3A = arith.constant 0.000000e+00 : f32
    %max3A_22 = vector.broadcast %max3A : f32 to vector<1000x128xf32>
    %max3A_23 = arith.maximumf %add3A_21, %max3A_22 : vector<1000x128xf32>
    %slice3A_24 = vector.extract_strided_slice %get3A_8 {offsets = [1, 0, 0], sizes = [1, 1000, 128], strides = [1, 1, 1]} : vector<2x1000x128xf32> to vector<1x1000x128xf32>
    %squeeze3A_25 = vector.shape_cast %slice3A_24 : vector<1x1000x128xf32> to vector<1000x128xf32>
    %mul3A_26 = vector.broadcast %rsqrt3A : vector<1000x1xf32> to vector<1000x128xf32>
    %mul3A_27 = arith.mulf %squeeze3A_25, %mul3A_26 : vector<1000x128xf32>
    %slice3A_28 = vector.extract_strided_slice %get3A_12 {offsets = [1, 0, 0], sizes = [1, 1, 128], strides = [1, 1, 1]} : vector<2x1x128xf32> to vector<1x1x128xf32>
    %squeeze3A_29 = vector.shape_cast %slice3A_28 : vector<1x1x128xf32> to vector<1x128xf32>
    %add3A_30 = vector.broadcast %squeeze3A_29 : vector<1x128xf32> to vector<1000x128xf32>
    %add3A_31 = arith.addf %mul3A_27, %add3A_30 : vector<1000x128xf32>
    %max3A_32 = arith.constant 0.000000e+00 : f32
    %max3A_33 = vector.broadcast %max3A_32 : f32 to vector<1000x128xf32>
    %max3A_34 = arith.maximumf %add3A_31, %max3A_33 : vector<1000x128xf32>
    %slice3A_35 = vector.extract_strided_slice %get3A_16 {offsets = [0, 0, 0], sizes = [1, 128, 16], strides = [1, 1, 1]} : vector<2x128x16xf32> to vector<1x128x16xf32>
    %squeeze3A_36 = vector.shape_cast %slice3A_35 : vector<1x128x16xf32> to vector<128x16xf32>
    %dot_general3A = arith.constant dense<0.000000e+00> : vector<1000x16xf32>
    %dot_general3A_37 = tpu.matmul %max3A_23, %squeeze3A_36, %dot_general3A {dimension_numbers = #tpu.dot_dimension_numbers<[1], [0], [0], [1], [0, 0, 1, 1], [], []>, transpose_lhs_hint = false} : vector<1000x128xf32>, vector<128x16xf32>, vector<1000x16xf32> -> vector<1000x16xf32>
    %slice3A_38 = vector.extract_strided_slice %get3A_16 {offsets = [1, 0, 0], sizes = [1, 128, 16], strides = [1, 1, 1]} : vector<2x128x16xf32> to vector<1x128x16xf32>
    %squeeze3A_39 = vector.shape_cast %slice3A_38 : vector<1x128x16xf32> to vector<128x16xf32>
    %dot_general3A_40 = arith.constant dense<0.000000e+00> : vector<1000x16xf32>
    %dot_general3A_41 = tpu.matmul %max3A_34, %squeeze3A_39, %dot_general3A_40 {dimension_numbers = #tpu.dot_dimension_numbers<[1], [0], [0], [1], [0, 0, 1, 1], [], []>, transpose_lhs_hint = false} : vector<1000x128xf32>, vector<128x16xf32>, vector<1000x16xf32> -> vector<1000x16xf32>
    %add3A_42 = arith.addf %dot_general3A_37, %dot_general3A_41 : vector<1000x16xf32>
    %mul3A_43 = vector.broadcast %rsqrt3A : vector<1000x1xf32> to vector<1000x16xf32>
    %mul3A_44 = arith.mulf %add3A_42, %mul3A_43 : vector<1000x16xf32>
    %swap3A = arith.constant 0 : index
    %swap3A_45 = arith.constant 0 : index
    %swap3A_46 = vector.load %arg5[%swap3A, %swap3A_45] : memref<1000x16xf32, #tpu.memory_space<vmem>>, vector<1000x16xf32>
    tpu.vector_store %arg5[%swap3A, %swap3A_45], %mul3A_44 {strides = array<i32>} : memref<1000x16xf32, #tpu.memory_space<vmem>>, vector<1000x16xf32>,
    return
  }
  func.func @transform_0(%arg0: i32) -> (i32, i32, i32) {
    %c0_i32 = arith.constant 0 : i32
    %c0_i32_0 = arith.constant 0 : i32
    %c0_i32_1 = arith.constant 0 : i32
    return %c0_i32, %arg0, %c0_i32_0 : i32, i32, i32
  }
  func.func @transform_1(%arg0: i32) -> (i32, i32) {
    %c0_i32 = arith.constant 0 : i32
    %c0_i32_0 = arith.constant 0 : i32
    return %arg0, %c0_i32 : i32, i32
  }
  func.func @transform_2(%arg0: i32) -> (i32, i32, i32) {
    %c0_i32 = arith.constant 0 : i32
    %c0_i32_0 = arith.constant 0 : i32
    %c0_i32_1 = arith.constant 0 : i32
    %c0_i32_2 = arith.constant 0 : i32
    return %c0_i32, %c0_i32_0, %c0_i32_1 : i32, i32, i32
  }
  func.func @transform_3(%arg0: i32) -> (i32, i32, i32) {
    %c0_i32 = arith.constant 0 : i32
    %c0_i32_0 = arith.constant 0 : i32
    %c0_i32_1 = arith.constant 0 : i32
    %c0_i32_2 = arith.constant 0 : i32
    return %c0_i32, %c0_i32_0, %c0_i32_1 : i32, i32, i32
  }
  func.func @transform_4(%arg0: i32) -> (i32, i32) {
    %c0_i32 = arith.constant 0 : i32
    %c0_i32_0 = arith.constant 0 : i32
    return %arg0, %c0_i32 : i32, i32
  }
}

module attributes {stable_mosaic.version = 14 : i64} {
  func.func @_lsm_body(%arg0: i32, %arg1: memref<2x1000x16xf32, #tpu.memory_space<vmem>>, %arg2: memref<1000x16xf32, #tpu.memory_space<vmem>>, %arg3: memref<1000x32xf32, #tpu.memory_space<vmem>>, %arg4: memref<1x16xf32, #tpu.memory_space<vmem>>, %arg5: memref<1000x7xf32, #tpu.memory_space<vmem>>) attributes {dimension_semantics = [#tpu.dimension_semantics<arbitrary>], iteration_bounds = array<i64: 10>, scalar_prefetch = 0 : i64, scratch_operands = 0 : i64, tpu.core_type = #tpu.core_type<tc>, window_params = [{transform_indices = @transform_0, window_bounds = array<i64: 2, 1000, 16>}, {transform_indices = @transform_1, window_bounds = array<i64: 1000, 16>}, {transform_indices = @transform_2, window_bounds = array<i64: 1000, 32>}, {pipeline_mode = #tpu.pipeline_mode<synchronous>, transform_indices = @transform_3, window_bounds = array<i64: 1, 16>}, {transform_indices = @transform_4, window_bounds = array<i64: 1000, 7>}]} {
    %get3A = arith.constant 0 : index
    %get3A_0 = arith.constant 0 : index
    %get3A_1 = vector.load %arg3[%get3A, %get3A_0] : memref<1000x32xf32, #tpu.memory_space<vmem>>, vector<1000x32xf32>
    %reduce_sum3A = arith.constant dense<0.000000e+00> : vector<1000xf32>
    %reduce_sum3A_2 = vector.multi_reduction <add>, %get3A_1, %reduce_sum3A [1] : vector<1000x32xf32> to vector<1000xf32>
    %broadcast_in_dim3A = vector.shape_cast %reduce_sum3A_2 : vector<1000xf32> to vector<1000x1xf32>
    %add3A = arith.constant 1.000000e+00 : f32
    %add3A_3 = vector.broadcast %add3A : f32 to vector<1000x1xf32>
    %add3A_4 = arith.addf %broadcast_in_dim3A, %add3A_3 : vector<1000x1xf32>
    %rsqrt3A = math.rsqrt %add3A_4 : vector<1000x1xf32>
    %get3A_5 = arith.constant 0 : index
    %get3A_6 = arith.constant 0 : index
    %get3A_7 = arith.constant 0 : index
    %get3A_8 = vector.load %arg1[%get3A_5, %get3A_6, %get3A_7] : memref<2x1000x16xf32, #tpu.memory_space<vmem>>, vector<2x1000x16xf32>
    %slice3A = vector.extract_strided_slice %get3A_8 {offsets = [0, 0, 0], sizes = [1, 1000, 16], strides = [1, 1, 1]} : vector<2x1000x16xf32> to vector<1x1000x16xf32>
    %squeeze3A = vector.shape_cast %slice3A : vector<1x1000x16xf32> to vector<1000x16xf32>
    %slice3A_9 = vector.extract_strided_slice %get3A_8 {offsets = [1, 0, 0], sizes = [1, 1000, 16], strides = [1, 1, 1]} : vector<2x1000x16xf32> to vector<1x1000x16xf32>
    %squeeze3A_10 = vector.shape_cast %slice3A_9 : vector<1x1000x16xf32> to vector<1000x16xf32>
    %add3A_11 = arith.addf %squeeze3A, %squeeze3A_10 : vector<1000x16xf32>
    %get3A_12 = arith.constant 0 : index
    %get3A_13 = arith.constant 0 : index
    %get3A_14 = vector.load %arg2[%get3A_12, %get3A_13] : memref<1000x16xf32, #tpu.memory_space<vmem>>, vector<1000x16xf32>
    %add3A_15 = arith.addf %add3A_11, %get3A_14 : vector<1000x16xf32>
    %mul3A = vector.broadcast %rsqrt3A : vector<1000x1xf32> to vector<1000x16xf32>
    %mul3A_16 = arith.mulf %add3A_15, %mul3A : vector<1000x16xf32>
    %get3A_17 = arith.constant 0 : index
    %get3A_18 = arith.constant 0 : index
    %get3A_19 = vector.load %arg4[%get3A_17, %get3A_18] : memref<1x16xf32, #tpu.memory_space<vmem>>, vector<1x16xf32>
    %add3A_20 = vector.broadcast %get3A_19 : vector<1x16xf32> to vector<1000x16xf32>
    %add3A_21 = arith.addf %mul3A_16, %add3A_20 : vector<1000x16xf32>
    %iota3A = tpu.iota {dimensions = array<i32: 1>} : vector<1000x16xi32>
    %lt3A = arith.constant 7 : i32
    %lt3A_22 = vector.broadcast %lt3A : i32 to vector<1000x16xi32>
    %lt3A_23 = arith.cmpi slt, %iota3A, %lt3A_22 : vector<1000x16xi32>
    %jit3A = arith.constant -1.000000e+30 : f32
    %broadcast_in_dim3A_24 = vector.broadcast %jit3A : f32 to vector<1000x16xf32>
    %select_n3A = arith.select %lt3A_23, %add3A_21, %broadcast_in_dim3A_24 : vector<1000x16xi1>, vector<1000x16xf32>
    %reduce_max3A = arith.constant dense<0xFF800000> : vector<1000xf32>
    %reduce_max3A_25 = vector.multi_reduction <maximumf>, %select_n3A, %reduce_max3A [1] : vector<1000x16xf32> to vector<1000xf32>
    %broadcast_in_dim3A_26 = vector.shape_cast %reduce_max3A_25 : vector<1000xf32> to vector<1000x1xf32>
    %sub3A = vector.broadcast %broadcast_in_dim3A_26 : vector<1000x1xf32> to vector<1000x16xf32>
    %sub3A_27 = arith.subf %add3A_21, %sub3A : vector<1000x16xf32>
    %exp3A = math.exp %sub3A_27 : vector<1000x16xf32>
    %jit3A_28 = arith.constant 0.000000e+00 : f32
    %broadcast_in_dim3A_29 = vector.broadcast %jit3A_28 : f32 to vector<1000x16xf32>
    %select_n3A_30 = arith.select %lt3A_23, %exp3A, %broadcast_in_dim3A_29 : vector<1000x16xi1>, vector<1000x16xf32>
    %reduce_sum3A_31 = arith.constant dense<0.000000e+00> : vector<1000xf32>
    %reduce_sum3A_32 = vector.multi_reduction <add>, %select_n3A_30, %reduce_sum3A_31 [1] : vector<1000x16xf32> to vector<1000xf32>
    %broadcast_in_dim3A_33 = vector.shape_cast %reduce_sum3A_32 : vector<1000xf32> to vector<1000x1xf32>
    %log3A = math.log %broadcast_in_dim3A_33 : vector<1000x1xf32>
    %sub3A_34 = vector.broadcast %log3A : vector<1000x1xf32> to vector<1000x16xf32>
    %sub3A_35 = arith.subf %sub3A_27, %sub3A_34 : vector<1000x16xf32>
    %slice3A_36 = vector.extract_strided_slice %sub3A_35 {offsets = [0, 0], sizes = [1000, 7], strides = [1, 1]} : vector<1000x16xf32> to vector<1000x7xf32>
    %swap3A = arith.constant 0 : index
    %swap3A_37 = arith.constant 0 : index
    %swap3A_38 = vector.load %arg5[%swap3A, %swap3A_37] : memref<1000x7xf32, #tpu.memory_space<vmem>>, vector<1000x7xf32>
    tpu.vector_store %arg5[%swap3A, %swap3A_37], %slice3A_36 {strides = array<i32>} : memref<1000x7xf32, #tpu.memory_space<vmem>>, vector<1000x7xf32>,
    return
  }
  func.func @transform_0(%arg0: i32) -> (i32, i32, i32) {
    %c0_i32 = arith.constant 0 : i32
    %c0_i32_0 = arith.constant 0 : i32
    %c0_i32_1 = arith.constant 0 : i32
    return %c0_i32, %arg0, %c0_i32_0 : i32, i32, i32
  }
  func.func @transform_1(%arg0: i32) -> (i32, i32) {
    %c0_i32 = arith.constant 0 : i32
    %c0_i32_0 = arith.constant 0 : i32
    return %arg0, %c0_i32 : i32, i32
  }
  func.func @transform_2(%arg0: i32) -> (i32, i32) {
    %c0_i32 = arith.constant 0 : i32
    %c0_i32_0 = arith.constant 0 : i32
    return %arg0, %c0_i32 : i32, i32
  }
  func.func @transform_3(%arg0: i32) -> (i32, i32) {
    %c0_i32 = arith.constant 0 : i32
    %c0_i32_0 = arith.constant 0 : i32
    %c0_i32_1 = arith.constant 0 : i32
    return %c0_i32, %c0_i32_0 : i32, i32
  }
  func.func @transform_4(%arg0: i32) -> (i32, i32) {
    %c0_i32 = arith.constant 0 : i32
    %c0_i32_0 = arith.constant 0 : i32
    return %arg0, %c0_i32 : i32, i32
  }
}

</mosaic_0001>

<sc_bundles>
// kernel: kernel.11.cloned.1.call-start
scs
__scs_entry_jumppad:
0x0: {  	(pc) =	sbr.rel $0x88, $3  }
0x1: {  	(tag) =	ssettag $0x0;
	lr =	simm.s32 $0x1  }
0x2: {  	[smem:$0x3F9B] =	sst lr;
	_ =	strace $0xD0000000  }
0x3: {  	_ = 	snop  }
0x4: {  	_ = 	snop  }
0x5: {  	_ = 	snop  }
0x6: {  	_ = 	snop  }
0x7: {  	_ = 	snop  }
__scs_overlays_trampoline_lowered:
0x8: {  	[smem:$0x3FAA] =	sst s0  }
0x9: {  	[smem:$0x3FAB] =	sst s1  }
0xa: {  	[smem:$0x3FAC] =	sst s2  }
0xb: {  	[smem:$0x3FAD] =	sst s3  }
0xc: {  	[smem:$0x3FAE] =	sst s4  }
0xd: {  	[smem:$0x3FAF] =	sst s5  }
0xe: {  	[smem:$0x3FB0] =	sst s6  }
0xf: {  	[smem:$0x3FB1] =	sst s7  }
0x10: {  	[smem:$0x3FB2] =	sst s8  }
0x11: {  	[smem:$0x3FB3] =	sst s9;
	s0 =	simm.s32 @!p0 $0x0  }
0x12: {  	s1 =	sld [smem:$0x3F99];
	s0 =	simm.s32 @p0 $0x1  }
0x13: {  	[smem:$0x3FB4] =	sst s0;
	s0 =	simm.s32 @!p1 $0x0  }
0x14: {  	s2 =	sld [smem:$0x3F98];
	s0 =	simm.s32 @p1 $0x1  }
0x15: {  	[smem:$0x3FB5] =	sst s0;
	s0 =	simm.s32 @!p2 $0x0  }
0x16: {  	s3 =	sld [smem:$0x3FDB];
	s0 =	simm.s32 @p2 $0x1  }
0x17: {  	s4 =	simm.s32 $0x1BF5;
	[smem:$0x3FB7] =	sst s0  }
0x18: {  	s0 =	sld [smem:$0x3F9A];
	_ =	swait.ge [sflag:s4], $0x0  }
0x19: {  	s7 =	sld [smem:$0x3F9B]  }
0x1a: {  	s8 =	sadd.s32 $0xFFFFE003, lr  }
0x1b: {  	s9 =	sadd.s32 $0xFFFFFEF7, lr;
	s5 =	simm.s32 $0xFFFFFFFF;
	p2 =	slt.u32 s8, $0xFFFFF086  }
0x1c: {  	p1 =	slt.u32 s9, $0xF7A;
	s5 =	simm.s32 @!p2 $0x0  }
0x1d: {  	s5 =	simm.s32 @p1 $0x1;
	p0 =	seq.s32 s7, s2  }
0x1e: {  	s7 =	smul.u32 @!p0 $0xF7A, s2;
	p2 =	seq.s32 @!p0 s5, $0x0  }
0x1f: {  	s9 =	smul.u32 $0xF7A, s1;
	s8 =	simm.s32 @!p0 $0x1BF5;
	p2 =	por !p2, p0  }
0x20: {  	[sflag:s8] =	ssyncset.s32 @!p0 $0xFFFFF086;
	s6 =	sadd.s32 @!p0 s3, s7;
	s7 =	simm.s32 @!p0 $0x108  }
0x21: {  	s3 =	sadd.s32 s3, s9;
	s6 =	sadd.s32 @!p0 $0x88, s6;
	s7 =	simm.s32 @p2 $0x1082  }
0x22: {  	[simem:s7], [sflag:s8] =	dma.local @!p0 [hbm:s6], $0xF7A  }
0x23: {  	s9 =	sor.u32 $0xD0000000, s2;
	s6 =	simm.s32 $0x108;
	_ =	swait.ge @!p0 [sflag:s8], $0x0  }
0x24: {  	s3 =	sadd.s32 $0x88, s3;
	s6 =	simm.s32 @!p1 $0x1082;
	[sflag:s4] =	ssyncset.s32 $0xFFFFF086  }
0x25: {  	[simem:s6], [sflag:s4] =	dma.local [hbm:s3], $0xF7A  }
0x26: {  	[smem:$0x3F9B] =	sst s1;
	(tag) =	ssettag s2;
	_ =	strace s9  }
0x27: {  	s1 =	sld [smem:$0x3FAB]  }
0x28: {  	s2 =	sld [smem:$0x3FAC]  }
0x29: {  	s4 =	sld [smem:$0x3FAE]  }
0x2a: {  	p0 =	seq.s32 s5, $0x0;
	s5 =	sld [smem:$0x3FAF]  }
0x2b: {  	s6 =	sld [smem:$0x3FB0]  }
0x2c: {  	s7 =	sld [smem:$0x3FB1]  }
0x2d: {  	s3 =	simm.s32 $0x108;
	s8 =	sld [smem:$0x3FB2]  }
0x2e: {  	s3 =	simm.s32 @!p0 $0x1082;
	s9 =	sld [smem:$0x3FB3]  }
0x2f: {  	lr =	sadd.s32 s0, s3;
	s0 =	sld [smem:$0x3FAA]  }
0x30: {  	s3 =	sld [smem:$0x3FAD]  }
0x31: {  	[smem:$0x3FB6] =	sst s10  }
0x32: {  	s10 =	sld [smem:$0x3FB4];
	_ =	sdelay $0x3  }
0x33: {  	p0 =	seq.s32 s10, $0x1;
	s10 =	sld [smem:$0x3FB6];
	_ =	sdelay $0x3  }
0x34: {  	[smem:$0x3FB6] =	sst s10  }
0x35: {  	s10 =	sld [smem:$0x3FB5];
	_ =	sdelay $0x3  }
0x36: {  	p1 =	seq.s32 s10, $0x1;
	s10 =	sld [smem:$0x3FB6];
	_ =	sdelay $0x3  }
0x37: {  	[smem:$0x3FB6] =	sst s10  }
0x38: {  	s10 =	sld [smem:$0x3FB7]  }
0x39: {  	_ = 	snop;
	(pc) =	sbr.ind lr, $3  }
0x3a: {  	_ = 	snop  }
0x3b: {  	_ = 	snop  }
0x3c: {  	p2 =	seq.s32 s10, $0x1;
	s10 =	sld [smem:$0x3FB6]  }
0x3d: {  	_ =	shalt  }
0x3e: {  	_ =	shalt  }
0x3f: {  	_ =	shalt  }
0x40: {  	_ =	shalt  }
0x41: {  	_ =	shalt  }
0x42: {  	_ =	shalt  }
0x43: {  	_ =	shalt  }
0x44: {  	_ =	shalt  }
0x45: {  	_ =	shalt  }
0x46: {  	_ =	shalt  }
0x47: {  	_ =	shalt  }
0x48: {  	_ =	shalt  }
0x49: {  	_ =	shalt  }
0x4a: {  	_ =	shalt  }
0x4b: {  	_ =	shalt  }
0x4c: {  	_ =	shalt  }
0x4d: {  	_ =	shalt  }
0x4e: {  	_ =	shalt  }
0x4f: {  	_ =	shalt  }
0x50: {  	_ =	shalt  }
0x51: {  	_ =	shalt  }
0x52: {  	_ =	shalt  }
0x53: {  	_ =	shalt  }
0x54: {  	_ =	shalt  }
0x55: {  	_ =	shalt  }
0x56: {  	_ =	shalt  }
0x57: {  	_ =	shalt  }
0x58: {  	_ =	shalt  }
0x59: {  	_ =	shalt  }
0x5a: {  	_ =	shalt  }
0x5b: {  	_ =	shalt  }
0x5c: {  	_ =	shalt  }
0x5d: {  	_ =	shalt  }
0x5e: {  	_ =	shalt  }
0x5f: {  	_ =	shalt  }
0x60: {  	_ =	shalt  }
0x61: {  	_ =	shalt  }
0x62: {  	_ =	shalt  }
0x63: {  	_ =	shalt  }
0x64: {  	_ =	shalt  }
0x65: {  	_ =	shalt  }
0x66: {  	_ =	shalt  }
0x67: {  	_ =	shalt  }
0x68: {  	_ =	shalt  }
0x69: {  	_ =	shalt  }
0x6a: {  	_ =	shalt  }
0x6b: {  	_ =	shalt  }
0x6c: {  	_ =	shalt  }
0x6d: {  	_ =	shalt  }
0x6e: {  	_ =	shalt  }
0x6f: {  	_ =	shalt  }
0x70: {  	_ =	shalt  }
0x71: {  	_ =	shalt  }
0x72: {  	_ =	shalt  }
0x73: {  	_ =	shalt  }
0x74: {  	_ =	shalt  }
0x75: {  	_ =	shalt  }
0x76: {  	_ =	shalt  }
0x77: {  	_ =	shalt  }
0x78: {  	_ =	shalt  }
0x79: {  	_ =	shalt  }
0x7a: {  	_ =	shalt  }
0x7b: {  	_ =	shalt  }
0x7c: {  	_ =	shalt  }
0x7d: {  	_ =	shalt  }
0x7e: {  	_ =	shalt  }
0x7f: {  	_ =	shalt  }
0x80: {  	_ =	shalt  }
0x81: {  	_ =	shalt  }
0x82: {  	_ =	shalt  }
0x83: {  	_ =	shalt  }
0x84: {  	_ =	shalt  }
0x85: {  	_ =	shalt  }
0x86: {  	_ =	shalt  }
0x87: {  	_ =	shalt  }
.Lfunc_end0:
.L_simem_size_0:
called_computation.1_lowered:
.L_overlay_start_0:
0x88: {  	s2 =	sld [smem:$0x3FD9]  }
0x89: {  	s3 =	sld [smem:$0x3FFE];
	_ =	sdelay $0x1  }
0x8a: {  	s1 =	srdreg.scid  }
0x8b: {  	s0 =	sand.u32 $0x1, s1  }
0x8c: {  	s16 =	sshll.u32 s0, $0xA;
	s2 =	sadd.s32 s3, s2  }
0x8d: {  	s2 =	sadd.s32 s2, s16  }
0x8e: {  	[smem:$0x3FC2] =	sst s2  }
0x8f: {  	_ = 	snop  }
0x90: {  	(tm) =	ssettm $0x1  }
0x91: {  	s17 =	sld [smem:$0x3FFB];
	_ =	sdelay $0x3  }
0x92: {  	_ =	strace s17  }
0x93: {  	s2 =	sld [smem:$0x3FFC];
	_ =	sdelay $0x3  }
0x94: {  	_ =	strace s2  }
0x95: {  	s2 =	sld [smem:$0x3FFD];
	_ =	sdelay $0x3  }
0x96: {  	_ =	strace s2  }
0x97: {  	_ =	strace $0x8FFFFFFF  }
0x98: {  	s18 =	sld [smem:$0x3FDB];
	_ =	sdelay $0x1  }
0x99: {  	s19 =	simm.s32 $_scs_section_size  }
0x9a: {  	s4 =	simm.s32 $_size__tile_overlayer_lowered;
	s5 =	simm.s32 $_tile_overlayer_lowered  }
0x9b: {  	s22 =	simm.s32 $0x1BFF;
	s21 =	sshll.u32 s5, $0x1;
	s2 =	sadd.s32 s19, s18  }
0x9c: {  	s6 =	simm.s32 $0x0;
	s20 =	sshll.u32 s4, $0x1;
	s4 =	sadd.s32 s21, s2  }
0x9d: {  	[timem:s6], [sflag:s22] =	dma.local [hbm:s4], s20  }
0x9e: {  	_ =	swait.ge [sflag:s22], s20  }
0x9f: {  	s3 =	ssub.s32 $0x0, s20;
	[sflag:s22] =	ssyncset.done $0x0  }
0xa0: {  	[sflag:s22] =	ssyncadd.s32 s3;
	_ =	sdelay $0x1  }
0xa1: {  	s23 =	simm.s32 $0x1B8B  }
0xa2: {  	_ =	swait.ge [sflag:s23], $0x1  }
0xa3: {  	[sflag:s23] =	ssyncset.done $0x0  }
0xa4: {  	s25 =	simm.s32 $0x1B8E;
	s24 =	sld [smem:$0x3FFE];
	[sflag:s23] =	ssyncadd.s32 $0xFFFFFFFF  }
0xa5: {  	s26 =	simm.s32 $execute0_lowered;
	[smem:$0x3FD2] =	sst s25  }
0xa6: {  	s4 =	sshll.u32 s26, $0x1;
	_ =	strace $0x80000049;
	[dreg:$0x1] =	wrdreg $0xFFFFFFFF  }
0xa7: {  	s28 =	simm.s32 $_size_execute0_lowered;
	s2 =	sadd.s32 s2, s4;
	[dreg:$0x0] =	wrdreg $0x0  }
0xa8: {  	s4 =	sshll.u32 s28, $0x1;
	[dreg:$0x2] =	wrdreg s2  }
0xa9: {  	[dreg:$0x3] =	wrdreg s4  }
0xaa: {  	[dreg:$0x4] =	wrdreg $0xC0  }
0xab: {  	_ =	task [dreg:s6], $0x5FFFF  }
0xac: {  	[dreg:$0x1] =	wrdreg $0xFFFFFFFF  }
0xad: {  	[dreg:$0x0] =	wrdreg $0x60  }
0xae: {  	[dreg:$0x2] =	wrdreg s24  }
0xaf: {  	[dreg:$0x3] =	wrdreg $0xA8C00  }
0xb0: {  	[dreg:$0x4] =	wrdreg $0x9  }
0xb1: {  	_ =	task.clear_ibuf [dreg:s6], $0x5FFFF;
	_ =	strace $0x90000049  }
0xb2: {  	s29 =	simm.s32 $0x9;
	_ =	strace $0x8000004B  }
0xb3: {  	_ =	swait.ge [sflag:s29], $0x1  }
0xb4: {  	[sflag:s29] =	ssyncadd.s32 $0xFFFFFFFF  }
0xb5: {  	_ =	strace $0x9000004B  }
0xb6: {  	_ =	sfence  }
0xb7: {  	s30 =	sld [smem:$0x0];
	_ =	sdelay $0x2  }
0xb8: {  	s31 =	sshll.u32 s1, $0xD;
	s1 =	sshrl.u32 s1, $0x2  }
0xb9: {  	s3 =	sand.u32 $0x4000, s31;
	s1 =	sadd.s32 s1, s30  }
0xba: {  	s0 =	sor.u32 s3, s0;
	s1 =	sshll.u32 s1, $0x11  }
0xbb: {  	s0 =	sor.u32 s1, s0  }
0xbc: {  	s0 =	sadd.s32 $0x8F2B, s0  }
0xbd: {  	[sflag:s0] =	ssyncadd.remote.s32 $0x1  }
0xbe: {  	_ =	sfence.sel $0xFFFF  }
0xbf: {  	[dreg:$0x0] =	wrdreg $0xFFFFFFFF;
	(pc) =	sbr.abs _section_cstart, $3  }
0xc0: {  	[dreg:$0x1] =	wrdreg $0xFFFFFFFF  }
0xc1: {  	_ =	task.clear_ibuf [dreg:s6], $0x2FFFF;
	_ =	strace $0x9FFFFFFF  }
0xc2: {  	(tm) =	ssettm $0x7FFFFFFF  }
0xc3: {  	_ =	shalt  }
tec
execute0_lowered:
.L_overlay_start_1:
0x0: {  	(tag) =	ssettag $0x1  }
0x1: {  	s0 =	srdreg.scid  }
0x2: {  	s1 =	rddreg [dreg:$0x0];
	s10 =	stileid.u32  }
0x3: {  	s2 =	rddreg [dreg:$0x1];
	s3 =	simm.s32 $0x0;
	s29 =	simm.s32 $0x5DC0  }
0x4: {  	s31 =	simm.s32 $0x76C0;
	s17 =	simm.s32 $0x5;
	s11 =	simm.s32 $0xA  }
0x5: {  	s12 =	simm.s32 $0xC;
	s16 =	simm.s32 $0x2;
	s5 =	smul.u32 $0x2BC0, s10  }
0x6: {  	s13 =	simm.s32 $0x2B50;
	s28 =	simm.s32 $0x2B88;
	s8 =	smul.u32 $0x271, s10  }
0x7: {  	s14 =	simm.s32 $0x0;
	s0 =	sand.u32 $0x1, s0;
	s9 =	smul.u32 $0x4E200, s10  }
0x8: {  	[smem:$0x7FF] =	sst s3;
	s22 =	sshll.u32 s10, $0x6;
	s4 =	smul.u32 $0x2BC00, s0  }
0x9: {  	s10 =	simm.s32 $0x9;
	s6 =	smul.u32 $0x2710, s0;
	s0 =	ssub.s32 $0x2, s0  }
0xa: {  	_ =	strace $0x8000004A;
	s18 =	sshrl.u32 s0, $0x1;
	s21 =	sshrl.u32 s9, $0x2  }
0xb: {  	s4 =	sadd.s32 s5, s4;
	s5 =	sshrl.u32 s5, $0x3;
	s6 =	sadd.s32 s8, s6  }
0xc: {  	s0 =	ssub.s32 s0, s18;
	s9 =	sadd.s32 s21, s2;
	s8 =	sor.u32 $0x1C0D, s22  }
0xd: {  	s21 =	simm.s32 $0xAF0;
	s7 =	sshrl.u32 s4, $0x3;
	s4 =	sadd.s32 $0x20200, s1  }
0xe: {  	s6 =	sshll.u32 s6, $0x4;
	s5 =	sadd.s32 s5, s1;
	s0 =	smax.u32 s0, $0x1  }
0xf: {  	s7 =	sadd.s32 s7, s1;
	s20 =	sadd.s32 $0x1AA00, s5;
	[dreg:$0xd] =	wrdreg s0  }
0x10: {  	s1 =	sadd.s32 s6, s1;
	s6 =	sadd.s32 s4, s6;
	[dreg:$0x4] =	wrdreg s20  }
0x11: {  	s22 =	simm.s32 $0x7;
	s24 =	sadd.s32 $0x1AB5E, s5;
	[dreg:$0x5] =	wrdreg s6  }
0x12: {  	s18 =	sshrl.u32 s9, $0x3;
	s26 =	sadd.s32 $0x1ACBC, s5;
	[dreg:$0x7] =	wrdreg s24  }
0x13: {  	s9 =	simm.s32 $0x8;
	s5 =	sadd.s32 $0x1AE1A, s5;
	[dreg:$0x9] =	wrdreg s26  }
0x14: {  	s0 =	simm.s32 $0x8FC0;
	s19 =	sadd.s32 $0xFA00, s7;
	[dreg:$0xb] =	wrdreg s5  }
0x15: {  	s23 =	sadd.s32 $0xFB5E, s7;
	s25 =	sadd.s32 $0xFCBC, s7;
	[dreg:$0x3] =	wrdreg s19  }
0x16: {  	s30 =	sadd.s32 $0xFE1A, s7;
	s1 =	sadd.s32 $0x6E400, s1;
	[dreg:$0x6] =	wrdreg s23  }
0x17: {  	s20 =	simm.s32 $0x1;
	s24 =	simm.s32 $0x2BC0;
	[dreg:$0x8] =	wrdreg s25  }
0x18: {  	s26 =	simm.s32 $0x44C0;
	s5 =	simm.s32 $0x3;
	[dreg:$0xa] =	wrdreg s30  }
0x19: {  	s6 =	simm.s32 $0x4;
	s7 =	simm.s32 $0x6;
	[dreg:$0xc] =	wrdreg s1  }
0x1a: {  	s19 =	simm.s32 $0xD;
	s23 =	simm.s32 $0x32;
	s25 =	simm.s32 $0xB  }
.LBB2_1:
0x1b: {  	s1 =	rddreg [dreg:$0x3]  }
0x1c: {  	[tilespmem:s3], [sflag:$0x1] =	stream.linear.gather [hbm4b:s1+s3], $0xAF0, $0x38;
	[tilespmem:$0x1E140] =	vst v63  }
0x1d: {  	s15 =	simm.s32 $0x15E0;
	s1 =	rddreg [dreg:$0x4]  }
0x1e: {  	[tilespmem:s15], [sflag:$0x1] =	stream.linear.gather [hbm4b:s1+s3], $0xAF0, $0x38;
	[tilespmem:$0x1E140] =	vst v63  }
0x1f: {  	s15 =	rddreg [dreg:$0x5]  }
0x20: {  	[spmem:s18], [sflag:s8] =	dma.local [hbm:s15], $0x2710  }
0x21: {  	_ =	swait.ge [sflag:s19], $0x2710  }
0x22: {  	[sflag:s19] =	ssyncset.done $0x0  }
0x23: {  	[sflag:s19] =	ssyncadd.s32 $0xFFFFD8F0  }
0x24: {  	_ =	swait.ge [sflag:s20], $0xAF0  }
0x25: {  	[sflag:s20] =	ssyncset.done $0x0  }
0x26: {  	[sflag:s20] =	ssyncadd.s32 $0xFFFFF510  }
0x27: {  	_ =	swait.ge [sflag:s20], $0xAF0  }
0x28: {  	[sflag:s20] =	ssyncset.done $0x0  }
0x29: {  	[sflag:s20] =	ssyncadd.s32 $0xFFFFF510  }
0x2a: {  	[bflag:$0x0] =	sbarrier.arrive $0xFFFF  }
0x2b: {  	s15 =	rddreg [dreg:$0x6]  }
0x2c: {  	[tilespmem:s21], [sflag:$0x2] =	stream.linear.gather [hbm4b:s15+s3], $0xAF0, $0x38;
	[tilespmem:$0x1E140] =	vst v63  }
0x2d: {  	s1 =	rddreg [dreg:$0x7];
	s15 =	simm.s32 $0x20D0  }
0x2e: {  	[tilespmem:s15], [sflag:$0x2] =	stream.linear.gather [hbm4b:s1+s3], $0xAF0, $0x38;
	[tilespmem:$0x1E140] =	vst v63  }
0x2f: {  	_ = 	snop  }
0x30: {  	[tilespmem:s24], [sflag:$0x3] =	stream.indirect.gather [hbm4b:s4+s23], $0x80, s3, s23, $0xb8;
	[tilespmem:$0x1E140] =	vst v63  }
0x31: {  	s15 =	simm.s32 $0x38  }
0x32: {  	[tilespmem:s26], [sflag:$0x4] =	stream.indirect.gather [hbm4b:s4+s23], $0x80, s15, s23, $0xb8;
	[tilespmem:$0x1E140] =	vst v63  }
0x33: {  	s15 =	simm.s32 $0x70  }
0x34: {  	[tilespmem:s29], [sflag:$0x5] =	stream.indirect.gather [hbm4b:s4+s23], $0x80, s15, s23, $0xb8;
	[tilespmem:$0x1E140] =	vst v63  }
0x35: {  	s15 =	simm.s32 $0xA8  }
0x36: {  	[tilespmem:s31], [sflag:$0x6] =	stream.indirect.gather [hbm4b:s4+s23], $0x80, s15, s23, $0xb8;
	[tilespmem:$0x1E140] =	vst v63  }
0x37: {  	s15 =	simm.s32 $0xE0  }
0x38: {  	[tilespmem:s0], [sflag:$0x7] =	stream.indirect.gather [hbm4b:s4+s23], $0x80, s15, s23, $0xb8;
	[tilespmem:$0x1E140] =	vst v63  }
0x39: {  	_ =	swait.ge [sflag:s5], $0x1900  }
0x3a: {  	[sflag:s5] =	ssyncset.done $0x0  }
0x3b: {  	s1 =	simm.s32 $0x15E0;
	[sflag:s5] =	ssyncadd.s32 $0xFFFFE700  }
0x3c: {  	[spmem:s2] =	stream.indirect.scatter.add.f32 [tilespmem:s24], [sflag:$0x8], $0x80, s1, s23, $0xb8;
	[tilespmem:$0x1E140] =	vst v63  }
0x3d: {  	_ =	swait.ge [sflag:s6], $0x1900  }
0x3e: {  	[sflag:s6] =	ssyncset.done $0x0  }
0x3f: {  	s1 =	simm.s32 $0x1618;
	[sflag:s6] =	ssyncadd.s32 $0xFFFFE700  }
0x40: {  	[spmem:s2] =	stream.indirect.scatter.add.f32 [tilespmem:s26], [sflag:$0x9], $0x80, s1, s23, $0xb8;
	[tilespmem:$0x1E140] =	vst v63  }
0x41: {  	_ =	swait.ge [sflag:s17], $0x1900  }
0x42: {  	[sflag:s17] =	ssyncset.done $0x0  }
0x43: {  	s1 =	simm.s32 $0x1650;
	[sflag:s17] =	ssyncadd.s32 $0xFFFFE700  }
0x44: {  	[spmem:s2] =	stream.indirect.scatter.add.f32 [tilespmem:s29], [sflag:$0xA], $0x80, s1, s23, $0xb8;
	[tilespmem:$0x1E140] =	vst v63  }
0x45: {  	_ =	swait.ge [sflag:s7], $0x1900  }
0x46: {  	[sflag:s7] =	ssyncset.done $0x0  }
0x47: {  	s1 =	simm.s32 $0x1688;
	[sflag:s7] =	ssyncadd.s32 $0xFFFFE700  }
0x48: {  	[spmem:s2] =	stream.indirect.scatter.add.f32 [tilespmem:s31], [sflag:$0xB], $0x80, s1, s23, $0xb8;
	[tilespmem:$0x1E140] =	vst v63  }
0x49: {  	_ =	swait.ge [sflag:s22], $0x1900  }
0x4a: {  	[sflag:s22] =	ssyncset.done $0x0  }
0x4b: {  	s1 =	simm.s32 $0x16C0;
	[sflag:s22] =	ssyncadd.s32 $0xFFFFE700  }
0x4c: {  	[spmem:s2] =	stream.indirect.scatter.add.f32 [tilespmem:s0], [sflag:$0xC], $0x80, s1, s23, $0xb8;
	[tilespmem:$0x1E140] =	vst v63  }
0x4d: {  	_ =	swait.ge [sflag:s9], $0x1900  }
0x4e: {  	[sflag:s9] =	ssyncset.done $0x0  }
0x4f: {  	s1 =	simm.s32 $0x118;
	[sflag:s9] =	ssyncadd.s32 $0xFFFFE700  }
0x50: {  	[tilespmem:s24], [sflag:$0x3] =	stream.indirect.gather [hbm4b:s4+s23], $0x80, s1, s23, $0xb8;
	[tilespmem:$0x1E140] =	vst v63  }
0x51: {  	_ =	swait.ge [sflag:s10], $0x1900  }
0x52: {  	[sflag:s10] =	ssyncset.done $0x0  }
0x53: {  	s1 =	simm.s32 $0x150;
	[sflag:s10] =	ssyncadd.s32 $0xFFFFE700  }
0x54: {  	[tilespmem:s26], [sflag:$0x4] =	stream.indirect.gather [hbm4b:s4+s23], $0x80, s1, s23, $0xb8;
	[tilespmem:$0x1E140] =	vst v63  }
0x55: {  	_ =	swait.ge [sflag:s11], $0x1900  }
0x56: {  	[sflag:s11] =	ssyncset.done $0x0  }
0x57: {  	s1 =	simm.s32 $0x188;
	[sflag:s11] =	ssyncadd.s32 $0xFFFFE700  }
0x58: {  	[tilespmem:s29], [sflag:$0x5] =	stream.indirect.gather [hbm4b:s4+s23], $0x80, s1, s23, $0xb8;
	[tilespmem:$0x1E140] =	vst v63  }
0x59: {  	_ =	swait.ge [sflag:s25], $0x1900  }
0x5a: {  	[sflag:s25] =	ssyncset.done $0x0  }
0x5b: {  	s1 =	simm.s32 $0x1C0;
	[sflag:s25] =	ssyncadd.s32 $0xFFFFE700  }
0x5c: {  	[tilespmem:s31], [sflag:$0x6] =	stream.indirect.gather [hbm4b:s4+s23], $0x80, s1, s23, $0xb8;
	[tilespmem:$0x1E140] =	vst v63  }
0x5d: {  	_ =	swait.ge [sflag:s12], $0x1900  }
0x5e: {  	[sflag:s12] =	ssyncset.done $0x0  }
0x5f: {  	s30 =	simm.s32 $0x1F8;
	s15 =	simm.s32 $0x460;
	[sflag:s12] =	ssyncadd.s32 $0xFFFFE700  }
.LBB2_2:
0x60: {  	[tilespmem:s0], [sflag:$0x7] =	stream.indirect.gather [hbm4b:s4+s23], $0x80, s30, s23, $0xb8;
	[tilespmem:$0x1E140] =	vst v63  }
0x61: {  	s30 =	smov.u32 s15  }
0x62: {  	p0 =	sne.s32 s15, $0x2300;
	s15 =	sadd.s32 $0x460, s15;
	_ =	swait.ge [sflag:s5], $0x1900  }
0x63: {  	s30 =	sshra.s32 s30, $0x2;
	[sflag:s5] =	ssyncset.done $0x0  }
0x64: {  	s1 =	sadd.s32 $0x15E0, s30;
	[sflag:s5] =	ssyncadd.s32 $0xFFFFE700  }
0x65: {  	[spmem:s2] =	stream.indirect.scatter.add.f32 [tilespmem:s24], [sflag:$0x8], $0x80, s1, s23, $0xb8;
	[tilespmem:$0x1E140] =	vst v63  }
0x66: {  	_ =	swait.ge [sflag:s6], $0x1900  }
0x67: {  	[sflag:s6] =	ssyncset.done $0x0  }
0x68: {  	s1 =	sadd.s32 $0x1618, s30;
	[sflag:s6] =	ssyncadd.s32 $0xFFFFE700  }
0x69: {  	[spmem:s2] =	stream.indirect.scatter.add.f32 [tilespmem:s26], [sflag:$0x9], $0x80, s1, s23, $0xb8;
	[tilespmem:$0x1E140] =	vst v63  }
0x6a: {  	_ =	swait.ge [sflag:s17], $0x1900  }
0x6b: {  	[sflag:s17] =	ssyncset.done $0x0  }
0x6c: {  	s1 =	sadd.s32 $0x1650, s30;
	[sflag:s17] =	ssyncadd.s32 $0xFFFFE700  }
0x6d: {  	[spmem:s2] =	stream.indirect.scatter.add.f32 [tilespmem:s29], [sflag:$0xA], $0x80, s1, s23, $0xb8;
	[tilespmem:$0x1E140] =	vst v63  }
0x6e: {  	_ =	swait.ge [sflag:s7], $0x1900  }
0x6f: {  	[sflag:s7] =	ssyncset.done $0x0  }
0x70: {  	s1 =	sadd.s32 $0x1688, s30;
	[sflag:s7] =	ssyncadd.s32 $0xFFFFE700  }
0x71: {  	[spmem:s2] =	stream.indirect.scatter.add.f32 [tilespmem:s31], [sflag:$0xB], $0x80, s1, s23, $0xb8;
	[tilespmem:$0x1E140] =	vst v63  }
0x72: {  	_ =	swait.ge [sflag:s22], $0x1900  }
0x73: {  	[sflag:s22] =	ssyncset.done $0x0  }
0x74: {  	s1 =	sadd.s32 $0x16C0, s30;
	[sflag:s22] =	ssyncadd.s32 $0xFFFFE700  }
0x75: {  	[spmem:s2] =	stream.indirect.scatter.add.f32 [tilespmem:s0], [sflag:$0xC], $0x80, s1, s23, $0xb8;
	[tilespmem:$0x1E140] =	vst v63  }
0x76: {  	_ =	swait.ge [sflag:s9], $0x1900  }
0x77: {  	[sflag:s9] =	ssyncset.done $0x0  }
0x78: {  	s1 =	sadd.s32 $0x118, s30;
	[sflag:s9] =	ssyncadd.s32 $0xFFFFE700  }
0x79: {  	[tilespmem:s24], [sflag:$0x3] =	stream.indirect.gather [hbm4b:s4+s23], $0x80, s1, s23, $0xb8;
	[tilespmem:$0x1E140] =	vst v63  }
0x7a: {  	_ =	swait.ge [sflag:s10], $0x1900  }
0x7b: {  	[sflag:s10] =	ssyncset.done $0x0  }
0x7c: {  	s1 =	sadd.s32 $0x150, s30;
	[sflag:s10] =	ssyncadd.s32 $0xFFFFE700  }
0x7d: {  	[tilespmem:s26], [sflag:$0x4] =	stream.indirect.gather [hbm4b:s4+s23], $0x80, s1, s23, $0xb8;
	[tilespmem:$0x1E140] =	vst v63  }
0x7e: {  	_ =	swait.ge [sflag:s11], $0x1900  }
0x7f: {  	[sflag:s11] =	ssyncset.done $0x0  }
0x80: {  	s1 =	sadd.s32 $0x188, s30;
	[sflag:s11] =	ssyncadd.s32 $0xFFFFE700  }
0x81: {  	[tilespmem:s29], [sflag:$0x5] =	stream.indirect.gather [hbm4b:s4+s23], $0x80, s1, s23, $0xb8;
	[tilespmem:$0x1E140] =	vst v63  }
0x82: {  	_ =	swait.ge [sflag:s25], $0x1900  }
0x83: {  	[sflag:s25] =	ssyncset.done $0x0  }
.Ltmp0:
0x84: {  	s1 =	sadd.s32 $0x1C0, s30;
	[sflag:s25] =	ssyncadd.s32 $0xFFFFE700;
	(pc) =	sbr.rel @p0 .LBB2_2-.Ltmp0, $4  }
0x85: {  	[tilespmem:s31], [sflag:$0x6] =	stream.indirect.gather [hbm4b:s4+s23], $0x80, s1, s23, $0xb8;
	[tilespmem:$0x1E140] =	vst v63  }
0x86: {  	_ =	swait.ge [sflag:s12], $0x1900  }
0x87: {  	[sflag:s12] =	ssyncset.done $0x0  }
0x88: {  	s30 =	sadd.s32 $0x1F8, s30;
	[sflag:s12] =	ssyncadd.s32 $0xFFFFE700  }
0x89: {  	[tilespmem:s0], [sflag:$0x7] =	stream.indirect.gather [hbm4b:s4+s23], $0x80, s30, s23, $0xb8;
	[tilespmem:$0x1E140] =	vst v63  }
0x8a: {  	_ =	swait.ge [sflag:s5], $0x1900  }
0x8b: {  	[sflag:s5] =	ssyncset.done $0x0  }
0x8c: {  	s1 =	simm.s32 $0x1FB8;
	[sflag:s5] =	ssyncadd.s32 $0xFFFFE700  }
0x8d: {  	[spmem:s2] =	stream.indirect.scatter.add.f32 [tilespmem:s24], [sflag:$0x8], $0x80, s1, s23, $0xb8;
	[tilespmem:$0x1E140] =	vst v63  }
0x8e: {  	_ =	swait.ge [sflag:s6], $0x1900  }
0x8f: {  	[sflag:s6] =	ssyncset.done $0x0  }
0x90: {  	s15 =	simm.s32 $0x1FF0;
	[sflag:s6] =	ssyncadd.s32 $0xFFFFE700  }
0x91: {  	[spmem:s2] =	stream.indirect.scatter.add.f32 [tilespmem:s26], [sflag:$0x9], $0x80, s15, s23, $0xb8;
	[tilespmem:$0x1E140] =	vst v63  }
0x92: {  	_ =	swait.ge [sflag:s17], $0x1900  }
0x93: {  	[sflag:s17] =	ssyncset.done $0x0  }
0x94: {  	s15 =	simm.s32 $0x2028;
	[sflag:s17] =	ssyncadd.s32 $0xFFFFE700  }
0x95: {  	[spmem:s2] =	stream.indirect.scatter.add.f32 [tilespmem:s29], [sflag:$0xA], $0x80, s15, s23, $0xb8;
	[tilespmem:$0x1E140] =	vst v63  }
0x96: {  	_ =	swait.ge [sflag:s7], $0x1900  }
0x97: {  	[sflag:s7] =	ssyncset.done $0x0  }
0x98: {  	s15 =	simm.s32 $0x2060;
	[sflag:s7] =	ssyncadd.s32 $0xFFFFE700  }
0x99: {  	[spmem:s2] =	stream.indirect.scatter.add.f32 [tilespmem:s31], [sflag:$0xB], $0x80, s15, s23, $0xb8;
	[tilespmem:$0x1E140] =	vst v63  }
0x9a: {  	_ =	swait.ge [sflag:s22], $0x1900  }
0x9b: {  	[sflag:s22] =	ssyncset.done $0x0  }
0x9c: {  	s15 =	simm.s32 $0x2098;
	[sflag:s22] =	ssyncadd.s32 $0xFFFFE700  }
0x9d: {  	[spmem:s2] =	stream.indirect.scatter.add.f32 [tilespmem:s0], [sflag:$0xC], $0x80, s15, s23, $0xb8;
	[tilespmem:$0x1E140] =	vst v63  }
0x9e: {  	_ =	swait.ge [sflag:s9], $0x1900  }
0x9f: {  	[sflag:s9] =	ssyncset.done $0x0  }
0xa0: {  	[sflag:s9] =	ssyncadd.s32 $0xFFFFE700  }
0xa1: {  	_ =	swait.ge [sflag:s10], $0x1900  }
0xa2: {  	[sflag:s10] =	ssyncset.done $0x0  }
0xa3: {  	[sflag:s10] =	ssyncadd.s32 $0xFFFFE700  }
0xa4: {  	_ =	swait.ge [sflag:s11], $0x1900  }
0xa5: {  	[sflag:s11] =	ssyncset.done $0x0  }
0xa6: {  	[sflag:s11] =	ssyncadd.s32 $0xFFFFE700  }
0xa7: {  	_ =	swait.ge [sflag:s25], $0x1900  }
0xa8: {  	[sflag:s25] =	ssyncset.done $0x0  }
0xa9: {  	[sflag:s25] =	ssyncadd.s32 $0xFFFFE700  }
0xaa: {  	_ =	swait.ge [sflag:s12], $0x1900  }
0xab: {  	[sflag:s12] =	ssyncset.done $0x0  }
0xac: {  	[sflag:s12] =	ssyncadd.s32 $0xFFFFE700  }
0xad: {  	_ =	swait.ge [sflag:s16], $0xAF0  }
0xae: {  	[sflag:s16] =	ssyncset.done $0x0  }
0xaf: {  	[sflag:s16] =	ssyncadd.s32 $0xFFFFF510  }
0xb0: {  	_ =	swait.ge [sflag:s16], $0xAF0  }
0xb1: {  	[sflag:s16] =	ssyncset.done $0x0  }
0xb2: {  	s1 =	simm.s32 $0x0;
	s15 =	rddreg [dreg:$0x8];
	[sflag:s16] =	ssyncadd.s32 $0xFFFFF510  }
0xb3: {  	[tilespmem:s1], [sflag:$0x1] =	stream.linear.gather [hbm4b:s15+s1], $0xAF0, $0x38;
	[tilespmem:$0x1E140] =	vst v63  }
0xb4: {  	s30 =	simm.s32 $0x15E0;
	s15 =	rddreg [dreg:$0x9]  }
0xb5: {  	[tilespmem:s30], [sflag:$0x1] =	stream.linear.gather [hbm4b:s15+s1], $0xAF0, $0x38;
	[tilespmem:$0x1E140] =	vst v63  }
0xb6: {  	_ = 	snop  }
0xb7: {  	[tilespmem:s24], [sflag:$0x3] =	stream.indirect.gather [hbm4b:s4+s23], $0x80, s21, s23, $0xb8;
	[tilespmem:$0x1E140] =	vst v63  }
0xb8: {  	s15 =	simm.s32 $0xB28  }
0xb9: {  	[tilespmem:s26], [sflag:$0x4] =	stream.indirect.gather [hbm4b:s4+s23], $0x80, s15, s23, $0xb8;
	[tilespmem:$0x1E140] =	vst v63  }
0xba: {  	s15 =	simm.s32 $0xB60  }
0xbb: {  	[tilespmem:s29], [sflag:$0x5] =	stream.indirect.gather [hbm4b:s4+s23], $0x80, s15, s23, $0xb8;
	[tilespmem:$0x1E140] =	vst v63  }
0xbc: {  	s15 =	simm.s32 $0xB98  }
0xbd: {  	[tilespmem:s31], [sflag:$0x6] =	stream.indirect.gather [hbm4b:s4+s23], $0x80, s15, s23, $0xb8;
	[tilespmem:$0x1E140] =	vst v63  }
0xbe: {  	s15 =	simm.s32 $0xBD0  }
0xbf: {  	[tilespmem:s0], [sflag:$0x7] =	stream.indirect.gather [hbm4b:s4+s23], $0x80, s15, s23, $0xb8;
	[tilespmem:$0x1E140] =	vst v63  }
0xc0: {  	_ =	swait.ge [sflag:s5], $0x1900  }
0xc1: {  	[sflag:s5] =	ssyncset.done $0x0  }
0xc2: {  	s15 =	simm.s32 $0x20D0;
	[sflag:s5] =	ssyncadd.s32 $0xFFFFE700  }
0xc3: {  	[spmem:s2] =	stream.indirect.scatter.add.f32 [tilespmem:s24], [sflag:$0x8], $0x80, s15, s23, $0xb8;
	[tilespmem:$0x1E140] =	vst v63  }
0xc4: {  	_ =	swait.ge [sflag:s6], $0x1900  }
0xc5: {  	[sflag:s6] =	ssyncset.done $0x0  }
0xc6: {  	s15 =	simm.s32 $0x2108;
	[sflag:s6] =	ssyncadd.s32 $0xFFFFE700  }
0xc7: {  	[spmem:s2] =	stream.indirect.scatter.add.f32 [tilespmem:s26], [sflag:$0x9], $0x80, s15, s23, $0xb8;
	[tilespmem:$0x1E140] =	vst v63  }
0xc8: {  	_ =	swait.ge [sflag:s17], $0x1900  }
0xc9: {  	[sflag:s17] =	ssyncset.done $0x0  }
0xca: {  	s15 =	simm.s32 $0x2140;
	[sflag:s17] =	ssyncadd.s32 $0xFFFFE700  }
0xcb: {  	[spmem:s2] =	stream.indirect.scatter.add.f32 [tilespmem:s29], [sflag:$0xA], $0x80, s15, s23, $0xb8;
	[tilespmem:$0x1E140] =	vst v63  }
0xcc: {  	_ =	swait.ge [sflag:s7], $0x1900  }
0xcd: {  	[sflag:s7] =	ssyncset.done $0x0  }
0xce: {  	s15 =	simm.s32 $0x2178;
	[sflag:s7] =	ssyncadd.s32 $0xFFFFE700  }
0xcf: {  	[spmem:s2] =	stream.indirect.scatter.add.f32 [tilespmem:s31], [sflag:$0xB], $0x80, s15, s23, $0xb8;
	[tilespmem:$0x1E140] =	vst v63  }
0xd0: {  	_ =	swait.ge [sflag:s22], $0x1900  }
0xd1: {  	[sflag:s22] =	ssyncset.done $0x0  }
0xd2: {  	s15 =	simm.s32 $0x21B0;
	[sflag:s22] =	ssyncadd.s32 $0xFFFFE700  }
0xd3: {  	[spmem:s2] =	stream.indirect.scatter.add.f32 [tilespmem:s0], [sflag:$0xC], $0x80, s15, s23, $0xb8;
	[tilespmem:$0x1E140] =	vst v63  }
0xd4: {  	_ =	swait.ge [sflag:s9], $0x1900  }
0xd5: {  	[sflag:s9] =	ssyncset.done $0x0  }
0xd6: {  	s15 =	simm.s32 $0xC08;
	[sflag:s9] =	ssyncadd.s32 $0xFFFFE700  }
0xd7: {  	[tilespmem:s24], [sflag:$0x3] =	stream.indirect.gather [hbm4b:s4+s23], $0x80, s15, s23, $0xb8;
	[tilespmem:$0x1E140] =	vst v63  }
0xd8: {  	_ =	swait.ge [sflag:s10], $0x1900  }
0xd9: {  	[sflag:s10] =	ssyncset.done $0x0  }
0xda: {  	s15 =	simm.s32 $0xC40;
	[sflag:s10] =	ssyncadd.s32 $0xFFFFE700  }
0xdb: {  	[tilespmem:s26], [sflag:$0x4] =	stream.indirect.gather [hbm4b:s4+s23], $0x80, s15, s23, $0xb8;
	[tilespmem:$0x1E140] =	vst v63  }
0xdc: {  	_ =	swait.ge [sflag:s11], $0x1900  }
0xdd: {  	[sflag:s11] =	ssyncset.done $0x0  }
0xde: {  	s15 =	simm.s32 $0xC78;
	[sflag:s11] =	ssyncadd.s32 $0xFFFFE700  }
0xdf: {  	[tilespmem:s29], [sflag:$0x5] =	stream.indirect.gather [hbm4b:s4+s23], $0x80, s15, s23, $0xb8;
	[tilespmem:$0x1E140] =	vst v63  }
0xe0: {  	_ =	swait.ge [sflag:s25], $0x1900  }
0xe1: {  	[sflag:s25] =	ssyncset.done $0x0  }
0xe2: {  	s15 =	simm.s32 $0xCB0;
	[sflag:s25] =	ssyncadd.s32 $0xFFFFE700  }
0xe3: {  	[tilespmem:s31], [sflag:$0x6] =	stream.indirect.gather [hbm4b:s4+s23], $0x80, s15, s23, $0xb8;
	[tilespmem:$0x1E140] =	vst v63  }
0xe4: {  	_ =	swait.ge [sflag:s12], $0x1900  }
0xe5: {  	[sflag:s12] =	ssyncset.done $0x0  }
0xe6: {  	s30 =	simm.s32 $0xCE8;
	s15 =	simm.s32 $0x460;
	[sflag:s12] =	ssyncadd.s32 $0xFFFFE700  }
.LBB2_4:
0xe7: {  	[tilespmem:s0], [sflag:$0x7] =	stream.indirect.gather [hbm4b:s4+s23], $0x80, s30, s23, $0xb8;
	[tilespmem:$0x1E140] =	vst v63  }
0xe8: {  	s1 =	smov.u32 s15  }
0xe9: {  	p0 =	sne.s32 s15, $0x2300;
	s15 =	sadd.s32 $0x460, s15;
	_ =	swait.ge [sflag:s5], $0x1900  }
0xea: {  	s30 =	sshra.s32 s1, $0x2;
	[sflag:s5] =	ssyncset.done $0x0  }
0xeb: {  	s1 =	sadd.s32 $0x20D0, s30;
	[sflag:s5] =	ssyncadd.s32 $0xFFFFE700  }
0xec: {  	[spmem:s2] =	stream.indirect.scatter.add.f32 [tilespmem:s24], [sflag:$0x8], $0x80, s1, s23, $0xb8;
	[tilespmem:$0x1E140] =	vst v63  }
0xed: {  	_ =	swait.ge [sflag:s6], $0x1900  }
0xee: {  	[sflag:s6] =	ssyncset.done $0x0  }
0xef: {  	s1 =	sadd.s32 $0x2108, s30;
	[sflag:s6] =	ssyncadd.s32 $0xFFFFE700  }
0xf0: {  	[spmem:s2] =	stream.indirect.scatter.add.f32 [tilespmem:s26], [sflag:$0x9], $0x80, s1, s23, $0xb8;
	[tilespmem:$0x1E140] =	vst v63  }
0xf1: {  	_ =	swait.ge [sflag:s17], $0x1900  }
0xf2: {  	[sflag:s17] =	ssyncset.done $0x0  }
0xf3: {  	s1 =	sadd.s32 $0x2140, s30;
	[sflag:s17] =	ssyncadd.s32 $0xFFFFE700  }
0xf4: {  	[spmem:s2] =	stream.indirect.scatter.add.f32 [tilespmem:s29], [sflag:$0xA], $0x80, s1, s23, $0xb8;
	[tilespmem:$0x1E140] =	vst v63  }
0xf5: {  	_ =	swait.ge [sflag:s7], $0x1900  }
0xf6: {  	[sflag:s7] =	ssyncset.done $0x0  }
0xf7: {  	s1 =	sadd.s32 $0x2178, s30;
	[sflag:s7] =	ssyncadd.s32 $0xFFFFE700  }
0xf8: {  	[spmem:s2] =	stream.indirect.scatter.add.f32 [tilespmem:s31], [sflag:$0xB], $0x80, s1, s23, $0xb8;
	[tilespmem:$0x1E140] =	vst v63  }
0xf9: {  	_ =	swait.ge [sflag:s22], $0x1900  }
0xfa: {  	[sflag:s22] =	ssyncset.done $0x0  }
0xfb: {  	s1 =	sadd.s32 $0x21B0, s30;
	[sflag:s22] =	ssyncadd.s32 $0xFFFFE700  }
0xfc: {  	[spmem:s2] =	stream.indirect.scatter.add.f32 [tilespmem:s0], [sflag:$0xC], $0x80, s1, s23, $0xb8;
	[tilespmem:$0x1E140] =	vst v63  }
0xfd: {  	_ =	swait.ge [sflag:s9], $0x1900  }
0xfe: {  	[sflag:s9] =	ssyncset.done $0x0  }
0xff: {  	s1 =	sadd.s32 $0xC08, s30;
	[sflag:s9] =	ssyncadd.s32 $0xFFFFE700  }
0x100: {  	[tilespmem:s24], [sflag:$0x3] =	stream.indirect.gather [hbm4b:s4+s23], $0x80, s1, s23, $0xb8;
	[tilespmem:$0x1E140] =	vst v63  }
0x101: {  	_ =	swait.ge [sflag:s10], $0x1900  }
0x102: {  	[sflag:s10] =	ssyncset.done $0x0  }
0x103: {  	s1 =	sadd.s32 $0xC40, s30;
	[sflag:s10] =	ssyncadd.s32 $0xFFFFE700  }
0x104: {  	[tilespmem:s26], [sflag:$0x4] =	stream.indirect.gather [hbm4b:s4+s23], $0x80, s1, s23, $0xb8;
	[tilespmem:$0x1E140] =	vst v63  }
0x105: {  	_ =	swait.ge [sflag:s11], $0x1900  }
0x106: {  	[sflag:s11] =	ssyncset.done $0x0  }
0x107: {  	s1 =	sadd.s32 $0xC78, s30;
	[sflag:s11] =	ssyncadd.s32 $0xFFFFE700  }
0x108: {  	[tilespmem:s29], [sflag:$0x5] =	stream.indirect.gather [hbm4b:s4+s23], $0x80, s1, s23, $0xb8;
	[tilespmem:$0x1E140] =	vst v63  }
0x109: {  	_ =	swait.ge [sflag:s25], $0x1900  }
0x10a: {  	[sflag:s25] =	ssyncset.done $0x0  }
.Ltmp1:
0x10b: {  	s1 =	sadd.s32 $0xCB0, s30;
	[sflag:s25] =	ssyncadd.s32 $0xFFFFE700;
	(pc) =	sbr.rel @p0 .LBB2_4-.Ltmp1, $4  }
0x10c: {  	[tilespmem:s31], [sflag:$0x6] =	stream.indirect.gather [hbm4b:s4+s23], $0x80, s1, s23, $0xb8;
	[tilespmem:$0x1E140] =	vst v63  }
0x10d: {  	_ =	swait.ge [sflag:s12], $0x1900  }
0x10e: {  	[sflag:s12] =	ssyncset.done $0x0  }
0x10f: {  	s30 =	sadd.s32 $0xCE8, s30;
	[sflag:s12] =	ssyncadd.s32 $0xFFFFE700  }
0x110: {  	[tilespmem:s0], [sflag:$0x7] =	stream.indirect.gather [hbm4b:s4+s23], $0x80, s30, s23, $0xb8;
	[tilespmem:$0x1E140] =	vst v63  }
0x111: {  	_ =	swait.ge [sflag:s5], $0x1900  }
0x112: {  	[sflag:s5] =	ssyncset.done $0x0  }
0x113: {  	s1 =	simm.s32 $0x2AA8;
	[sflag:s5] =	ssyncadd.s32 $0xFFFFE700  }
0x114: {  	[spmem:s2] =	stream.indirect.scatter.add.f32 [tilespmem:s24], [sflag:$0x8], $0x80, s1, s23, $0xb8;
	[tilespmem:$0x1E140] =	vst v63  }
0x115: {  	_ =	swait.ge [sflag:s6], $0x1900  }
0x116: {  	[sflag:s6] =	ssyncset.done $0x0  }
0x117: {  	s15 =	simm.s32 $0x2AE0;
	[sflag:s6] =	ssyncadd.s32 $0xFFFFE700  }
0x118: {  	[spmem:s2] =	stream.indirect.scatter.add.f32 [tilespmem:s26], [sflag:$0x9], $0x80, s15, s23, $0xb8;
	[tilespmem:$0x1E140] =	vst v63  }
0x119: {  	_ =	swait.ge [sflag:s17], $0x1900  }
0x11a: {  	[sflag:s17] =	ssyncset.done $0x0  }
0x11b: {  	s15 =	simm.s32 $0x2B18;
	[sflag:s17] =	ssyncadd.s32 $0xFFFFE700  }
0x11c: {  	[spmem:s2] =	stream.indirect.scatter.add.f32 [tilespmem:s29], [sflag:$0xA], $0x80, s15, s23, $0xb8;
	[tilespmem:$0x1E140] =	vst v63  }
0x11d: {  	_ =	swait.ge [sflag:s7], $0x1900  }
0x11e: {  	[sflag:s7] =	ssyncset.done $0x0  }
0x11f: {  	[sflag:s7] =	ssyncadd.s32 $0xFFFFE700  }
0x120: {  	[spmem:s2] =	stream.indirect.scatter.add.f32 [tilespmem:s31], [sflag:$0xB], $0x80, s13, s23, $0xb8;
	[tilespmem:$0x1E140] =	vst v63  }
0x121: {  	_ =	swait.ge [sflag:s22], $0x1900  }
0x122: {  	[sflag:s22] =	ssyncset.done $0x0  }
0x123: {  	[sflag:s22] =	ssyncadd.s32 $0xFFFFE700  }
0x124: {  	[spmem:s2] =	stream.indirect.scatter.add.f32 [tilespmem:s0], [sflag:$0xC], $0x80, s28, s23, $0xb8;
	[tilespmem:$0x1E140] =	vst v63  }
0x125: {  	_ =	swait.ge [sflag:s9], $0x1900  }
0x126: {  	[sflag:s9] =	ssyncset.done $0x0  }
0x127: {  	[sflag:s9] =	ssyncadd.s32 $0xFFFFE700  }
0x128: {  	_ =	swait.ge [sflag:s10], $0x1900  }
0x129: {  	[sflag:s10] =	ssyncset.done $0x0  }
0x12a: {  	[sflag:s10] =	ssyncadd.s32 $0xFFFFE700  }
0x12b: {  	_ =	swait.ge [sflag:s11], $0x1900  }
0x12c: {  	[sflag:s11] =	ssyncset.done $0x0  }
0x12d: {  	[sflag:s11] =	ssyncadd.s32 $0xFFFFE700  }
0x12e: {  	_ =	swait.ge [sflag:s25], $0x1900  }
0x12f: {  	[sflag:s25] =	ssyncset.done $0x0  }
0x130: {  	[sflag:s25] =	ssyncadd.s32 $0xFFFFE700  }
0x131: {  	_ =	swait.ge [sflag:s12], $0x1900  }
0x132: {  	[sflag:s12] =	ssyncset.done $0x0  }
0x133: {  	[sflag:s12] =	ssyncadd.s32 $0xFFFFE700  }
0x134: {  	_ =	swait.ge [sflag:s20], $0xAF0  }
0x135: {  	[sflag:s20] =	ssyncset.done $0x0  }
0x136: {  	[sflag:s20] =	ssyncadd.s32 $0xFFFFF510  }
0x137: {  	_ =	swait.ge [sflag:s20], $0xAF0  }
0x138: {  	[sflag:s20] =	ssyncset.done $0x0  }
0x139: {  	s1 =	simm.s32 $0x0;
	s15 =	rddreg [dreg:$0xa];
	[sflag:s20] =	ssyncadd.s32 $0xFFFFF510  }
0x13a: {  	[tilespmem:s21], [sflag:$0x2] =	stream.linear.gather [hbm4b:s15+s1], $0xAF0, $0x38;
	[tilespmem:$0x1E140] =	vst v63  }
0x13b: {  	s30 =	simm.s32 $0x20D0;
	s15 =	rddreg [dreg:$0xb]  }
0x13c: {  	[tilespmem:s30], [sflag:$0x2] =	stream.linear.gather [hbm4b:s15+s1], $0xAF0, $0x38;
	[tilespmem:$0x1E140] =	vst v63  }
0x13d: {  	_ = 	snop  }
0x13e: {  	[tilespmem:s24], [sflag:$0x3] =	stream.indirect.gather [hbm4b:s4+s23], $0x80, s1, s23, $0xb8;
	[tilespmem:$0x1E140] =	vst v63  }
0x13f: {  	s15 =	simm.s32 $0x38  }
0x140: {  	[tilespmem:s26], [sflag:$0x4] =	stream.indirect.gather [hbm4b:s4+s23], $0x80, s15, s23, $0xb8;
	[tilespmem:$0x1E140] =	vst v63  }
0x141: {  	s15 =	simm.s32 $0x70  }
0x142: {  	[tilespmem:s29], [sflag:$0x5] =	stream.indirect.gather [hbm4b:s4+s23], $0x80, s15, s23, $0xb8;
	[tilespmem:$0x1E140] =	vst v63  }
0x143: {  	s15 =	simm.s32 $0xA8  }
0x144: {  	[tilespmem:s31], [sflag:$0x6] =	stream.indirect.gather [hbm4b:s4+s23], $0x80, s15, s23, $0xb8;
	[tilespmem:$0x1E140] =	vst v63  }
0x145: {  	s15 =	simm.s32 $0xE0  }
0x146: {  	[tilespmem:s0], [sflag:$0x7] =	stream.indirect.gather [hbm4b:s4+s23], $0x80, s15, s23, $0xb8;
	[tilespmem:$0x1E140] =	vst v63  }
0x147: {  	_ =	swait.ge [sflag:s5], $0x1900  }
0x148: {  	[sflag:s5] =	ssyncset.done $0x0  }
0x149: {  	s15 =	simm.s32 $0x15E0;
	[sflag:s5] =	ssyncadd.s32 $0xFFFFE700  }
0x14a: {  	[spmem:s2] =	stream.indirect.scatter.add.f32 [tilespmem:s24], [sflag:$0x8], $0x80, s15, s23, $0xb8;
	[tilespmem:$0x1E140] =	vst v63  }
0x14b: {  	_ =	swait.ge [sflag:s6], $0x1900  }
0x14c: {  	[sflag:s6] =	ssyncset.done $0x0  }
0x14d: {  	s15 =	simm.s32 $0x1618;
	[sflag:s6] =	ssyncadd.s32 $0xFFFFE700  }
0x14e: {  	[spmem:s2] =	stream.indirect.scatter.add.f32 [tilespmem:s26], [sflag:$0x9], $0x80, s15, s23, $0xb8;
	[tilespmem:$0x1E140] =	vst v63  }
0x14f: {  	_ =	swait.ge [sflag:s17], $0x1900  }
0x150: {  	[sflag:s17] =	ssyncset.done $0x0  }
0x151: {  	s15 =	simm.s32 $0x1650;
	[sflag:s17] =	ssyncadd.s32 $0xFFFFE700  }
0x152: {  	[spmem:s2] =	stream.indirect.scatter.add.f32 [tilespmem:s29], [sflag:$0xA], $0x80, s15, s23, $0xb8;
	[tilespmem:$0x1E140] =	vst v63  }
0x153: {  	_ =	swait.ge [sflag:s7], $0x1900  }
0x154: {  	[sflag:s7] =	ssyncset.done $0x0  }
0x155: {  	s15 =	simm.s32 $0x1688;
	[sflag:s7] =	ssyncadd.s32 $0xFFFFE700  }
0x156: {  	[spmem:s2] =	stream.indirect.scatter.add.f32 [tilespmem:s31], [sflag:$0xB], $0x80, s15, s23, $0xb8;
	[tilespmem:$0x1E140] =	vst v63  }
0x157: {  	_ =	swait.ge [sflag:s22], $0x1900  }
0x158: {  	[sflag:s22] =	ssyncset.done $0x0  }
0x159: {  	s15 =	simm.s32 $0x16C0;
	[sflag:s22] =	ssyncadd.s32 $0xFFFFE700  }
0x15a: {  	[spmem:s2] =	stream.indirect.scatter.add.f32 [tilespmem:s0], [sflag:$0xC], $0x80, s15, s23, $0xb8;
	[tilespmem:$0x1E140] =	vst v63  }
0x15b: {  	_ =	swait.ge [sflag:s9], $0x1900  }
0x15c: {  	[sflag:s9] =	ssyncset.done $0x0  }
0x15d: {  	s15 =	simm.s32 $0x118;
	[sflag:s9] =	ssyncadd.s32 $0xFFFFE700  }
0x15e: {  	[tilespmem:s24], [sflag:$0x3] =	stream.indirect.gather [hbm4b:s4+s23], $0x80, s15, s23, $0xb8;
	[tilespmem:$0x1E140] =	vst v63  }
0x15f: {  	_ =	swait.ge [sflag:s10], $0x1900  }
0x160: {  	[sflag:s10] =	ssyncset.done $0x0  }
0x161: {  	s15 =	simm.s32 $0x150;
	[sflag:s10] =	ssyncadd.s32 $0xFFFFE700  }
0x162: {  	[tilespmem:s26], [sflag:$0x4] =	stream.indirect.gather [hbm4b:s4+s23], $0x80, s15, s23, $0xb8;
	[tilespmem:$0x1E140] =	vst v63  }
0x163: {  	_ =	swait.ge [sflag:s11], $0x1900  }
0x164: {  	[sflag:s11] =	ssyncset.done $0x0  }
0x165: {  	s15 =	simm.s32 $0x188;
	[sflag:s11] =	ssyncadd.s32 $0xFFFFE700  }
0x166: {  	[tilespmem:s29], [sflag:$0x5] =	stream.indirect.gather [hbm4b:s4+s23], $0x80, s15, s23, $0xb8;
	[tilespmem:$0x1E140] =	vst v63  }
0x167: {  	_ =	swait.ge [sflag:s25], $0x1900  }
0x168: {  	[sflag:s25] =	ssyncset.done $0x0  }
0x169: {  	s15 =	simm.s32 $0x1C0;
	[sflag:s25] =	ssyncadd.s32 $0xFFFFE700  }
0x16a: {  	[tilespmem:s31], [sflag:$0x6] =	stream.indirect.gather [hbm4b:s4+s23], $0x80, s15, s23, $0xb8;
	[tilespmem:$0x1E140] =	vst v63  }
0x16b: {  	_ =	swait.ge [sflag:s12], $0x1900  }
0x16c: {  	[sflag:s12] =	ssyncset.done $0x0  }
0x16d: {  	s30 =	simm.s32 $0x1F8;
	s15 =	simm.s32 $0x460;
	[sflag:s12] =	ssyncadd.s32 $0xFFFFE700  }
.LBB2_6:
0x16e: {  	[tilespmem:s0], [sflag:$0x7] =	stream.indirect.gather [hbm4b:s4+s23], $0x80, s30, s23, $0xb8;
	[tilespmem:$0x1E140] =	vst v63  }
0x16f: {  	s1 =	smov.u32 s15  }
0x170: {  	p0 =	sne.s32 s15, $0x2300;
	s15 =	sadd.s32 $0x460, s15;
	_ =	swait.ge [sflag:s5], $0x1900  }
0x171: {  	s30 =	sshra.s32 s1, $0x2;
	[sflag:s5] =	ssyncset.done $0x0  }
0x172: {  	s1 =	sadd.s32 $0x15E0, s30;
	[sflag:s5] =	ssyncadd.s32 $0xFFFFE700  }
0x173: {  	[spmem:s2] =	stream.indirect.scatter.add.f32 [tilespmem:s24], [sflag:$0x8], $0x80, s1, s23, $0xb8;
	[tilespmem:$0x1E140] =	vst v63  }
0x174: {  	_ =	swait.ge [sflag:s6], $0x1900  }
0x175: {  	[sflag:s6] =	ssyncset.done $0x0  }
0x176: {  	s1 =	sadd.s32 $0x1618, s30;
	[sflag:s6] =	ssyncadd.s32 $0xFFFFE700  }
0x177: {  	[spmem:s2] =	stream.indirect.scatter.add.f32 [tilespmem:s26], [sflag:$0x9], $0x80, s1, s23, $0xb8;
	[tilespmem:$0x1E140] =	vst v63  }
0x178: {  	_ =	swait.ge [sflag:s17], $0x1900  }
0x179: {  	[sflag:s17] =	ssyncset.done $0x0  }
0x17a: {  	s1 =	sadd.s32 $0x1650, s30;
	[sflag:s17] =	ssyncadd.s32 $0xFFFFE700  }
0x17b: {  	[spmem:s2] =	stream.indirect.scatter.add.f32 [tilespmem:s29], [sflag:$0xA], $0x80, s1, s23, $0xb8;
	[tilespmem:$0x1E140] =	vst v63  }
0x17c: {  	_ =	swait.ge [sflag:s7], $0x1900  }
0x17d: {  	[sflag:s7] =	ssyncset.done $0x0  }
0x17e: {  	s1 =	sadd.s32 $0x1688, s30;
	[sflag:s7] =	ssyncadd.s32 $0xFFFFE700  }
0x17f: {  	[spmem:s2] =	stream.indirect.scatter.add.f32 [tilespmem:s31], [sflag:$0xB], $0x80, s1, s23, $0xb8;
	[tilespmem:$0x1E140] =	vst v63  }
0x180: {  	_ =	swait.ge [sflag:s22], $0x1900  }
0x181: {  	[sflag:s22] =	ssyncset.done $0x0  }
0x182: {  	s1 =	sadd.s32 $0x16C0, s30;
	[sflag:s22] =	ssyncadd.s32 $0xFFFFE700  }
0x183: {  	[spmem:s2] =	stream.indirect.scatter.add.f32 [tilespmem:s0], [sflag:$0xC], $0x80, s1, s23, $0xb8;
	[tilespmem:$0x1E140] =	vst v63  }
0x184: {  	_ =	swait.ge [sflag:s9], $0x1900  }
0x185: {  	[sflag:s9] =	ssyncset.done $0x0  }
0x186: {  	s1 =	sadd.s32 $0x118, s30;
	[sflag:s9] =	ssyncadd.s32 $0xFFFFE700  }
0x187: {  	[tilespmem:s24], [sflag:$0x3] =	stream.indirect.gather [hbm4b:s4+s23], $0x80, s1, s23, $0xb8;
	[tilespmem:$0x1E140] =	vst v63  }
0x188: {  	_ =	swait.ge [sflag:s10], $0x1900  }
0x189: {  	[sflag:s10] =	ssyncset.done $0x0  }
0x18a: {  	s1 =	sadd.s32 $0x150, s30;
	[sflag:s10] =	ssyncadd.s32 $0xFFFFE700  }
0x18b: {  	[tilespmem:s26], [sflag:$0x4] =	stream.indirect.gather [hbm4b:s4+s23], $0x80, s1, s23, $0xb8;
	[tilespmem:$0x1E140] =	vst v63  }
0x18c: {  	_ =	swait.ge [sflag:s11], $0x1900  }
0x18d: {  	[sflag:s11] =	ssyncset.done $0x0  }
0x18e: {  	s1 =	sadd.s32 $0x188, s30;
	[sflag:s11] =	ssyncadd.s32 $0xFFFFE700  }
0x18f: {  	[tilespmem:s29], [sflag:$0x5] =	stream.indirect.gather [hbm4b:s4+s23], $0x80, s1, s23, $0xb8;
	[tilespmem:$0x1E140] =	vst v63  }
0x190: {  	_ =	swait.ge [sflag:s25], $0x1900  }
0x191: {  	[sflag:s25] =	ssyncset.done $0x0  }
.Ltmp2:
0x192: {  	s1 =	sadd.s32 $0x1C0, s30;
	[sflag:s25] =	ssyncadd.s32 $0xFFFFE700;
	(pc) =	sbr.rel @p0 .LBB2_6-.Ltmp2, $4  }
0x193: {  	[tilespmem:s31], [sflag:$0x6] =	stream.indirect.gather [hbm4b:s4+s23], $0x80, s1, s23, $0xb8;
	[tilespmem:$0x1E140] =	vst v63  }
0x194: {  	_ =	swait.ge [sflag:s12], $0x1900  }
0x195: {  	[sflag:s12] =	ssyncset.done $0x0  }
0x196: {  	s30 =	sadd.s32 $0x1F8, s30;
	[sflag:s12] =	ssyncadd.s32 $0xFFFFE700  }
0x197: {  	[tilespmem:s0], [sflag:$0x7] =	stream.indirect.gather [hbm4b:s4+s23], $0x80, s30, s23, $0xb8;
	[tilespmem:$0x1E140] =	vst v63  }
0x198: {  	_ =	swait.ge [sflag:s5], $0x1900  }
0x199: {  	[sflag:s5] =	ssyncset.done $0x0  }
0x19a: {  	s1 =	simm.s32 $0x1FB8;
	[sflag:s5] =	ssyncadd.s32 $0xFFFFE700  }
0x19b: {  	[spmem:s2] =	stream.indirect.scatter.add.f32 [tilespmem:s24], [sflag:$0x8], $0x80, s1, s23, $0xb8;
	[tilespmem:$0x1E140] =	vst v63  }
0x19c: {  	_ =	swait.ge [sflag:s6], $0x1900  }
0x19d: {  	[sflag:s6] =	ssyncset.done $0x0  }
0x19e: {  	s15 =	simm.s32 $0x1FF0;
	[sflag:s6] =	ssyncadd.s32 $0xFFFFE700  }
0x19f: {  	[spmem:s2] =	stream.indirect.scatter.add.f32 [tilespmem:s26], [sflag:$0x9], $0x80, s15, s23, $0xb8;
	[tilespmem:$0x1E140] =	vst v63  }
0x1a0: {  	_ =	swait.ge [sflag:s17], $0x1900  }
0x1a1: {  	[sflag:s17] =	ssyncset.done $0x0  }
0x1a2: {  	s15 =	simm.s32 $0x2028;
	[sflag:s17] =	ssyncadd.s32 $0xFFFFE700  }
0x1a3: {  	[spmem:s2] =	stream.indirect.scatter.add.f32 [tilespmem:s29], [sflag:$0xA], $0x80, s15, s23, $0xb8;
	[tilespmem:$0x1E140] =	vst v63  }
0x1a4: {  	_ =	swait.ge [sflag:s7], $0x1900  }
0x1a5: {  	[sflag:s7] =	ssyncset.done $0x0  }
0x1a6: {  	s15 =	simm.s32 $0x2060;
	[sflag:s7] =	ssyncadd.s32 $0xFFFFE700  }
0x1a7: {  	[spmem:s2] =	stream.indirect.scatter.add.f32 [tilespmem:s31], [sflag:$0xB], $0x80, s15, s23, $0xb8;
	[tilespmem:$0x1E140] =	vst v63  }
0x1a8: {  	_ =	swait.ge [sflag:s22], $0x1900  }
0x1a9: {  	[sflag:s22] =	ssyncset.done $0x0  }
0x1aa: {  	s15 =	simm.s32 $0x2098;
	[sflag:s22] =	ssyncadd.s32 $0xFFFFE700  }
0x1ab: {  	[spmem:s2] =	stream.indirect.scatter.add.f32 [tilespmem:s0], [sflag:$0xC], $0x80, s15, s23, $0xb8;
	[tilespmem:$0x1E140] =	vst v63  }
0x1ac: {  	_ =	swait.ge [sflag:s9], $0x1900  }
0x1ad: {  	[sflag:s9] =	ssyncset.done $0x0  }
0x1ae: {  	[sflag:s9] =	ssyncadd.s32 $0xFFFFE700  }
0x1af: {  	_ =	swait.ge [sflag:s10], $0x1900  }
0x1b0: {  	[sflag:s10] =	ssyncset.done $0x0  }
0x1b1: {  	[sflag:s10] =	ssyncadd.s32 $0xFFFFE700  }
0x1b2: {  	_ =	swait.ge [sflag:s11], $0x1900  }
0x1b3: {  	[sflag:s11] =	ssyncset.done $0x0  }
0x1b4: {  	[sflag:s11] =	ssyncadd.s32 $0xFFFFE700  }
0x1b5: {  	_ =	swait.ge [sflag:s25], $0x1900  }
0x1b6: {  	[sflag:s25] =	ssyncset.done $0x0  }
0x1b7: {  	[sflag:s25] =	ssyncadd.s32 $0xFFFFE700  }
0x1b8: {  	_ =	swait.ge [sflag:s12], $0x1900  }
0x1b9: {  	[sflag:s12] =	ssyncset.done $0x0  }
0x1ba: {  	[sflag:s12] =	ssyncadd.s32 $0xFFFFE700  }
0x1bb: {  	_ =	swait.ge [sflag:s16], $0xAF0  }
0x1bc: {  	[sflag:s16] =	ssyncset.done $0x0  }
0x1bd: {  	[sflag:s16] =	ssyncadd.s32 $0xFFFFF510  }
0x1be: {  	_ =	swait.ge [sflag:s16], $0xAF0  }
0x1bf: {  	[sflag:s16] =	ssyncset.done $0x0  }
0x1c0: {  	[sflag:s16] =	ssyncadd.s32 $0xFFFFF510  }
0x1c1: {  	[tilespmem:s24], [sflag:$0x3] =	stream.indirect.gather [hbm4b:s4+s23], $0x80, s21, s23, $0xb8;
	[tilespmem:$0x1E140] =	vst v63  }
0x1c2: {  	s15 =	simm.s32 $0xB28  }
0x1c3: {  	[tilespmem:s26], [sflag:$0x4] =	stream.indirect.gather [hbm4b:s4+s23], $0x80, s15, s23, $0xb8;
	[tilespmem:$0x1E140] =	vst v63  }
0x1c4: {  	s15 =	simm.s32 $0xB60  }
0x1c5: {  	[tilespmem:s29], [sflag:$0x5] =	stream.indirect.gather [hbm4b:s4+s23], $0x80, s15, s23, $0xb8;
	[tilespmem:$0x1E140] =	vst v63  }
0x1c6: {  	s15 =	simm.s32 $0xB98  }
0x1c7: {  	[tilespmem:s31], [sflag:$0x6] =	stream.indirect.gather [hbm4b:s4+s23], $0x80, s15, s23, $0xb8;
	[tilespmem:$0x1E140] =	vst v63  }
0x1c8: {  	s15 =	simm.s32 $0xBD0  }
0x1c9: {  	[tilespmem:s0], [sflag:$0x7] =	stream.indirect.gather [hbm4b:s4+s23], $0x80, s15, s23, $0xb8;
	[tilespmem:$0x1E140] =	vst v63  }
0x1ca: {  	_ =	swait.ge [sflag:s5], $0x1900  }
0x1cb: {  	[sflag:s5] =	ssyncset.done $0x0  }
0x1cc: {  	s15 =	simm.s32 $0x20D0;
	[sflag:s5] =	ssyncadd.s32 $0xFFFFE700  }
0x1cd: {  	[spmem:s2] =	stream.indirect.scatter.add.f32 [tilespmem:s24], [sflag:$0x8], $0x80, s15, s23, $0xb8;
	[tilespmem:$0x1E140] =	vst v63  }
0x1ce: {  	_ =	swait.ge [sflag:s6], $0x1900  }
0x1cf: {  	[sflag:s6] =	ssyncset.done $0x0  }
0x1d0: {  	s15 =	simm.s32 $0x2108;
	[sflag:s6] =	ssyncadd.s32 $0xFFFFE700  }
0x1d1: {  	[spmem:s2] =	stream.indirect.scatter.add.f32 [tilespmem:s26], [sflag:$0x9], $0x80, s15, s23, $0xb8;
	[tilespmem:$0x1E140] =	vst v63  }
0x1d2: {  	_ =	swait.ge [sflag:s17], $0x1900  }
0x1d3: {  	[sflag:s17] =	ssyncset.done $0x0  }
0x1d4: {  	s15 =	simm.s32 $0x2140;
	[sflag:s17] =	ssyncadd.s32 $0xFFFFE700  }
0x1d5: {  	[spmem:s2] =	stream.indirect.scatter.add.f32 [tilespmem:s29], [sflag:$0xA], $0x80, s15, s23, $0xb8;
	[tilespmem:$0x1E140] =	vst v63  }
0x1d6: {  	_ =	swait.ge [sflag:s7], $0x1900  }
0x1d7: {  	[sflag:s7] =	ssyncset.done $0x0  }
0x1d8: {  	s15 =	simm.s32 $0x2178;
	[sflag:s7] =	ssyncadd.s32 $0xFFFFE700  }
0x1d9: {  	[spmem:s2] =	stream.indirect.scatter.add.f32 [tilespmem:s31], [sflag:$0xB], $0x80, s15, s23, $0xb8;
	[tilespmem:$0x1E140] =	vst v63  }
0x1da: {  	_ =	swait.ge [sflag:s22], $0x1900  }
0x1db: {  	[sflag:s22] =	ssyncset.done $0x0  }
0x1dc: {  	s15 =	simm.s32 $0x21B0;
	[sflag:s22] =	ssyncadd.s32 $0xFFFFE700  }
0x1dd: {  	[spmem:s2] =	stream.indirect.scatter.add.f32 [tilespmem:s0], [sflag:$0xC], $0x80, s15, s23, $0xb8;
	[tilespmem:$0x1E140] =	vst v63  }
0x1de: {  	_ =	swait.ge [sflag:s9], $0x1900  }
0x1df: {  	[sflag:s9] =	ssyncset.done $0x0  }
0x1e0: {  	s15 =	simm.s32 $0xC08;
	[sflag:s9] =	ssyncadd.s32 $0xFFFFE700  }
0x1e1: {  	[tilespmem:s24], [sflag:$0x3] =	stream.indirect.gather [hbm4b:s4+s23], $0x80, s15, s23, $0xb8;
	[tilespmem:$0x1E140] =	vst v63  }
0x1e2: {  	_ =	swait.ge [sflag:s10], $0x1900  }
0x1e3: {  	[sflag:s10] =	ssyncset.done $0x0  }
0x1e4: {  	s15 =	simm.s32 $0xC40;
	[sflag:s10] =	ssyncadd.s32 $0xFFFFE700  }
0x1e5: {  	[tilespmem:s26], [sflag:$0x4] =	stream.indirect.gather [hbm4b:s4+s23], $0x80, s15, s23, $0xb8;
	[tilespmem:$0x1E140] =	vst v63  }
0x1e6: {  	_ =	swait.ge [sflag:s11], $0x1900  }
0x1e7: {  	[sflag:s11] =	ssyncset.done $0x0  }
0x1e8: {  	s15 =	simm.s32 $0xC78;
	[sflag:s11] =	ssyncadd.s32 $0xFFFFE700  }
0x1e9: {  	[tilespmem:s29], [sflag:$0x5] =	stream.indirect.gather [hbm4b:s4+s23], $0x80, s15, s23, $0xb8;
	[tilespmem:$0x1E140] =	vst v63  }
0x1ea: {  	_ =	swait.ge [sflag:s25], $0x1900  }
0x1eb: {  	[sflag:s25] =	ssyncset.done $0x0  }
0x1ec: {  	s15 =	simm.s32 $0xCB0;
	[sflag:s25] =	ssyncadd.s32 $0xFFFFE700  }
0x1ed: {  	[tilespmem:s31], [sflag:$0x6] =	stream.indirect.gather [hbm4b:s4+s23], $0x80, s15, s23, $0xb8;
	[tilespmem:$0x1E140] =	vst v63  }
0x1ee: {  	_ =	swait.ge [sflag:s12], $0x1900  }
0x1ef: {  	[sflag:s12] =	ssyncset.done $0x0  }
0x1f0: {  	s30 =	simm.s32 $0xCE8;
	s15 =	simm.s32 $0x460;
	[sflag:s12] =	ssyncadd.s32 $0xFFFFE700  }
.LBB2_8:
0x1f1: {  	[tilespmem:s0], [sflag:$0x7] =	stream.indirect.gather [hbm4b:s4+s23], $0x80, s30, s23, $0xb8;
	[tilespmem:$0x1E140] =	vst v63  }
0x1f2: {  	s1 =	smov.u32 s15  }
0x1f3: {  	p0 =	sne.s32 s15, $0x2300;
	s15 =	sadd.s32 $0x460, s15;
	_ =	swait.ge [sflag:s5], $0x1900  }
0x1f4: {  	s30 =	sshra.s32 s1, $0x2;
	[sflag:s5] =	ssyncset.done $0x0  }
0x1f5: {  	s1 =	sadd.s32 $0x20D0, s30;
	[sflag:s5] =	ssyncadd.s32 $0xFFFFE700  }
0x1f6: {  	[spmem:s2] =	stream.indirect.scatter.add.f32 [tilespmem:s24], [sflag:$0x8], $0x80, s1, s23, $0xb8;
	[tilespmem:$0x1E140] =	vst v63  }
0x1f7: {  	_ =	swait.ge [sflag:s6], $0x1900  }
0x1f8: {  	[sflag:s6] =	ssyncset.done $0x0  }
0x1f9: {  	s1 =	sadd.s32 $0x2108, s30;
	[sflag:s6] =	ssyncadd.s32 $0xFFFFE700  }
0x1fa: {  	[spmem:s2] =	stream.indirect.scatter.add.f32 [tilespmem:s26], [sflag:$0x9], $0x80, s1, s23, $0xb8;
	[tilespmem:$0x1E140] =	vst v63  }
0x1fb: {  	_ =	swait.ge [sflag:s17], $0x1900  }
0x1fc: {  	[sflag:s17] =	ssyncset.done $0x0  }
0x1fd: {  	s1 =	sadd.s32 $0x2140, s30;
	[sflag:s17] =	ssyncadd.s32 $0xFFFFE700  }
0x1fe: {  	[spmem:s2] =	stream.indirect.scatter.add.f32 [tilespmem:s29], [sflag:$0xA], $0x80, s1, s23, $0xb8;
	[tilespmem:$0x1E140] =	vst v63  }
0x1ff: {  	_ =	swait.ge [sflag:s7], $0x1900  }
0x200: {  	[sflag:s7] =	ssyncset.done $0x0  }
0x201: {  	s1 =	sadd.s32 $0x2178, s30;
	[sflag:s7] =	ssyncadd.s32 $0xFFFFE700  }
0x202: {  	[spmem:s2] =	stream.indirect.scatter.add.f32 [tilespmem:s31], [sflag:$0xB], $0x80, s1, s23, $0xb8;
	[tilespmem:$0x1E140] =	vst v63  }
0x203: {  	_ =	swait.ge [sflag:s22], $0x1900  }
0x204: {  	[sflag:s22] =	ssyncset.done $0x0  }
0x205: {  	s1 =	sadd.s32 $0x21B0, s30;
	[sflag:s22] =	ssyncadd.s32 $0xFFFFE700  }
0x206: {  	[spmem:s2] =	stream.indirect.scatter.add.f32 [tilespmem:s0], [sflag:$0xC], $0x80, s1, s23, $0xb8;
	[tilespmem:$0x1E140] =	vst v63  }
0x207: {  	_ =	swait.ge [sflag:s9], $0x1900  }
0x208: {  	[sflag:s9] =	ssyncset.done $0x0  }
0x209: {  	s1 =	sadd.s32 $0xC08, s30;
	[sflag:s9] =	ssyncadd.s32 $0xFFFFE700  }
0x20a: {  	[tilespmem:s24], [sflag:$0x3] =	stream.indirect.gather [hbm4b:s4+s23], $0x80, s1, s23, $0xb8;
	[tilespmem:$0x1E140] =	vst v63  }
0x20b: {  	_ =	swait.ge [sflag:s10], $0x1900  }
0x20c: {  	[sflag:s10] =	ssyncset.done $0x0  }
0x20d: {  	s1 =	sadd.s32 $0xC40, s30;
	[sflag:s10] =	ssyncadd.s32 $0xFFFFE700  }
0x20e: {  	[tilespmem:s26], [sflag:$0x4] =	stream.indirect.gather [hbm4b:s4+s23], $0x80, s1, s23, $0xb8;
	[tilespmem:$0x1E140] =	vst v63  }
0x20f: {  	_ =	swait.ge [sflag:s11], $0x1900  }
0x210: {  	[sflag:s11] =	ssyncset.done $0x0  }
0x211: {  	s1 =	sadd.s32 $0xC78, s30;
	[sflag:s11] =	ssyncadd.s32 $0xFFFFE700  }
0x212: {  	[tilespmem:s29], [sflag:$0x5] =	stream.indirect.gather [hbm4b:s4+s23], $0x80, s1, s23, $0xb8;
	[tilespmem:$0x1E140] =	vst v63  }
0x213: {  	_ =	swait.ge [sflag:s25], $0x1900  }
0x214: {  	[sflag:s25] =	ssyncset.done $0x0  }
.Ltmp3:
0x215: {  	s1 =	sadd.s32 $0xCB0, s30;
	[sflag:s25] =	ssyncadd.s32 $0xFFFFE700;
	(pc) =	sbr.rel @p0 .LBB2_8-.Ltmp3, $4  }
0x216: {  	[tilespmem:s31], [sflag:$0x6] =	stream.indirect.gather [hbm4b:s4+s23], $0x80, s1, s23, $0xb8;
	[tilespmem:$0x1E140] =	vst v63  }
0x217: {  	_ =	swait.ge [sflag:s12], $0x1900  }
0x218: {  	[sflag:s12] =	ssyncset.done $0x0  }
0x219: {  	s30 =	sadd.s32 $0xCE8, s30;
	[sflag:s12] =	ssyncadd.s32 $0xFFFFE700  }
0x21a: {  	[tilespmem:s0], [sflag:$0x7] =	stream.indirect.gather [hbm4b:s4+s23], $0x80, s30, s23, $0xb8;
	[tilespmem:$0x1E140] =	vst v63  }
0x21b: {  	_ =	swait.ge [sflag:s5], $0x1900  }
0x21c: {  	[sflag:s5] =	ssyncset.done $0x0  }
0x21d: {  	s1 =	simm.s32 $0x2AA8;
	[sflag:s5] =	ssyncadd.s32 $0xFFFFE700  }
0x21e: {  	[spmem:s2] =	stream.indirect.scatter.add.f32 [tilespmem:s24], [sflag:$0x8], $0x80, s1, s23, $0xb8;
	[tilespmem:$0x1E140] =	vst v63  }
0x21f: {  	_ =	swait.ge [sflag:s6], $0x1900  }
0x220: {  	[sflag:s6] =	ssyncset.done $0x0  }
0x221: {  	s15 =	simm.s32 $0x2AE0;
	[sflag:s6] =	ssyncadd.s32 $0xFFFFE700  }
0x222: {  	[spmem:s2] =	stream.indirect.scatter.add.f32 [tilespmem:s26], [sflag:$0x9], $0x80, s15, s23, $0xb8;
	[tilespmem:$0x1E140] =	vst v63  }
0x223: {  	_ =	swait.ge [sflag:s17], $0x1900  }
0x224: {  	[sflag:s17] =	ssyncset.done $0x0  }
0x225: {  	s30 =	simm.s32 $0x2B18;
	[sflag:s17] =	ssyncadd.s32 $0xFFFFE700  }
0x226: {  	[spmem:s2] =	stream.indirect.scatter.add.f32 [tilespmem:s29], [sflag:$0xA], $0x80, s30, s23, $0xb8;
	[tilespmem:$0x1E140] =	vst v63  }
0x227: {  	_ =	swait.ge [sflag:s7], $0x1900  }
0x228: {  	[sflag:s7] =	ssyncset.done $0x0  }
0x229: {  	[sflag:s7] =	ssyncadd.s32 $0xFFFFE700  }
0x22a: {  	[spmem:s2] =	stream.indirect.scatter.add.f32 [tilespmem:s31], [sflag:$0xB], $0x80, s13, s23, $0xb8;
	[tilespmem:$0x1E140] =	vst v63  }
0x22b: {  	_ =	swait.ge [sflag:s22], $0x1900  }
0x22c: {  	[sflag:s22] =	ssyncset.done $0x0  }
0x22d: {  	[sflag:s22] =	ssyncadd.s32 $0xFFFFE700  }
0x22e: {  	[spmem:s2] =	stream.indirect.scatter.add.f32 [tilespmem:s0], [sflag:$0xC], $0x80, s28, s23, $0xb8;
	[tilespmem:$0x1E140] =	vst v63  }
0x22f: {  	_ =	swait.ge [sflag:s9], $0x1900  }
0x230: {  	[sflag:s9] =	ssyncset.done $0x0  }
0x231: {  	[sflag:s9] =	ssyncadd.s32 $0xFFFFE700  }
0x232: {  	_ =	swait.ge [sflag:s10], $0x1900  }
0x233: {  	[sflag:s10] =	ssyncset.done $0x0  }
0x234: {  	[sflag:s10] =	ssyncadd.s32 $0xFFFFE700  }
0x235: {  	_ =	swait.ge [sflag:s11], $0x1900  }
0x236: {  	[sflag:s11] =	ssyncset.done $0x0  }
0x237: {  	[sflag:s11] =	ssyncadd.s32 $0xFFFFE700  }
0x238: {  	_ =	swait.ge [sflag:s25], $0x1900  }
0x239: {  	[sflag:s25] =	ssyncset.done $0x0  }
0x23a: {  	[sflag:s25] =	ssyncadd.s32 $0xFFFFE700  }
0x23b: {  	_ =	swait.ge [sflag:s12], $0x1900  }
0x23c: {  	[sflag:s12] =	ssyncset.done $0x0  }
0x23d: {  	[sflag:s12] =	ssyncadd.s32 $0xFFFFE700  }
0x23e: {  	[bflag:$0x0] =	sbarrier.arrive $0xFFFF  }
0x23f: {  	s15 =	rddreg [dreg:$0xc]  }
0x240: {  	[hbm:s15], [sflag:s8] =	dma.local [spmem:s18], $0x2710  }
0x241: {  	_ =	swait.ge [sflag:s19], $0x2710  }
0x242: {  	s14 =	sadd.s32 $0x1, s14;
	s30 =	rddreg [dreg:$0xd]  }
0x243: {  	p0 =	sne.s32 s14, s30  }
.Ltmp4:
0x244: {  	_ = 	snop;
	(pc) =	sbr.rel @p0 .LBB2_1-.Ltmp4, $3  }
0x245: {  	_ =	sdelay $0x1  }
0x246: {  	[sflag:s19] =	ssyncset.done $0x0  }
0x247: {  	[sflag:s19] =	ssyncadd.s32 $0xFFFFD8F0  }
0x248: {  	_ =	sfence.sel $0x180000  }
0x249: {  	[bflag:$0x0] =	sbarrier.arrive $0xFFFF  }
0x24a: {  	_ =	strace $0x9000004A  }
0x24b: {  	s0 =	stileid.u32;
	[bflag:$0x2] =	sbarrier.arrive $0xFFFF  }
0x24c: {  	p0 =	sne.s32 s0, $0x0;
	s0 =	rddreg [dreg:$0x2]  }
0x24d: {  	s0 =	sadd.s32 @!p0 $0x100000, s0  }
0x24e: {  	[sflag:s0] =	ssyncadd.tile.s32 @!p0 $0x1;
	_ =	shalt  }
.Lfunc_end2:
_tile_overlayer_lowered:
.L_overlay_start_2:
0x24f: {  	(tag) =	ssettag $0x2  }
0x250: {  	s0 =	rddreg [dreg:$0x0];
	s2 =	stileid.u32  }
0x251: {  	s1 =	rddreg [dreg:$0x1];
	p0 =	sne.s32 s2, $0x0  }
0x252: {  	s3 =	rddreg [dreg:$0x2];
	[bflag:$0x3] =	sbarrier.arrive $0xFFFF;
	s2 =	simm.s32 @!p0 $0x1C0D  }
0x253: {  	[timem:s3], [sflag:s2] =	dma.local @!p0 [hbm:s0], s1  }
0x254: {  	s0 =	simm.s32 @!p0 $0xD  }
0x255: {  	_ =	swait.ge @!p0 [sflag:s0], s1  }
0x256: {  	s1 =	ssub.s32 @!p0 $0x0, s1;
	[sflag:s0] =	ssyncset.done @!p0 $0x0  }
0x257: {  	[sflag:s0] =	ssyncadd.s32 @!p0 s1  }
0x258: {  	[bflag:$0x3] =	sbarrier.arrive $0xFFFF  }
0x259: {  	_ =	shalt  }

// kernel: kernel.14.cloned.1.call-start
scs
__scs_entry_jumppad:
0x0: {  	(pc) =	sbr.rel $0x88, $3  }
0x1: {  	(tag) =	ssettag $0x0;
	lr =	simm.s32 $0x1  }
0x2: {  	[smem:$0x3F9B] =	sst lr;
	_ =	strace $0xD0000000  }
0x3: {  	_ = 	snop  }
0x4: {  	_ = 	snop  }
0x5: {  	_ = 	snop  }
0x6: {  	_ = 	snop  }
0x7: {  	_ = 	snop  }
__scs_overlays_trampoline_lowered:
0x8: {  	[smem:$0x3FAA] =	sst s0  }
0x9: {  	[smem:$0x3FAB] =	sst s1  }
0xa: {  	[smem:$0x3FAC] =	sst s2  }
0xb: {  	[smem:$0x3FAD] =	sst s3  }
0xc: {  	[smem:$0x3FAE] =	sst s4  }
0xd: {  	[smem:$0x3FAF] =	sst s5  }
0xe: {  	[smem:$0x3FB0] =	sst s6  }
0xf: {  	[smem:$0x3FB1] =	sst s7  }
0x10: {  	[smem:$0x3FB2] =	sst s8  }
0x11: {  	[smem:$0x3FB3] =	sst s9;
	s0 =	simm.s32 @!p0 $0x0  }
0x12: {  	s1 =	sld [smem:$0x3F99];
	s0 =	simm.s32 @p0 $0x1  }
0x13: {  	[smem:$0x3FB4] =	sst s0;
	s0 =	simm.s32 @!p1 $0x0  }
0x14: {  	s2 =	sld [smem:$0x3F98];
	s0 =	simm.s32 @p1 $0x1  }
0x15: {  	[smem:$0x3FB5] =	sst s0;
	s0 =	simm.s32 @!p2 $0x0  }
0x16: {  	s3 =	sld [smem:$0x3FDB];
	s0 =	simm.s32 @p2 $0x1  }
0x17: {  	s4 =	simm.s32 $0x1BF5;
	[smem:$0x3FB7] =	sst s0  }
0x18: {  	s0 =	sld [smem:$0x3F9A];
	_ =	swait.ge [sflag:s4], $0x0  }
0x19: {  	s7 =	sld [smem:$0x3F9B]  }
0x1a: {  	s8 =	sadd.s32 $0xFFFFE003, lr  }
0x1b: {  	s9 =	sadd.s32 $0xFFFFFEF7, lr;
	s5 =	simm.s32 $0xFFFFFFFF;
	p2 =	slt.u32 s8, $0xFFFFF086  }
0x1c: {  	p1 =	slt.u32 s9, $0xF7A;
	s5 =	simm.s32 @!p2 $0x0  }
0x1d: {  	s5 =	simm.s32 @p1 $0x1;
	p0 =	seq.s32 s7, s2  }
0x1e: {  	s7 =	smul.u32 @!p0 $0xF7A, s2;
	p2 =	seq.s32 @!p0 s5, $0x0  }
0x1f: {  	s9 =	smul.u32 $0xF7A, s1;
	s8 =	simm.s32 @!p0 $0x1BF5;
	p2 =	por !p2, p0  }
0x20: {  	[sflag:s8] =	ssyncset.s32 @!p0 $0xFFFFF086;
	s6 =	sadd.s32 @!p0 s3, s7;
	s7 =	simm.s32 @!p0 $0x108  }
0x21: {  	s3 =	sadd.s32 s3, s9;
	s6 =	sadd.s32 @!p0 $0x88, s6;
	s7 =	simm.s32 @p2 $0x1082  }
0x22: {  	[simem:s7], [sflag:s8] =	dma.local @!p0 [hbm:s6], $0xF7A  }
0x23: {  	s9 =	sor.u32 $0xD0000000, s2;
	s6 =	simm.s32 $0x108;
	_ =	swait.ge @!p0 [sflag:s8], $0x0  }
0x24: {  	s3 =	sadd.s32 $0x88, s3;
	s6 =	simm.s32 @!p1 $0x1082;
	[sflag:s4] =	ssyncset.s32 $0xFFFFF086  }
0x25: {  	[simem:s6], [sflag:s4] =	dma.local [hbm:s3], $0xF7A  }
0x26: {  	[smem:$0x3F9B] =	sst s1;
	(tag) =	ssettag s2;
	_ =	strace s9  }
0x27: {  	s1 =	sld [smem:$0x3FAB]  }
0x28: {  	s2 =	sld [smem:$0x3FAC]  }
0x29: {  	s4 =	sld [smem:$0x3FAE]  }
0x2a: {  	p0 =	seq.s32 s5, $0x0;
	s5 =	sld [smem:$0x3FAF]  }
0x2b: {  	s6 =	sld [smem:$0x3FB0]  }
0x2c: {  	s7 =	sld [smem:$0x3FB1]  }
0x2d: {  	s3 =	simm.s32 $0x108;
	s8 =	sld [smem:$0x3FB2]  }
0x2e: {  	s3 =	simm.s32 @!p0 $0x1082;
	s9 =	sld [smem:$0x3FB3]  }
0x2f: {  	lr =	sadd.s32 s0, s3;
	s0 =	sld [smem:$0x3FAA]  }
0x30: {  	s3 =	sld [smem:$0x3FAD]  }
0x31: {  	[smem:$0x3FB6] =	sst s10  }
0x32: {  	s10 =	sld [smem:$0x3FB4];
	_ =	sdelay $0x3  }
0x33: {  	p0 =	seq.s32 s10, $0x1;
	s10 =	sld [smem:$0x3FB6];
	_ =	sdelay $0x3  }
0x34: {  	[smem:$0x3FB6] =	sst s10  }
0x35: {  	s10 =	sld [smem:$0x3FB5];
	_ =	sdelay $0x3  }
0x36: {  	p1 =	seq.s32 s10, $0x1;
	s10 =	sld [smem:$0x3FB6];
	_ =	sdelay $0x3  }
0x37: {  	[smem:$0x3FB6] =	sst s10  }
0x38: {  	s10 =	sld [smem:$0x3FB7]  }
0x39: {  	_ = 	snop;
	(pc) =	sbr.ind lr, $3  }
0x3a: {  	_ = 	snop  }
0x3b: {  	_ = 	snop  }
0x3c: {  	p2 =	seq.s32 s10, $0x1;
	s10 =	sld [smem:$0x3FB6]  }
0x3d: {  	_ =	shalt  }
0x3e: {  	_ =	shalt  }
0x3f: {  	_ =	shalt  }
0x40: {  	_ =	shalt  }
0x41: {  	_ =	shalt  }
0x42: {  	_ =	shalt  }
0x43: {  	_ =	shalt  }
0x44: {  	_ =	shalt  }
0x45: {  	_ =	shalt  }
0x46: {  	_ =	shalt  }
0x47: {  	_ =	shalt  }
0x48: {  	_ =	shalt  }
0x49: {  	_ =	shalt  }
0x4a: {  	_ =	shalt  }
0x4b: {  	_ =	shalt  }
0x4c: {  	_ =	shalt  }
0x4d: {  	_ =	shalt  }
0x4e: {  	_ =	shalt  }
0x4f: {  	_ =	shalt  }
0x50: {  	_ =	shalt  }
0x51: {  	_ =	shalt  }
0x52: {  	_ =	shalt  }
0x53: {  	_ =	shalt  }
0x54: {  	_ =	shalt  }
0x55: {  	_ =	shalt  }
0x56: {  	_ =	shalt  }
0x57: {  	_ =	shalt  }
0x58: {  	_ =	shalt  }
0x59: {  	_ =	shalt  }
0x5a: {  	_ =	shalt  }
0x5b: {  	_ =	shalt  }
0x5c: {  	_ =	shalt  }
0x5d: {  	_ =	shalt  }
0x5e: {  	_ =	shalt  }
0x5f: {  	_ =	shalt  }
0x60: {  	_ =	shalt  }
0x61: {  	_ =	shalt  }
0x62: {  	_ =	shalt  }
0x63: {  	_ =	shalt  }
0x64: {  	_ =	shalt  }
0x65: {  	_ =	shalt  }
0x66: {  	_ =	shalt  }
0x67: {  	_ =	shalt  }
0x68: {  	_ =	shalt  }
0x69: {  	_ =	shalt  }
0x6a: {  	_ =	shalt  }
0x6b: {  	_ =	shalt  }
0x6c: {  	_ =	shalt  }
0x6d: {  	_ =	shalt  }
0x6e: {  	_ =	shalt  }
0x6f: {  	_ =	shalt  }
0x70: {  	_ =	shalt  }
0x71: {  	_ =	shalt  }
0x72: {  	_ =	shalt  }
0x73: {  	_ =	shalt  }
0x74: {  	_ =	shalt  }
0x75: {  	_ =	shalt  }
0x76: {  	_ =	shalt  }
0x77: {  	_ =	shalt  }
0x78: {  	_ =	shalt  }
0x79: {  	_ =	shalt  }
0x7a: {  	_ =	shalt  }
0x7b: {  	_ =	shalt  }
0x7c: {  	_ =	shalt  }
0x7d: {  	_ =	shalt  }
0x7e: {  	_ =	shalt  }
0x7f: {  	_ =	shalt  }
0x80: {  	_ =	shalt  }
0x81: {  	_ =	shalt  }
0x82: {  	_ =	shalt  }
0x83: {  	_ =	shalt  }
0x84: {  	_ =	shalt  }
0x85: {  	_ =	shalt  }
0x86: {  	_ =	shalt  }
0x87: {  	_ =	shalt  }
.Lfunc_end0:
.L_simem_size_0:
called_computation.2_lowered:
.L_overlay_start_0:
0x88: {  	s2 =	sld [smem:$0x3FD9]  }
0x89: {  	s3 =	sld [smem:$0x3FFE];
	_ =	sdelay $0x1  }
0x8a: {  	s1 =	srdreg.scid  }
0x8b: {  	s0 =	sand.u32 $0x1, s1  }
0x8c: {  	s16 =	sshll.u32 s0, $0xA;
	s2 =	sadd.s32 s3, s2  }
0x8d: {  	s2 =	sadd.s32 s2, s16  }
0x8e: {  	[smem:$0x3FC2] =	sst s2  }
0x8f: {  	_ = 	snop  }
0x90: {  	(tm) =	ssettm $0x1  }
0x91: {  	s17 =	sld [smem:$0x3FFB];
	_ =	sdelay $0x3  }
0x92: {  	_ =	strace s17  }
0x93: {  	s2 =	sld [smem:$0x3FFC];
	_ =	sdelay $0x3  }
0x94: {  	_ =	strace s2  }
0x95: {  	s2 =	sld [smem:$0x3FFD];
	_ =	sdelay $0x3  }
0x96: {  	_ =	strace s2  }
0x97: {  	_ =	strace $0x8FFFFFFF  }
0x98: {  	s18 =	sld [smem:$0x3FDB];
	_ =	sdelay $0x1  }
0x99: {  	s19 =	simm.s32 $_scs_section_size  }
0x9a: {  	s4 =	simm.s32 $_size__tile_overlayer_lowered;
	s5 =	simm.s32 $_tile_overlayer_lowered  }
0x9b: {  	s22 =	simm.s32 $0x1BFF;
	s21 =	sshll.u32 s5, $0x1;
	s2 =	sadd.s32 s19, s18  }
0x9c: {  	s6 =	simm.s32 $0x0;
	s20 =	sshll.u32 s4, $0x1;
	s4 =	sadd.s32 s21, s2  }
0x9d: {  	[timem:s6], [sflag:s22] =	dma.local [hbm:s4], s20  }
0x9e: {  	_ =	swait.ge [sflag:s22], s20  }
0x9f: {  	s3 =	ssub.s32 $0x0, s20;
	[sflag:s22] =	ssyncset.done $0x0  }
0xa0: {  	[sflag:s22] =	ssyncadd.s32 s3;
	_ =	sdelay $0x1  }
0xa1: {  	s23 =	simm.s32 $0x1B8B  }
0xa2: {  	_ =	swait.ge [sflag:s23], $0x1  }
0xa3: {  	[sflag:s23] =	ssyncset.done $0x0  }
0xa4: {  	s25 =	simm.s32 $0x1B8E;
	s24 =	sld [smem:$0x3FFE];
	[sflag:s23] =	ssyncadd.s32 $0xFFFFFFFF  }
0xa5: {  	s26 =	simm.s32 $execute0_lowered;
	[smem:$0x3FD2] =	sst s25  }
0xa6: {  	s4 =	sshll.u32 s26, $0x1;
	_ =	strace $0x8000004C;
	[dreg:$0x1] =	wrdreg $0xFFFFFFFF  }
0xa7: {  	s28 =	simm.s32 $_size_execute0_lowered;
	s2 =	sadd.s32 s2, s4;
	[dreg:$0x0] =	wrdreg $0x0  }
0xa8: {  	s4 =	sshll.u32 s28, $0x1;
	[dreg:$0x2] =	wrdreg s2  }
0xa9: {  	[dreg:$0x3] =	wrdreg s4  }
0xaa: {  	[dreg:$0x4] =	wrdreg $0xC0  }
0xab: {  	_ =	task [dreg:s6], $0x5FFFF  }
0xac: {  	[dreg:$0x1] =	wrdreg $0xFFFFFFFF  }
0xad: {  	[dreg:$0x0] =	wrdreg $0x60  }
0xae: {  	[dreg:$0x2] =	wrdreg s24  }
0xaf: {  	[dreg:$0x3] =	wrdreg $0x75A00  }
0xb0: {  	[dreg:$0x4] =	wrdreg $0x9  }
0xb1: {  	_ =	task.clear_ibuf [dreg:s6], $0x5FFFF;
	_ =	strace $0x9000004C  }
0xb2: {  	s29 =	simm.s32 $0x9;
	_ =	strace $0x8000004E  }
0xb3: {  	_ =	swait.ge [sflag:s29], $0x1  }
0xb4: {  	[sflag:s29] =	ssyncadd.s32 $0xFFFFFFFF  }
0xb5: {  	_ =	strace $0x9000004E  }
0xb6: {  	_ =	sfence  }
0xb7: {  	s30 =	sld [smem:$0x0];
	_ =	sdelay $0x2  }
0xb8: {  	s31 =	sshll.u32 s1, $0xD;
	s1 =	sshrl.u32 s1, $0x2  }
0xb9: {  	s3 =	sand.u32 $0x4000, s31;
	s1 =	sadd.s32 s1, s30  }
0xba: {  	s0 =	sor.u32 s3, s0;
	s1 =	sshll.u32 s1, $0x11  }
0xbb: {  	s0 =	sor.u32 s1, s0  }
0xbc: {  	s0 =	sadd.s32 $0x8F2B, s0  }
0xbd: {  	[sflag:s0] =	ssyncadd.remote.s32 $0x1  }
0xbe: {  	_ =	sfence.sel $0xFFFF  }
0xbf: {  	[dreg:$0x0] =	wrdreg $0xFFFFFFFF;
	(pc) =	sbr.abs _section_cstart, $3  }
0xc0: {  	[dreg:$0x1] =	wrdreg $0xFFFFFFFF  }
0xc1: {  	_ =	task.clear_ibuf [dreg:s6], $0x2FFFF;
	_ =	strace $0x9FFFFFFF  }
0xc2: {  	(tm) =	ssettm $0x7FFFFFFF  }
0xc3: {  	_ =	shalt  }
tec
execute0_lowered:
.L_overlay_start_1:
0x0: {  	(tag) =	ssettag $0x1  }
0x1: {  	s0 =	rddreg [dreg:$0x0]  }
0x2: {  	s2 =	rddreg [dreg:$0x1]  }
0x3: {  	s1 =	srdreg.scid;
	s4 =	stileid.u32;
	s3 =	simm.s32 $0x0  }
0x4: {  	s10 =	simm.s32 $0x13C0;
	s11 =	simm.s32 $0x2780;
	s12 =	simm.s32 $0x5  }
0x5: {  	s13 =	simm.s32 $0x1;
	s14 =	simm.s32 $0x2;
	s15 =	simm.s32 $0x271  }
0x6: {  	s17 =	simm.s32 $0x4E90;
	s19 =	simm.s32 $0x3;
	s21 =	simm.s32 $0x4  }
0x7: {  	s22 =	simm.s32 $0x768;
	s23 =	simm.s32 $0x18B0;
	s24 =	simm.s32 $0x1B28  }
0x8: {  	s25 =	simm.s32 $0x9E0;
	s28 =	simm.s32 $0x1DA0;
	s29 =	simm.s32 $0x2018  }
0x9: {  	s30 =	simm.s32 $0xED0;
	s31 =	simm.s32 $0x1148;
	s16 =	simm.s32 $0x0  }
0xa: {  	s1 =	sand.u32 $0x1, s1;
	s7 =	smul.u32 $0x2710, s4;
	s4 =	sshll.u32 s4, $0x1  }
0xb: {  	[smem:$0x7FF] =	sst s3;
	s5 =	smul.u32 $0x27100, s1;
	s4 =	sor.u32 s1, s4  }
0xc: {  	_ =	strace $0x8000004D;
	s1 =	ssub.s32 $0x2, s1;
	s6 =	smul.u32 $0x278, s4  }
0xd: {  	s4 =	sadd.s32 $0xAC00, s0;
	s26 =	sshrl.u32 s1, $0x1;
	s5 =	sadd.s32 s7, s5  }
0xe: {  	s1 =	ssub.s32 s1, s26;
	s7 =	sadd.s32 s7, s2;
	s26 =	simm.s32 $0xC58  }
0xf: {  	s5 =	sshrl.u32 s5, $0x3;
	s6 =	sadd.s32 s6, s0;
	s9 =	smax.u32 s1, $0x1  }
0x10: {  	s1 =	simm.s32 $0x2508;
	s0 =	sadd.s32 s5, s0;
	s5 =	sadd.s32 $0x5C00, s6  }
0x11: {  	v0 =	vimm.f32 $0.0e+00;
	s6 =	sadd.s32 $0xC00, s6;
	s8 =	sadd.s32 $0xFC00, s0;
	s0 =	simm.s32 $0x2290  }
.LBB2_1:
0x12: {  	[tilespmem:s3], [sflag:$0x1] =	stream.linear.gather [hbm4b:s5+s3], $0x13C0, $0x38;
	[tilespmem:$0x9CB0] =	vst v63  }
0x13: {  	s18 =	simm.s32 $0x40;
	s20 =	simm.s32 $0x0  }
0x14: {  	[tilespmem:s10], [sflag:$0x2] =	stream.linear.gather [hbm4b:s6+s3], $0x13C0, $0x38;
	[tilespmem:$0x9CB0] =	vst v63  }
.LBB2_2:
0x15: {  	p0 =	sne.s32 s18, $0x9C00;
	[tilespmem:s20+$0x2780] =	vst v0;
	s20 =	smov.u32 s18;
	s18 =	sadd.s32 $0x40, s18  }
.Ltmp0:
0x16: {  	(pc) =	sbr.rel @p0 .LBB2_2-.Ltmp0, $2  }
0x17: {  	_ =	sdelay $0x2  }
0x18: {  	s20 =	sshra.s32 s20, $0x2  }
0x19: {  	[tilespmem:s20+$0x2780] =	vst v0  }
0x1a: {  	[spmem:s7] =	stream.linear.scatter [tilespmem:s11], [sflag:$0x5], $0x2710, $0x38;
	[tilespmem:$0x9CB0] =	vst v63  }
0x1b: {  	_ =	swait.ge [sflag:s12], $0x2710  }
0x1c: {  	[sflag:s12] =	ssyncset.done $0x0  }
0x1d: {  	[sflag:s12] =	ssyncadd.s32 $0xFFFFD8F0  }
0x1e: {  	_ =	swait.ge [sflag:s13], $0x13C0  }
0x1f: {  	[sflag:s13] =	ssyncset.done $0x0  }
0x20: {  	[sflag:s13] =	ssyncadd.s32 $0xFFFFEC40  }
0x21: {  	_ =	swait.ge [sflag:s14], $0x13C0  }
0x22: {  	[sflag:s14] =	ssyncset.done $0x0  }
0x23: {  	[sflag:s14] =	ssyncadd.s32 $0xFFFFEC40  }
0x24: {  	[bflag:$0x0] =	sbarrier.arrive $0xFFFF  }
0x25: {  	[tilespmem:s11], [sflag:$0x1] =	stream.indirect.gather [hbm4b:s4+s15], $0x10, s3, s15, $0xb8;
	[tilespmem:$0x9CB0] =	vst v63  }
0x26: {  	s18 =	simm.s32 $0x278  }
0x27: {  	[tilespmem:s17], [sflag:$0x2] =	stream.indirect.gather [hbm4b:s4+s15], $0x10, s18, s15, $0xb8;
	[tilespmem:$0x9CB0] =	vst v63  }
0x28: {  	_ =	swait.ge [sflag:s13], $0x2710  }
0x29: {  	[sflag:s13] =	ssyncset.done $0x0  }
0x2a: {  	[sflag:s13] =	ssyncadd.s32 $0xFFFFD8F0  }
0x2b: {  	[spmem:s2] =	stream.indirect.scatter.add.f32 [tilespmem:s11], [sflag:$0x3], $0x10, s10, s15, $0xb8;
	[tilespmem:$0x9CB0] =	vst v63  }
0x2c: {  	_ =	swait.ge [sflag:s14], $0x2710  }
0x2d: {  	[sflag:s14] =	ssyncset.done $0x0  }
0x2e: {  	s20 =	simm.s32 $0x1638;
	[sflag:s14] =	ssyncadd.s32 $0xFFFFD8F0  }
0x2f: {  	[spmem:s2] =	stream.indirect.scatter.add.f32 [tilespmem:s17], [sflag:$0x4], $0x10, s20, s15, $0xb8;
	[tilespmem:$0x9CB0] =	vst v63  }
0x30: {  	_ =	swait.ge [sflag:s19], $0x2710  }
0x31: {  	[sflag:s19] =	ssyncset.done $0x0  }
0x32: {  	s20 =	simm.s32 $0x4F0;
	[sflag:s19] =	ssyncadd.s32 $0xFFFFD8F0  }
0x33: {  	[tilespmem:s11], [sflag:$0x1] =	stream.indirect.gather [hbm4b:s4+s15], $0x10, s20, s15, $0xb8;
	[tilespmem:$0x9CB0] =	vst v63  }
0x34: {  	_ =	swait.ge [sflag:s21], $0x2710  }
0x35: {  	[sflag:s21] =	ssyncset.done $0x0  }
0x36: {  	[sflag:s21] =	ssyncadd.s32 $0xFFFFD8F0  }
0x37: {  	[tilespmem:s17], [sflag:$0x2] =	stream.indirect.gather [hbm4b:s4+s15], $0x10, s22, s15, $0xb8;
	[tilespmem:$0x9CB0] =	vst v63  }
0x38: {  	_ =	swait.ge [sflag:s13], $0x2710  }
0x39: {  	[sflag:s13] =	ssyncset.done $0x0  }
0x3a: {  	[sflag:s13] =	ssyncadd.s32 $0xFFFFD8F0  }
0x3b: {  	[spmem:s2] =	stream.indirect.scatter.add.f32 [tilespmem:s11], [sflag:$0x3], $0x10, s23, s15, $0xb8;
	[tilespmem:$0x9CB0] =	vst v63  }
0x3c: {  	_ =	swait.ge [sflag:s14], $0x2710  }
0x3d: {  	[sflag:s14] =	ssyncset.done $0x0  }
0x3e: {  	[sflag:s14] =	ssyncadd.s32 $0xFFFFD8F0  }
0x3f: {  	[spmem:s2] =	stream.indirect.scatter.add.f32 [tilespmem:s17], [sflag:$0x4], $0x10, s24, s15, $0xb8;
	[tilespmem:$0x9CB0] =	vst v63  }
0x40: {  	_ =	swait.ge [sflag:s19], $0x2710  }
0x41: {  	[sflag:s19] =	ssyncset.done $0x0  }
0x42: {  	[sflag:s19] =	ssyncadd.s32 $0xFFFFD8F0  }
0x43: {  	[tilespmem:s11], [sflag:$0x1] =	stream.indirect.gather [hbm4b:s4+s15], $0x10, s25, s15, $0xb8;
	[tilespmem:$0x9CB0] =	vst v63  }
0x44: {  	_ =	swait.ge [sflag:s21], $0x2710  }
0x45: {  	[sflag:s21] =	ssyncset.done $0x0  }
0x46: {  	[sflag:s21] =	ssyncadd.s32 $0xFFFFD8F0  }
0x47: {  	[tilespmem:s17], [sflag:$0x2] =	stream.indirect.gather [hbm4b:s4+s15], $0x10, s26, s15, $0xb8;
	[tilespmem:$0x9CB0] =	vst v63  }
0x48: {  	_ =	swait.ge [sflag:s13], $0x2710  }
0x49: {  	[sflag:s13] =	ssyncset.done $0x0  }
0x4a: {  	[sflag:s13] =	ssyncadd.s32 $0xFFFFD8F0  }
0x4b: {  	[spmem:s2] =	stream.indirect.scatter.add.f32 [tilespmem:s11], [sflag:$0x3], $0x10, s28, s15, $0xb8;
	[tilespmem:$0x9CB0] =	vst v63  }
0x4c: {  	_ =	swait.ge [sflag:s14], $0x2710  }
0x4d: {  	[sflag:s14] =	ssyncset.done $0x0  }
0x4e: {  	[sflag:s14] =	ssyncadd.s32 $0xFFFFD8F0  }
0x4f: {  	[spmem:s2] =	stream.indirect.scatter.add.f32 [tilespmem:s17], [sflag:$0x4], $0x10, s29, s15, $0xb8;
	[tilespmem:$0x9CB0] =	vst v63  }
0x50: {  	_ =	swait.ge [sflag:s19], $0x2710  }
0x51: {  	[sflag:s19] =	ssyncset.done $0x0  }
0x52: {  	[sflag:s19] =	ssyncadd.s32 $0xFFFFD8F0  }
0x53: {  	[tilespmem:s11], [sflag:$0x1] =	stream.indirect.gather [hbm4b:s4+s15], $0x10, s30, s15, $0xb8;
	[tilespmem:$0x9CB0] =	vst v63  }
0x54: {  	_ =	swait.ge [sflag:s21], $0x2710  }
0x55: {  	[sflag:s21] =	ssyncset.done $0x0  }
0x56: {  	[sflag:s21] =	ssyncadd.s32 $0xFFFFD8F0  }
0x57: {  	[tilespmem:s17], [sflag:$0x2] =	stream.indirect.gather [hbm4b:s4+s15], $0x10, s31, s15, $0xb8;
	[tilespmem:$0x9CB0] =	vst v63  }
0x58: {  	_ =	swait.ge [sflag:s13], $0x2710  }
0x59: {  	[sflag:s13] =	ssyncset.done $0x0  }
0x5a: {  	[sflag:s13] =	ssyncadd.s32 $0xFFFFD8F0  }
0x5b: {  	[spmem:s2] =	stream.indirect.scatter.add.f32 [tilespmem:s11], [sflag:$0x3], $0x10, s0, s15, $0xb8;
	[tilespmem:$0x9CB0] =	vst v63  }
0x5c: {  	_ =	swait.ge [sflag:s14], $0x2710  }
0x5d: {  	[sflag:s14] =	ssyncset.done $0x0  }
0x5e: {  	[sflag:s14] =	ssyncadd.s32 $0xFFFFD8F0  }
0x5f: {  	[spmem:s2] =	stream.indirect.scatter.add.f32 [tilespmem:s17], [sflag:$0x4], $0x10, s1, s15, $0xb8;
	[tilespmem:$0x9CB0] =	vst v63  }
0x60: {  	_ =	swait.ge [sflag:s19], $0x2710  }
0x61: {  	[sflag:s19] =	ssyncset.done $0x0  }
0x62: {  	[sflag:s19] =	ssyncadd.s32 $0xFFFFD8F0  }
0x63: {  	s16 =	sadd.s32 $0x1, s16;
	_ =	swait.ge [sflag:s21], $0x2710  }
0x64: {  	p0 =	sne.s32 s16, s9;
	s20 =	stileid.u32;
	[sflag:s21] =	ssyncset.done $0x0  }
0x65: {  	s18 =	sshll.u32 s20, $0x6;
	s20 =	sshrl.u32 s7, $0x3;
	[sflag:s21] =	ssyncadd.s32 $0xFFFFD8F0  }
.Ltmp1:
0x66: {  	s18 =	sor.u32 $0x1C05, s18;
	[bflag:$0x0] =	sbarrier.arrive $0xFFFF;
	(pc) =	sbr.rel @p0 .LBB2_1-.Ltmp1, $4  }
0x67: {  	[hbm:s8], [sflag:s18] =	dma.local [spmem:s20], $0x4E2  }
0x68: {  	_ =	swait.ge [sflag:s12], $0x4E2  }
0x69: {  	[sflag:s12] =	ssyncset.done $0x0  }
0x6a: {  	[sflag:s12] =	ssyncadd.s32 $0xFFFFFB1E  }
0x6b: {  	_ =	sfence.sel $0x180000  }
0x6c: {  	[bflag:$0x0] =	sbarrier.arrive $0xFFFF  }
0x6d: {  	_ =	strace $0x9000004D  }
0x6e: {  	s0 =	stileid.u32;
	[bflag:$0x2] =	sbarrier.arrive $0xFFFF  }
0x6f: {  	p0 =	sne.s32 s0, $0x0;
	s0 =	rddreg [dreg:$0x2]  }
0x70: {  	s0 =	sadd.s32 @!p0 $0x100000, s0  }
0x71: {  	[sflag:s0] =	ssyncadd.tile.s32 @!p0 $0x1;
	_ =	shalt  }
.Lfunc_end2:
_tile_overlayer_lowered:
.L_overlay_start_2:
0x72: {  	(tag) =	ssettag $0x2  }
0x73: {  	s0 =	rddreg [dreg:$0x0];
	s2 =	stileid.u32  }
0x74: {  	s1 =	rddreg [dreg:$0x1];
	p0 =	sne.s32 s2, $0x0  }
0x75: {  	s3 =	rddreg [dreg:$0x2];
	[bflag:$0x3] =	sbarrier.arrive $0xFFFF;
	s2 =	simm.s32 @!p0 $0x1C05  }
0x76: {  	[timem:s3], [sflag:s2] =	dma.local @!p0 [hbm:s0], s1  }
0x77: {  	s0 =	simm.s32 @!p0 $0x5  }
0x78: {  	_ =	swait.ge @!p0 [sflag:s0], s1  }
0x79: {  	s1 =	ssub.s32 @!p0 $0x0, s1;
	[sflag:s0] =	ssyncset.done @!p0 $0x0  }
0x7a: {  	[sflag:s0] =	ssyncadd.s32 @!p0 s1  }
0x7b: {  	[bflag:$0x3] =	sbarrier.arrive $0xFFFF  }
0x7c: {  	_ =	shalt  }

// kernel: kernel.8.cloned.1.call-start
scs
__scs_entry_jumppad:
0x0: {  	(pc) =	sbr.rel $0x88, $3  }
0x1: {  	(tag) =	ssettag $0x0;
	lr =	simm.s32 $0x1  }
0x2: {  	[smem:$0x3F9B] =	sst lr;
	_ =	strace $0xD0000000  }
0x3: {  	_ = 	snop  }
0x4: {  	_ = 	snop  }
0x5: {  	_ = 	snop  }
0x6: {  	_ = 	snop  }
0x7: {  	_ = 	snop  }
__scs_overlays_trampoline_lowered:
0x8: {  	[smem:$0x3FAA] =	sst s0  }
0x9: {  	[smem:$0x3FAB] =	sst s1  }
0xa: {  	[smem:$0x3FAC] =	sst s2  }
0xb: {  	[smem:$0x3FAD] =	sst s3  }
0xc: {  	[smem:$0x3FAE] =	sst s4  }
0xd: {  	[smem:$0x3FAF] =	sst s5  }
0xe: {  	[smem:$0x3FB0] =	sst s6  }
0xf: {  	[smem:$0x3FB1] =	sst s7  }
0x10: {  	[smem:$0x3FB2] =	sst s8  }
0x11: {  	[smem:$0x3FB3] =	sst s9;
	s0 =	simm.s32 @!p0 $0x0  }
0x12: {  	s1 =	sld [smem:$0x3F99];
	s0 =	simm.s32 @p0 $0x1  }
0x13: {  	[smem:$0x3FB4] =	sst s0;
	s0 =	simm.s32 @!p1 $0x0  }
0x14: {  	s2 =	sld [smem:$0x3F98];
	s0 =	simm.s32 @p1 $0x1  }
0x15: {  	[smem:$0x3FB5] =	sst s0;
	s0 =	simm.s32 @!p2 $0x0  }
0x16: {  	s3 =	sld [smem:$0x3FDB];
	s0 =	simm.s32 @p2 $0x1  }
0x17: {  	s4 =	simm.s32 $0x1BF5;
	[smem:$0x3FB7] =	sst s0  }
0x18: {  	s0 =	sld [smem:$0x3F9A];
	_ =	swait.ge [sflag:s4], $0x0  }
0x19: {  	s7 =	sld [smem:$0x3F9B]  }
0x1a: {  	s8 =	sadd.s32 $0xFFFFE003, lr  }
0x1b: {  	s9 =	sadd.s32 $0xFFFFFEF7, lr;
	s5 =	simm.s32 $0xFFFFFFFF;
	p2 =	slt.u32 s8, $0xFFFFF086  }
0x1c: {  	p1 =	slt.u32 s9, $0xF7A;
	s5 =	simm.s32 @!p2 $0x0  }
0x1d: {  	s5 =	simm.s32 @p1 $0x1;
	p0 =	seq.s32 s7, s2  }
0x1e: {  	s7 =	smul.u32 @!p0 $0xF7A, s2;
	p2 =	seq.s32 @!p0 s5, $0x0  }
0x1f: {  	s9 =	smul.u32 $0xF7A, s1;
	s8 =	simm.s32 @!p0 $0x1BF5;
	p2 =	por !p2, p0  }
0x20: {  	[sflag:s8] =	ssyncset.s32 @!p0 $0xFFFFF086;
	s6 =	sadd.s32 @!p0 s3, s7;
	s7 =	simm.s32 @!p0 $0x108  }
0x21: {  	s3 =	sadd.s32 s3, s9;
	s6 =	sadd.s32 @!p0 $0x88, s6;
	s7 =	simm.s32 @p2 $0x1082  }
0x22: {  	[simem:s7], [sflag:s8] =	dma.local @!p0 [hbm:s6], $0xF7A  }
0x23: {  	s9 =	sor.u32 $0xD0000000, s2;
	s6 =	simm.s32 $0x108;
	_ =	swait.ge @!p0 [sflag:s8], $0x0  }
0x24: {  	s3 =	sadd.s32 $0x88, s3;
	s6 =	simm.s32 @!p1 $0x1082;
	[sflag:s4] =	ssyncset.s32 $0xFFFFF086  }
0x25: {  	[simem:s6], [sflag:s4] =	dma.local [hbm:s3], $0xF7A  }
0x26: {  	[smem:$0x3F9B] =	sst s1;
	(tag) =	ssettag s2;
	_ =	strace s9  }
0x27: {  	s1 =	sld [smem:$0x3FAB]  }
0x28: {  	s2 =	sld [smem:$0x3FAC]  }
0x29: {  	s4 =	sld [smem:$0x3FAE]  }
0x2a: {  	p0 =	seq.s32 s5, $0x0;
	s5 =	sld [smem:$0x3FAF]  }
0x2b: {  	s6 =	sld [smem:$0x3FB0]  }
0x2c: {  	s7 =	sld [smem:$0x3FB1]  }
0x2d: {  	s3 =	simm.s32 $0x108;
	s8 =	sld [smem:$0x3FB2]  }
0x2e: {  	s3 =	simm.s32 @!p0 $0x1082;
	s9 =	sld [smem:$0x3FB3]  }
0x2f: {  	lr =	sadd.s32 s0, s3;
	s0 =	sld [smem:$0x3FAA]  }
0x30: {  	s3 =	sld [smem:$0x3FAD]  }
0x31: {  	[smem:$0x3FB6] =	sst s10  }
0x32: {  	s10 =	sld [smem:$0x3FB4];
	_ =	sdelay $0x3  }
0x33: {  	p0 =	seq.s32 s10, $0x1;
	s10 =	sld [smem:$0x3FB6];
	_ =	sdelay $0x3  }
0x34: {  	[smem:$0x3FB6] =	sst s10  }
0x35: {  	s10 =	sld [smem:$0x3FB5];
	_ =	sdelay $0x3  }
0x36: {  	p1 =	seq.s32 s10, $0x1;
	s10 =	sld [smem:$0x3FB6];
	_ =	sdelay $0x3  }
0x37: {  	[smem:$0x3FB6] =	sst s10  }
0x38: {  	s10 =	sld [smem:$0x3FB7]  }
0x39: {  	_ = 	snop;
	(pc) =	sbr.ind lr, $3  }
0x3a: {  	_ = 	snop  }
0x3b: {  	_ = 	snop  }
0x3c: {  	p2 =	seq.s32 s10, $0x1;
	s10 =	sld [smem:$0x3FB6]  }
0x3d: {  	_ =	shalt  }
0x3e: {  	_ =	shalt  }
0x3f: {  	_ =	shalt  }
0x40: {  	_ =	shalt  }
0x41: {  	_ =	shalt  }
0x42: {  	_ =	shalt  }
0x43: {  	_ =	shalt  }
0x44: {  	_ =	shalt  }
0x45: {  	_ =	shalt  }
0x46: {  	_ =	shalt  }
0x47: {  	_ =	shalt  }
0x48: {  	_ =	shalt  }
0x49: {  	_ =	shalt  }
0x4a: {  	_ =	shalt  }
0x4b: {  	_ =	shalt  }
0x4c: {  	_ =	shalt  }
0x4d: {  	_ =	shalt  }
0x4e: {  	_ =	shalt  }
0x4f: {  	_ =	shalt  }
0x50: {  	_ =	shalt  }
0x51: {  	_ =	shalt  }
0x52: {  	_ =	shalt  }
0x53: {  	_ =	shalt  }
0x54: {  	_ =	shalt  }
0x55: {  	_ =	shalt  }
0x56: {  	_ =	shalt  }
0x57: {  	_ =	shalt  }
0x58: {  	_ =	shalt  }
0x59: {  	_ =	shalt  }
0x5a: {  	_ =	shalt  }
0x5b: {  	_ =	shalt  }
0x5c: {  	_ =	shalt  }
0x5d: {  	_ =	shalt  }
0x5e: {  	_ =	shalt  }
0x5f: {  	_ =	shalt  }
0x60: {  	_ =	shalt  }
0x61: {  	_ =	shalt  }
0x62: {  	_ =	shalt  }
0x63: {  	_ =	shalt  }
0x64: {  	_ =	shalt  }
0x65: {  	_ =	shalt  }
0x66: {  	_ =	shalt  }
0x67: {  	_ =	shalt  }
0x68: {  	_ =	shalt  }
0x69: {  	_ =	shalt  }
0x6a: {  	_ =	shalt  }
0x6b: {  	_ =	shalt  }
0x6c: {  	_ =	shalt  }
0x6d: {  	_ =	shalt  }
0x6e: {  	_ =	shalt  }
0x6f: {  	_ =	shalt  }
0x70: {  	_ =	shalt  }
0x71: {  	_ =	shalt  }
0x72: {  	_ =	shalt  }
0x73: {  	_ =	shalt  }
0x74: {  	_ =	shalt  }
0x75: {  	_ =	shalt  }
0x76: {  	_ =	shalt  }
0x77: {  	_ =	shalt  }
0x78: {  	_ =	shalt  }
0x79: {  	_ =	shalt  }
0x7a: {  	_ =	shalt  }
0x7b: {  	_ =	shalt  }
0x7c: {  	_ =	shalt  }
0x7d: {  	_ =	shalt  }
0x7e: {  	_ =	shalt  }
0x7f: {  	_ =	shalt  }
0x80: {  	_ =	shalt  }
0x81: {  	_ =	shalt  }
0x82: {  	_ =	shalt  }
0x83: {  	_ =	shalt  }
0x84: {  	_ =	shalt  }
0x85: {  	_ =	shalt  }
0x86: {  	_ =	shalt  }
0x87: {  	_ =	shalt  }
.Lfunc_end0:
.L_simem_size_0:
called_computation_lowered:
.L_overlay_start_0:
0x88: {  	s2 =	sld [smem:$0x3FD9]  }
0x89: {  	s3 =	sld [smem:$0x3FFE];
	_ =	sdelay $0x1  }
0x8a: {  	s1 =	srdreg.scid  }
0x8b: {  	s0 =	sand.u32 $0x1, s1  }
0x8c: {  	s16 =	sshll.u32 s0, $0xA;
	s2 =	sadd.s32 s3, s2  }
0x8d: {  	s2 =	sadd.s32 s2, s16  }
0x8e: {  	[smem:$0x3FC2] =	sst s2  }
0x8f: {  	_ = 	snop  }
0x90: {  	(tm) =	ssettm $0x1  }
0x91: {  	s17 =	sld [smem:$0x3FFB];
	_ =	sdelay $0x3  }
0x92: {  	_ =	strace s17  }
0x93: {  	s2 =	sld [smem:$0x3FFC];
	_ =	sdelay $0x3  }
0x94: {  	_ =	strace s2  }
0x95: {  	s2 =	sld [smem:$0x3FFD];
	_ =	sdelay $0x3  }
0x96: {  	_ =	strace s2  }
0x97: {  	_ =	strace $0x8FFFFFFF  }
0x98: {  	s18 =	sld [smem:$0x3FDB];
	_ =	sdelay $0x1  }
0x99: {  	s19 =	simm.s32 $_scs_section_size  }
0x9a: {  	s4 =	simm.s32 $_size__tile_overlayer_lowered;
	s5 =	simm.s32 $_tile_overlayer_lowered  }
0x9b: {  	s22 =	simm.s32 $0x1BFF;
	s21 =	sshll.u32 s5, $0x1;
	s2 =	sadd.s32 s19, s18  }
0x9c: {  	s6 =	simm.s32 $0x0;
	s20 =	sshll.u32 s4, $0x1;
	s4 =	sadd.s32 s21, s2  }
0x9d: {  	[timem:s6], [sflag:s22] =	dma.local [hbm:s4], s20  }
0x9e: {  	_ =	swait.ge [sflag:s22], s20  }
0x9f: {  	s3 =	ssub.s32 $0x0, s20;
	[sflag:s22] =	ssyncset.done $0x0  }
0xa0: {  	[sflag:s22] =	ssyncadd.s32 s3;
	_ =	sdelay $0x1  }
0xa1: {  	s23 =	simm.s32 $0x1B8B  }
0xa2: {  	_ =	swait.ge [sflag:s23], $0x1  }
0xa3: {  	[sflag:s23] =	ssyncset.done $0x0  }
0xa4: {  	s25 =	simm.s32 $0x1B8E;
	s24 =	sld [smem:$0x3FFE];
	[sflag:s23] =	ssyncadd.s32 $0xFFFFFFFF  }
0xa5: {  	s26 =	simm.s32 $execute0_lowered;
	[smem:$0x3FD2] =	sst s25  }
0xa6: {  	s4 =	sshll.u32 s26, $0x1;
	_ =	strace $0x80000046;
	[dreg:$0x1] =	wrdreg $0xFFFFFFFF  }
0xa7: {  	s28 =	simm.s32 $_size_execute0_lowered;
	s2 =	sadd.s32 s2, s4;
	[dreg:$0x0] =	wrdreg $0x0  }
0xa8: {  	s4 =	sshll.u32 s28, $0x1;
	[dreg:$0x2] =	wrdreg s2  }
0xa9: {  	[dreg:$0x3] =	wrdreg s4  }
0xaa: {  	[dreg:$0x4] =	wrdreg $0xC0  }
0xab: {  	_ =	task [dreg:s6], $0x5FFFF  }
0xac: {  	[dreg:$0x1] =	wrdreg $0xFFFFFFFF  }
0xad: {  	[dreg:$0x0] =	wrdreg $0x60  }
0xae: {  	[dreg:$0x2] =	wrdreg s24  }
0xaf: {  	[dreg:$0x3] =	wrdreg $0x9  }
0xb0: {  	_ =	task.clear_ibuf [dreg:s6], $0x4FFFF;
	_ =	strace $0x90000046  }
0xb1: {  	s29 =	simm.s32 $0x9;
	_ =	strace $0x80000048  }
0xb2: {  	_ =	swait.ge [sflag:s29], $0x1  }
0xb3: {  	[sflag:s29] =	ssyncadd.s32 $0xFFFFFFFF  }
0xb4: {  	_ =	strace $0x90000048  }
0xb5: {  	_ =	sfence  }
0xb6: {  	s30 =	sld [smem:$0x0];
	_ =	sdelay $0x2  }
0xb7: {  	s31 =	sshll.u32 s1, $0xD;
	s1 =	sshrl.u32 s1, $0x2  }
0xb8: {  	s3 =	sand.u32 $0x4000, s31;
	s1 =	sadd.s32 s1, s30  }
0xb9: {  	s0 =	sor.u32 s3, s0;
	s1 =	sshll.u32 s1, $0x11  }
0xba: {  	s0 =	sor.u32 s1, s0  }
0xbb: {  	s0 =	sadd.s32 $0x8F2B, s0  }
0xbc: {  	[sflag:s0] =	ssyncadd.remote.s32 $0x1  }
0xbd: {  	_ =	sfence.sel $0xFFFF  }
0xbe: {  	[dreg:$0x0] =	wrdreg $0xFFFFFFFF;
	(pc) =	sbr.abs _section_cstart, $3  }
0xbf: {  	[dreg:$0x1] =	wrdreg $0xFFFFFFFF  }
0xc0: {  	_ =	task.clear_ibuf [dreg:s6], $0x2FFFF;
	_ =	strace $0x9FFFFFFF  }
0xc1: {  	(tm) =	ssettm $0x7FFFFFFF  }
tec
execute0_lowered:
.L_overlay_start_1:
0x0: {  	(tag) =	ssettag $0x1  }
0x1: {  	s1 =	srdreg.scid  }
0x2: {  	s0 =	stileid.u32;
	s3 =	rddreg [dreg:$0x0];
	s8 =	simm.s32 $0x80  }
0x3: {  	s9 =	simm.s32 $0x400;
	s10 =	simm.s32 $0x2;
	s11 =	simm.s32 $0x0  }
0x4: {  	s4 =	sand.u32 $0x1, s1;
	s2 =	sshll.u32 s0, $0x1;
	s1 =	rddreg [dreg:$0x1]  }
0x5: {  	s6 =	sshrl.u32 s0, $0x2;
	s5 =	sor.u32 s4, s2;
	s2 =	simm.s32 $0x0  }
0x6: {  	s6 =	smul.u32 $0x13C00, s6;
	s4 =	ssub.s32 $0x2, s4;
	s7 =	sshll.u32 s5, $0x7  }
0x7: {  	[smem:$0x7FF] =	sst s2;
	s5 =	smul.u32 $0x271, s5;
	s7 =	sand.u32 $0x380, s7  }
0x8: {  	s31 =	sshrl.u32 s4, $0x1;
	_ =	strace $0x80000047;
	s6 =	sor.u32 s6, s7  }
0x9: {  	s5 =	sadd.s32 s5, s3;
	s7 =	ssub.s32 s4, s31;
	s6 =	sshrl.u32 s6, $0x3  }
0xa: {  	s6 =	sadd.s32 s6, s3;
	s3 =	sadd.s32 $0xC00, s5;
	s5 =	smax.u32 s7, $0x1  }
0xb: {  	v0 =	vimm.f32 $0.0e+00;
	v1 =	vimm.f32 $1.000000000e+00;
	s7 =	simm.s32 $0x1400;
	s4 =	sadd.s32 $0x5C00, s6;
	s6 =	simm.s32 $0x1  }
.LBB2_1:
0xc: {  	[tilespmem:s2], [sflag:$0x1] =	stream.linear.gather [hbm4b:s3+s2], $0x1388, $0x38;
	[tilespmem:$0x3B80] =	vst v63  }
0xd: {  	s12 =	simm.s32 $0x40;
	s13 =	simm.s32 $0x0  }
.LBB2_2:
0xe: {  	p0 =	sne.s32 s12, $0x9C00;
	[tilespmem:s13+$0x1400] =	vst v0;
	s13 =	smov.u32 s12;
	s12 =	sadd.s32 $0x40, s12  }
.Ltmp0:
0xf: {  	(pc) =	sbr.rel @p0 .LBB2_2-.Ltmp0, $2  }
0x10: {  	_ =	sdelay $0x2  }
0x11: {  	s13 =	sshra.s32 s13, $0x2  }
0x12: {  	[tilespmem:s13+$0x1400] =	vst v0  }
0x13: {  	_ =	swait.ge [sflag:s6], $0x1388  }
0x14: {  	[sflag:s6] =	ssyncset.done $0x0  }
0x15: {  	s13 =	simm.s32 $0x0;
	s12 =	simm.s32 $0x40;
	[sflag:s6] =	ssyncadd.s32 $0xFFFFEC78  }
.LBB2_4:
0x16: {  	p0 =	sne.s32 s12, $0x4DC0;
	v2 =	vld [tilespmem:s13+$0x0];
	_ =	sdelay $0x3  }
.Ltmp1:
0x17: {  	(pc) =	sbr.rel @p0 .LBB2_4-.Ltmp1, $2  }
0x18: {  	_ =	sdelay $0x2  }
0x19: {  	s13 =	sshra.s32 s12, $0x2;
	s12 =	sadd.s32 $0x40, s12;
	[tilespmem:v2+s7+$0x0] =	vst.idx.add.f32.msk $0xffff, v1  }
0x1a: {  	v2 =	vld [tilespmem:s13+$0x0];
	_ =	sdelay $0x5  }
0x1b: {  	s11 =	sadd.s32 $0x1, s11  }
0x1c: {  	p0 =	sne.s32 s11, s5  }
.Ltmp2:
0x1d: {  	[tilespmem:v2+s7+$0x0] =	vst.idx.add.f32.msk $0xffff, v1;
	(pc) =	sbr.rel @p0 .LBB2_1-.Ltmp2, $4  }
0x1e: {  	[hbm4b:s4+s8] =	stream.strided.scatter [tilespmem:s7], [sflag:$0x2], $0x2780, s9, s8, $0x38;
	[tilespmem:$0x3B80] =	vst v63  }
0x1f: {  	_ =	swait.ge [sflag:s10], $0x2780  }
0x20: {  	[sflag:s10] =	ssyncset.done $0x0  }
0x21: {  	[sflag:s10] =	ssyncadd.s32 $0xFFFFD880  }
0x22: {  	_ =	sfence.sel $0x180000  }
0x23: {  	[bflag:$0x0] =	sbarrier.arrive $0xFFFF  }
0x24: {  	p0 =	sne.s32 s0, $0x0;
	_ =	strace $0x90000047  }
0x25: {  	s0 =	sadd.s32 @!p0 $0x100000, s1;
	[bflag:$0x2] =	sbarrier.arrive $0xFFFF  }
0x26: {  	[sflag:s0] =	ssyncadd.tile.s32 @!p0 $0x1;
	_ =	shalt  }
.Lfunc_end2:
_tile_overlayer_lowered:
.L_overlay_start_2:
0x27: {  	(tag) =	ssettag $0x2  }
0x28: {  	s0 =	rddreg [dreg:$0x0];
	s2 =	stileid.u32  }
0x29: {  	s1 =	rddreg [dreg:$0x1];
	p0 =	sne.s32 s2, $0x0  }
0x2a: {  	s3 =	rddreg [dreg:$0x2];
	[bflag:$0x3] =	sbarrier.arrive $0xFFFF;
	s2 =	simm.s32 @!p0 $0x1C02  }
0x2b: {  	[timem:s3], [sflag:s2] =	dma.local @!p0 [hbm:s0], s1  }
0x2c: {  	s0 =	simm.s32 @!p0 $0x2  }
0x2d: {  	_ =	swait.ge @!p0 [sflag:s0], s1  }
0x2e: {  	s1 =	ssub.s32 @!p0 $0x0, s1;
	[sflag:s0] =	ssyncset.done @!p0 $0x0  }
0x2f: {  	[sflag:s0] =	ssyncadd.s32 @!p0 s1  }
0x30: {  	[bflag:$0x3] =	sbarrier.arrive $0xFFFF  }
0x31: {  	_ =	shalt  }

</sc_bundles>
